<compile_context>
chip_gen: v7x
topology: tpu7x:2x2x1
jax: 0.10.2.dev20260603
libtpu: 0.0.44.dev20260713+nightly
codegen_flags: <defaults>
</compile_context>

<pallas_src>
import functools

import jax
import jax.numpy as jnp
import numpy as np
from jax import lax
from jax.experimental import pallas as pl
from jax.experimental.pallas import tpu as pltpu
from jax.experimental.pallas import tpu_sc as plsc

N_NODES = 10000
N_EDGES = 160000
N_GRAPHS = 256
EMB = 300
HALF = 150
HW = 152
N_LAYERS = 5
OUT_DIM = 2048

NP_NODES = 10240
NB = 20
BLK = 512
PBLK = 512

NSUB = 16
NCORE = 2
CHUNK = 80
LCH = 125
CCHUNK = 128
CCH = 40
C_PAD = 32 * CCH * CCHUNK - N_EDGES
TREP = 64
DUMP = NP_NODES - 1
SLAB = 640

@functools.lru_cache(maxsize=None)
def _sc_mesh():
    return plsc.VectorSubcoreMesh(core_axis_name="c", subcore_axis_name="s")


def _sc_counts_body(cat_hbm, dstp_hbm, table_hbm, zer_hbm, cpart_hbm,
                    idx_v, didx_v, rows_v, acc_sh, sem):
    c = lax.axis_index("c")
    s = lax.axis_index("s")
    w = c * NSUB + s
    pltpu.sync_copy(zer_hbm, acc_sh.at[pl.ds(s * SLAB, SLAB)])
    pltpu.sync_copy(cat_hbm.at[w], idx_v)
    pltpu.sync_copy(dstp_hbm.at[w], didx_v)
    plsc.subcore_barrier()

    def chunk(j, carry):
        pltpu.async_copy(table_hbm.at[idx_v.at[j]], rows_v, sem).wait()
        pltpu.sync_copy(rows_v, acc_sh.at[didx_v.at[j]], add=True)
        return carry

    lax.fori_loop(0, CCH, chunk, 0)
    plsc.subcore_barrier()
    pltpu.sync_copy(acc_sh.at[pl.ds(s * SLAB, SLAB)],
                    cpart_hbm.at[pl.ds(s * SLAB, SLAB), c])


def _sc_counts_call(catp, dstp, table, zer16):
    return pl.kernel(
        _sc_counts_body,
        out_type=jax.ShapeDtypeStruct((NP_NODES, NCORE, 16), jnp.float32),
        mesh=_sc_mesh(),
        scratch_types=[
            pltpu.VMEM((CCH, CCHUNK), jnp.int32),
            pltpu.VMEM((CCH, CCHUNK), jnp.int32),
            pltpu.VMEM((CCHUNK, 16), jnp.float32),
            pltpu.VMEM_SHARED((NP_NODES, 16), jnp.float32),
            pltpu.SemaphoreType.DMA,
        ],
        compiler_params=pltpu.CompilerParams(use_tc_tiling_on_sc=False),
    )(catp, dstp, table, zer16)


def _sc_layer_body(h2_hbm, src2_hbm, dst3_hbm, zer_hbm, agg_hbm,
                   src_v, dst_v, rows_v, acc_sh, sem):
    c = lax.axis_index("c")
    s = lax.axis_index("s")
    pltpu.sync_copy(zer_hbm, acc_sh.at[pl.ds(s * SLAB, SLAB)])
    pltpu.sync_copy(src2_hbm.at[c, s], src_v)
    pltpu.sync_copy(dst3_hbm.at[s], dst_v)
    plsc.subcore_barrier()

    def chunk(j, carry):
        pltpu.async_copy(h2_hbm.at[src_v.at[j]], rows_v, sem).wait()
        pltpu.sync_copy(rows_v, acc_sh.at[dst_v.at[j]], add=True)
        return carry

    lax.fori_loop(0, LCH, chunk, 0)
    plsc.subcore_barrier()
    pltpu.sync_copy(acc_sh.at[pl.ds(s * SLAB, SLAB)],
                    agg_hbm.at[c, pl.ds(s * SLAB, SLAB)])


def _sc_layer_call(h2, src2, dst3, zer):
    return pl.kernel(
        _sc_layer_body,
        out_type=jax.ShapeDtypeStruct((NCORE, NP_NODES, HW), jnp.float32),
        mesh=_sc_mesh(),
        scratch_types=[
            pltpu.VMEM((LCH, CHUNK), jnp.int32),
            pltpu.VMEM((LCH, CHUNK), jnp.int32),
            pltpu.VMEM((CHUNK, HW), jnp.float32),
            pltpu.VMEM_SHARED((NP_NODES, HW), jnp.float32),
            pltpu.SemaphoreType.DMA,
        ],
        compiler_params=pltpu.CompilerParams(use_tc_tiling_on_sc=False),
    )(h2, src2, dst3, zer)


def _t0_body(atom_ref, chir_ref, aemb_ref, cemb_ref, out_ref):
    a = atom_ref[0, 0, :]
    ch = chir_ref[0, 0, :]
    oa = (a[:, None] == lax.broadcasted_iota(jnp.int32, (BLK, 128), 1)
          ).astype(jnp.float32)
    oc = (ch[:, None] == lax.broadcasted_iota(jnp.int32, (BLK, 8), 1)
          ).astype(jnp.float32)
    h0 = (jnp.dot(oa, aemb_ref[...], preferred_element_type=jnp.float32)
          + jnp.dot(oc, cemb_ref[...], preferred_element_type=jnp.float32))
    z10 = jnp.zeros((BLK, HW - HALF), jnp.float32)
    out_ref[...] = jnp.stack([
        jnp.concatenate([h0[:, :HALF], z10], axis=1),
        jnp.concatenate([h0[:, HALF:], z10], axis=1),
    ])


def _t0_call(atom3, chir3, aembp, cembp):
    return pl.pallas_call(
        _t0_body,
        grid=(NB,),
        in_specs=[
            pl.BlockSpec((1, 1, BLK), lambda b: (b, 0, 0)),
            pl.BlockSpec((1, 1, BLK), lambda b: (b, 0, 0)),
            pl.BlockSpec((128, EMB), lambda b: (0, 0)),
            pl.BlockSpec((8, EMB), lambda b: (0, 0)),
        ],
        out_specs=pl.BlockSpec((NCORE, BLK, HW), lambda b: (0, b, 0)),
        out_shape=jax.ShapeDtypeStruct((NCORE, NP_NODES, HW), jnp.float32),
    )(atom3, chir3, aembp, cembp)


def _mlp_body(agg_ref, ccat_ref, e32_ref, w1_ref, b1_ref, w2_ref, b2_ref,
              out_ref, *, relu_out):
    x = jnp.concatenate([agg_ref[0, :, :HALF], agg_ref[1, :, :HALF]], axis=1)
    x = x + jnp.dot(ccat_ref[...], e32_ref[...],
                    preferred_element_type=jnp.float32)
    y = jnp.dot(x, w1_ref[...], preferred_element_type=jnp.float32)
    y = jnp.maximum(y + b1_ref[...], 0.0)
    h = jnp.dot(y, w2_ref[...], preferred_element_type=jnp.float32)
    h = h + b2_ref[...]
    if relu_out:
        h = jnp.maximum(h, 0.0)
    z10 = jnp.zeros((BLK, HW - HALF), jnp.float32)
    out_ref[...] = jnp.stack([
        jnp.concatenate([h[:, :HALF], z10], axis=1),
        jnp.concatenate([h[:, HALF:], z10], axis=1),
    ])


def _mlp_call(agg, ccat, e32, w1, b1r, w2, b2r, relu_out):
    return pl.pallas_call(
        functools.partial(_mlp_body, relu_out=relu_out),
        grid=(NB,),
        in_specs=[
            pl.BlockSpec((NCORE, BLK, HW), lambda b: (0, b, 0)),
            pl.BlockSpec((BLK, 32), lambda b: (b, 0)),
            pl.BlockSpec((32, EMB), lambda b: (0, 0)),
            pl.BlockSpec((EMB, 2 * EMB), lambda b: (0, 0)),
            pl.BlockSpec((1, 2 * EMB), lambda b: (0, 0)),
            pl.BlockSpec((2 * EMB, EMB), lambda b: (0, 0)),
            pl.BlockSpec((1, EMB), lambda b: (0, 0)),
        ],
        out_specs=pl.BlockSpec((NCORE, BLK, HW), lambda b: (0, b, 0)),
        out_shape=jax.ShapeDtypeStruct((NCORE, NP_NODES, HW), jnp.float32),
    )(agg, ccat, e32, w1, b1r, w2, b2r)


def _fin_body(agg_ref, ccat_ref, e32_ref, w1_ref, b1_ref, w2_ref, b2_ref,
              gid_ref, whead_ref, bhead_ref, out_ref, acc_ref):
    b = pl.program_id(0)

    @pl.when(b == 0)
    def _():
        acc_ref[...] = jnp.zeros_like(acc_ref)

    x = jnp.concatenate([agg_ref[0, :, :HALF], agg_ref[1, :, :HALF]], axis=1)
    x = x + jnp.dot(ccat_ref[...], e32_ref[...],
                    preferred_element_type=jnp.float32)
    y = jnp.dot(x, w1_ref[...], preferred_element_type=jnp.float32)
    y = jnp.maximum(y + b1_ref[...], 0.0)
    h = jnp.dot(y, w2_ref[...], preferred_element_type=jnp.float32)
    h = h + b2_ref[...]
    g = gid_ref[0, 0, :]
    G = (g[:, None] == lax.broadcasted_iota(jnp.int32, (BLK, N_GRAPHS), 1)
         ).astype(jnp.float32)
    hx = jnp.concatenate([h, jnp.ones((BLK, 8), jnp.float32)], axis=1)
    acc_ref[...] += lax.dot_general(G, hx, (((0,), (0,)), ((), ())),
                                    preferred_element_type=jnp.float32)

    @pl.when(b == NB - 1)
    def _():
        sums = acc_ref[:, :EMB]
        cnt = acc_ref[:, EMB:EMB + 1]
        z = sums / jnp.maximum(cnt, 1.0)
        out_ref[...] = (jnp.dot(z, whead_ref[...],
                                preferred_element_type=jnp.float32)
                        + bhead_ref[...])


def _fin_call(agg, ccat, e32, w1, b1r, w2, b2r, gid3, whead, bhead2):
    return pl.pallas_call(
        _fin_body,
        grid=(NB,),
        in_specs=[
            pl.BlockSpec((NCORE, BLK, HW), lambda b: (0, b, 0)),
            pl.BlockSpec((BLK, 32), lambda b: (b, 0)),
            pl.BlockSpec((32, EMB), lambda b: (0, 0)),
            pl.BlockSpec((EMB, 2 * EMB), lambda b: (0, 0)),
            pl.BlockSpec((1, 2 * EMB), lambda b: (0, 0)),
            pl.BlockSpec((2 * EMB, EMB), lambda b: (0, 0)),
            pl.BlockSpec((1, EMB), lambda b: (0, 0)),
            pl.BlockSpec((1, 1, BLK), lambda b: (b, 0, 0)),
            pl.BlockSpec((EMB, OUT_DIM), lambda b: (0, 0)),
            pl.BlockSpec((1, OUT_DIM), lambda b: (0, 0)),
        ],
        out_specs=pl.BlockSpec((N_GRAPHS, OUT_DIM), lambda b: (0, 0)),
        out_shape=jax.ShapeDtypeStruct((N_GRAPHS, OUT_DIM), jnp.float32),
        scratch_shapes=[pltpu.VMEM((N_GRAPHS, EMB + 8), jnp.float32)],
    )(agg, ccat, e32, w1, b1r, w2, b2r, gid3, whead, bhead2)


_ONEHOT_TABLE = np.zeros((24, 16), np.float32)
for _r in range(18):
    _ONEHOT_TABLE[_r, _r // 3] = 1.0
    _ONEHOT_TABLE[_r, 6 + _r % 3] = 1.0


def kernel(atom_idx, chir_idx, edge_index, bond_idx, dir_idx, graph_ids,
           atom_emb, chir_emb, bond_embs, dir_embs,
           W1s, b1s, W2s, b2s, gammas, betas, bn_means, bn_vars,
           W_head, b_head):
    f32 = jnp.float32
    i32 = jnp.int32

    src = edge_index[0].astype(i32)
    dst = edge_index[1].astype(i32)
    src3 = src.reshape(NSUB, LCH, CHUNK)
    src2 = jnp.stack([src3, src3 + NP_NODES])
    dst3 = dst.reshape(NSUB, LCH, CHUNK)
    cat = (bond_idx.astype(i32) * 3 + dir_idx.astype(i32))
    catp = jnp.concatenate([cat, jnp.full((C_PAD,), 18, i32)])
    catp = catp + 24 * (jnp.arange(catp.shape[0], dtype=i32) % TREP)
    catp = catp.reshape(32, CCH, CCHUNK)
    dstp = jnp.concatenate(
        [dst, jnp.full((C_PAD,), DUMP, i32)]).reshape(32, CCH, CCHUNK)
    atom3 = jnp.concatenate(
        [atom_idx.astype(i32), jnp.zeros((NP_NODES - N_NODES,), i32)]
    ).reshape(NB, 1, BLK)
    chir3 = jnp.concatenate(
        [chir_idx.astype(i32), jnp.zeros((NP_NODES - N_NODES,), i32)]
    ).reshape(NB, 1, BLK)
    gid3 = jnp.concatenate(
        [graph_ids.astype(i32),
         jnp.full((NP_NODES - N_NODES,), N_GRAPHS, i32)]).reshape(NB, 1, PBLK)

    aembp = jnp.concatenate([atom_emb.astype(f32),
                             jnp.zeros((8, EMB), f32)], axis=0)
    cembp = jnp.concatenate([chir_emb.astype(f32),
                             jnp.zeros((5, EMB), f32)], axis=0)
    z7 = jnp.zeros((N_LAYERS, 7, EMB), f32)
    e32s = jnp.concatenate(
        [bond_embs, dir_embs, z7, bond_embs, dir_embs, z7], axis=1)
    scale = gammas / jnp.sqrt(bn_vars + 1e-5)
    shift = betas - bn_means * scale
    w2p = W2s * scale[:, None, :]
    b2p = (b2s * scale + shift).reshape(N_LAYERS, 1, EMB)
    b1r = b1s.reshape(N_LAYERS, 1, 2 * EMB)
    bhead2 = b_head.reshape(1, OUT_DIM)

    table = jnp.asarray(np.tile(_ONEHOT_TABLE, (TREP, 1)))
    zer16 = jnp.zeros((SLAB, 16), f32)
    zer = jnp.zeros((SLAB, HW), f32)

    cpart = _sc_counts_call(catp, dstp, table, zer16)
    ccat = cpart.reshape(NP_NODES, 32)
    h2 = _t0_call(atom3, chir3, aembp, cembp)
    for l in range(N_LAYERS - 1):
        agg = _sc_layer_call(h2.reshape(NCORE * NP_NODES, HW), src2, dst3, zer)
        h2 = _mlp_call(agg, ccat, e32s[l], W1s[l], b1r[l], w2p[l], b2p[l],
                       relu_out=True)
    agg = _sc_layer_call(h2.reshape(NCORE * NP_NODES, HW), src2, dst3, zer)
    l = N_LAYERS - 1
    return _fin_call(agg, ccat, e32s[l], W1s[l], b1r[l], w2p[l], b2p[l],
                     gid3, W_head, bhead2)

# --- scband reference (transcript-rebuilt; emitter-appended) ---
"""Pipeline reference for scband-ginpretrained-with-linear-head-37761352466963 (READ-ONLY COPY).

The authoritative reference and input builder live on the scoring server;
editing this copy changes nothing except your own understanding.
"""

import jax, jax.numpy as jnp
import numpy as np

N_NODES = 10000
N_EDGES = 160000
N_GRAPHS = 256
EMB = 300
N_LAYERS = 5
OUT_DIM = 2048


def setup_inputs(seed: int = 0) -> dict:
    key = jax.random.key(seed)
    ks = jax.random.split(key, 24)
    s = 0.1
    inp = {}
    inp['atom_idx'] = jax.random.randint(ks[0], (N_NODES,), 0, 120)
    inp['chir_idx'] = jax.random.randint(ks[1], (N_NODES,), 0, 3)
    inp['edge_index'] = jax.random.randint(ks[2], (2, N_EDGES), 0, N_NODES)
    inp['bond_idx'] = jax.random.randint(ks[3], (N_EDGES,), 0, 6)
    inp['dir_idx'] = jax.random.randint(ks[4], (N_EDGES,), 0, 3)
    inp['graph_ids'] = jnp.sort(jax.random.randint(ks[5], (N_NODES,), 0, N_GRAPHS))
    inp['atom_emb'] = jax.random.normal(ks[6], (120, EMB), dtype=jnp.float32) * s
    inp['chir_emb'] = jax.random.normal(ks[7], (3, EMB), dtype=jnp.float32) * s
    inp['bond_embs'] = jax.random.normal(ks[8], (N_LAYERS, 6, EMB), dtype=jnp.float32) * s
    inp['dir_embs'] = jax.random.normal(ks[9], (N_LAYERS, 3, EMB), dtype=jnp.float32) * s
    inp['W1s'] = jax.random.normal(ks[10], (N_LAYERS, EMB, 2 * EMB), dtype=jnp.float32) * s
    inp['b1s'] = jax.random.normal(ks[11], (N_LAYERS, 2 * EMB), dtype=jnp.float32) * s
    inp['W2s'] = jax.random.normal(ks[12], (N_LAYERS, 2 * EMB, EMB), dtype=jnp.float32) * s
    inp['b2s'] = jax.random.normal(ks[13], (N_LAYERS, EMB), dtype=jnp.float32) * s
    inp['gammas'] = jnp.ones((N_LAYERS, EMB), dtype=jnp.float32)
    inp['betas'] = jnp.zeros((N_LAYERS, EMB), dtype=jnp.float32)
    inp['bn_means'] = jnp.zeros((N_LAYERS, EMB), dtype=jnp.float32)
    inp['bn_vars'] = jnp.ones((N_LAYERS, EMB), dtype=jnp.float32)
    inp['W_head'] = jax.random.normal(ks[14], (EMB, OUT_DIM), dtype=jnp.float32) * s
    inp['b_head'] = jax.random.normal(ks[15], (OUT_DIM,), dtype=jnp.float32) * s
    return inp


def reference(atom_idx, chir_idx, edge_index, bond_idx, dir_idx, graph_ids,
              atom_emb, chir_emb, bond_embs, dir_embs,
              W1s, b1s, W2s, b2s, gammas, betas, bn_means, bn_vars,
              W_head, b_head):
    # dgllife GIN (pretrain-gnns) encoder, eval mode, JK='last'
    src = edge_index[0]
    dst = edge_index[1]
    # input node embedding: sum of categorical embeddings (atom type + chirality)
    h = atom_emb[atom_idx] + chir_emb[chir_idx]
    for l in range(N_LAYERS):
        # per-layer categorical edge embeddings (bond type + bond direction)
        e = bond_embs[l][bond_idx] + dir_embs[l][dir_idx]
        # message: u_add_e; aggregate: sum over incoming edges (scatter-add)
        m = h[src] + e
        agg = jax.ops.segment_sum(m, dst, num_segments=N_NODES)
        # GIN apply function: MLP(emb -> 2*emb -> emb)
        h2 = agg @ W1s[l] + b1s[l]
        h2 = jax.nn.relu(h2)
        h2 = h2 @ W2s[l] + b2s[l]
        # batch norm (eval mode: running stats)
        h2 = (h2 - bn_means[l]) / jnp.sqrt(bn_vars[l] + 1e-5) * gammas[l] + betas[l]
        if l < N_LAYERS - 1:
            h2 = jax.nn.relu(h2)
        h = h2
    # AvgPooling: per-graph mean over nodes (segment mean)
    sums = jax.ops.segment_sum(h, graph_ids, num_segments=N_GRAPHS)
    ones = jnp.ones((h.shape[0], 1), dtype=h.dtype)
    counts = jax.ops.segment_sum(ones, graph_ids, num_segments=N_GRAPHS)
    z = sums / jnp.maximum(counts, 1.0)
    # linear head
    z = z @ W_head + b_head
    return z

if __name__ == "__main__":
    import jax
    _d = setup_inputs()
    print(jax.jit(kernel)(*tuple(_d.values())))

</pallas_src>

<mosaic_0001>
#map = affine_map<(d0, d1) -> (0, 0)>
#map1 = affine_map<(d0, d1) -> (0, 0, 0, 0)>
#map2 = affine_map<(d0, d1) -> (0, 0, 0)>
module attributes {stable_mosaic.version = 14 : i64} {
  func.func @_sc_layer_body(%arg0: i32, %arg1: i32, %arg2: memref<20480x152xf32, #tpu.memory_space<hbm>>, %arg3: memref<2x16x125x80xi32, #tpu.memory_space<hbm>>, %arg4: memref<16x125x80xi32, #tpu.memory_space<hbm>>, %arg5: memref<640x152xf32, #tpu.memory_space<hbm>>, %arg6: memref<2x10240x152xf32, #tpu.memory_space<hbm>>, %arg7: memref<125x80xi32, #tpu.memory_space<vmem>>, %arg8: memref<125x80xi32, #tpu.memory_space<vmem>>, %arg9: memref<80x152xf32, #tpu.memory_space<vmem>>, %arg10: memref<10240x152xf32, #tpu.memory_space<vmem_shared>>, %arg11: memref<!tpu.dma_semaphore, #tpu.memory_space<semaphore_mem>>) attributes {dimension_semantics = [#tpu.dimension_semantics<core_parallel>, #tpu.dimension_semantics<subcore_parallel>], iteration_bounds = array<i64: 2, 16>, scalar_prefetch = 0 : i64, scratch_operands = 5 : i64, tpu.core_type = #tpu.core_type<sc_vector_subcore>, window_params = [{transform_indices = #map}, {transform_indices = #map1}, {transform_indices = #map2}, {transform_indices = #map}, {transform_indices = #map2}]} {
    %mul3A = arith.constant 640 : i32
    %mul3A_0 = arith.muli %arg1, %mul3A : i32
    "tpu.region"() ({
      %run_scoped3A = tpu.sem_alloc : memref<!tpu.dma_semaphore, #tpu.memory_space<semaphore_mem>>
      %dma_start3A = arith.constant 0 : i32
      %dma_start3A_11 = tpu.memref_slice %arg10[%mul3A_0, %dma_start3A] : memref<10240x152xf32, #tpu.memory_space<vmem_shared>> -> memref<640x152xf32, #tpu.memory_space<vmem_shared>>
      tpu.enqueue_dma source(%arg5 : memref<640x152xf32, #tpu.memory_space<hbm>>) target(%dma_start3A_11 : memref<640x152xf32, #tpu.memory_space<vmem_shared>>) target_semaphore(%run_scoped3A : memref<!tpu.dma_semaphore, #tpu.memory_space<semaphore_mem>>)
      %dma_wait3A = arith.constant 0 : i32
      %dma_wait3A_12 = tpu.memref_slice %arg10[%mul3A_0, %dma_wait3A] : memref<10240x152xf32, #tpu.memory_space<vmem_shared>> -> memref<640x152xf32, #tpu.memory_space<vmem_shared>>
      tpu.wait_dma2 semaphore(%run_scoped3A : memref<!tpu.dma_semaphore, #tpu.memory_space<semaphore_mem>>) src(%arg5 : memref<640x152xf32, #tpu.memory_space<hbm>>) dst(%dma_wait3A_12 : memref<640x152xf32, #tpu.memory_space<vmem_shared>>)
      tpu.yield
    }) : () -> ()
    "tpu.region"() ({
      %run_scoped3A = tpu.sem_alloc : memref<!tpu.dma_semaphore, #tpu.memory_space<semaphore_mem>>
      %dma_start3A = arith.constant 0 : i32
      %dma_start3A_11 = arith.constant 0 : i32
      %dma_start3A_12 = tpu.memref_slice %arg3[%arg0, %arg1, %dma_start3A, %dma_start3A_11] : memref<2x16x125x80xi32, #tpu.memory_space<hbm>> -> memref<1x1x125x80xi32, #tpu.memory_space<hbm>>
      %dma_start3A_13 = tpu.memref_squeeze %dma_start3A_12 : memref<1x1x125x80xi32, #tpu.memory_space<hbm>> -> memref<125x80xi32, #tpu.memory_space<hbm>>
      %dma_start3A_14 = arith.constant 0 : i32
      %dma_start3A_15 = arith.constant 0 : i32
      %dma_start3A_16 = tpu.memref_slice %arg3[%arg0, %arg1, %dma_start3A_14, %dma_start3A_15] : memref<2x16x125x80xi32, #tpu.memory_space<hbm>> -> memref<1x1x125x80xi32, #tpu.memory_space<hbm>>
      %dma_start3A_17 = tpu.memref_squeeze %dma_start3A_16 : memref<1x1x125x80xi32, #tpu.memory_space<hbm>> -> memref<125x80xi32, #tpu.memory_space<hbm>>
      tpu.enqueue_dma source(%dma_start3A_17 : memref<125x80xi32, #tpu.memory_space<hbm>>) target(%arg7 : memref<125x80xi32, #tpu.memory_space<vmem>>) target_semaphore(%run_scoped3A : memref<!tpu.dma_semaphore, #tpu.memory_space<semaphore_mem>>)
      %dma_wait3A = arith.constant 0 : i32
      %dma_wait3A_18 = arith.constant 0 : i32
      %dma_wait3A_19 = tpu.memref_slice %arg3[%arg0, %arg1, %dma_wait3A, %dma_wait3A_18] : memref<2x16x125x80xi32, #tpu.memory_space<hbm>> -> memref<1x1x125x80xi32, #tpu.memory_space<hbm>>
      %dma_wait3A_20 = tpu.memref_squeeze %dma_wait3A_19 : memref<1x1x125x80xi32, #tpu.memory_space<hbm>> -> memref<125x80xi32, #tpu.memory_space<hbm>>
      %dma_wait3A_21 = arith.constant 0 : i32
      %dma_wait3A_22 = arith.constant 0 : i32
      %dma_wait3A_23 = tpu.memref_slice %arg3[%arg0, %arg1, %dma_wait3A_21, %dma_wait3A_22] : memref<2x16x125x80xi32, #tpu.memory_space<hbm>> -> memref<1x1x125x80xi32, #tpu.memory_space<hbm>>
      %dma_wait3A_24 = tpu.memref_squeeze %dma_wait3A_23 : memref<1x1x125x80xi32, #tpu.memory_space<hbm>> -> memref<125x80xi32, #tpu.memory_space<hbm>>
      tpu.wait_dma2 semaphore(%run_scoped3A : memref<!tpu.dma_semaphore, #tpu.memory_space<semaphore_mem>>) src(%dma_wait3A_24 : memref<125x80xi32, #tpu.memory_space<hbm>>) dst(%arg7 : memref<125x80xi32, #tpu.memory_space<vmem>>)
      tpu.yield
    }) : () -> ()
    "tpu.region"() ({
      %run_scoped3A = tpu.sem_alloc : memref<!tpu.dma_semaphore, #tpu.memory_space<semaphore_mem>>
      %dma_start3A = arith.constant 0 : i32
      %dma_start3A_11 = arith.constant 0 : i32
      %dma_start3A_12 = tpu.memref_slice %arg4[%arg1, %dma_start3A, %dma_start3A_11] : memref<16x125x80xi32, #tpu.memory_space<hbm>> -> memref<1x125x80xi32, #tpu.memory_space<hbm>>
      %dma_start3A_13 = tpu.memref_squeeze %dma_start3A_12 : memref<1x125x80xi32, #tpu.memory_space<hbm>> -> memref<125x80xi32, #tpu.memory_space<hbm>>
      %dma_start3A_14 = arith.constant 0 : i32
      %dma_start3A_15 = arith.constant 0 : i32
      %dma_start3A_16 = tpu.memref_slice %arg4[%arg1, %dma_start3A_14, %dma_start3A_15] : memref<16x125x80xi32, #tpu.memory_space<hbm>> -> memref<1x125x80xi32, #tpu.memory_space<hbm>>
      %dma_start3A_17 = tpu.memref_squeeze %dma_start3A_16 : memref<1x125x80xi32, #tpu.memory_space<hbm>> -> memref<125x80xi32, #tpu.memory_space<hbm>>
      tpu.enqueue_dma source(%dma_start3A_17 : memref<125x80xi32, #tpu.memory_space<hbm>>) target(%arg8 : memref<125x80xi32, #tpu.memory_space<vmem>>) target_semaphore(%run_scoped3A : memref<!tpu.dma_semaphore, #tpu.memory_space<semaphore_mem>>)
      %dma_wait3A = arith.constant 0 : i32
      %dma_wait3A_18 = arith.constant 0 : i32
      %dma_wait3A_19 = tpu.memref_slice %arg4[%arg1, %dma_wait3A, %dma_wait3A_18] : memref<16x125x80xi32, #tpu.memory_space<hbm>> -> memref<1x125x80xi32, #tpu.memory_space<hbm>>
      %dma_wait3A_20 = tpu.memref_squeeze %dma_wait3A_19 : memref<1x125x80xi32, #tpu.memory_space<hbm>> -> memref<125x80xi32, #tpu.memory_space<hbm>>
      %dma_wait3A_21 = arith.constant 0 : i32
      %dma_wait3A_22 = arith.constant 0 : i32
      %dma_wait3A_23 = tpu.memref_slice %arg4[%arg1, %dma_wait3A_21, %dma_wait3A_22] : memref<16x125x80xi32, #tpu.memory_space<hbm>> -> memref<1x125x80xi32, #tpu.memory_space<hbm>>
      %dma_wait3A_24 = tpu.memref_squeeze %dma_wait3A_23 : memref<1x125x80xi32, #tpu.memory_space<hbm>> -> memref<125x80xi32, #tpu.memory_space<hbm>>
      tpu.wait_dma2 semaphore(%run_scoped3A : memref<!tpu.dma_semaphore, #tpu.memory_space<semaphore_mem>>) src(%dma_wait3A_24 : memref<125x80xi32, #tpu.memory_space<hbm>>) dst(%arg8 : memref<125x80xi32, #tpu.memory_space<vmem>>)
      tpu.yield
    }) : () -> ()
    %barrier3A = arith.constant 0 : index
    tpu.barrier barrier_id(%barrier3A)
    %scan3A = arith.constant 0 : i32
    %scan3A_1 = arith.constant 0 : i32
    %scan3A_2 = arith.constant 125 : i32
    %scan3A_3 = arith.addi %scan3A_1, %scan3A_2 : i32
    %scan3A_4 = arith.constant 1 : i32
    scf.for %scan3A_11 = %scan3A_1 to %scan3A_3 step %scan3A_4  : i32 {
      %dma_start3A = arith.constant 0 : i32
      %dma_start3A_12 = tpu.memref_slice %arg7[%scan3A_11, %dma_start3A] : memref<125x80xi32, #tpu.memory_space<vmem>> -> memref<1x80xi32, #tpu.memory_space<vmem>>
      %dma_start3A_13 = tpu.memref_squeeze %dma_start3A_12 : memref<1x80xi32, #tpu.memory_space<vmem>> -> memref<80xi32, #tpu.memory_space<vmem>>
      %dma_start3A_14 = arith.constant 0 : i32
      %dma_start3A_15 = arith.constant 0 : i32
      %dma_start3A_16 = tpu.memref_slice %arg2[%dma_start3A_14, %dma_start3A_15] : memref<20480x152xf32, #tpu.memory_space<hbm>> -> memref<20480x152xf32, #tpu.memory_space<hbm>>
      tpu.enqueue_indirect_dma source(%dma_start3A_16 : memref<20480x152xf32, #tpu.memory_space<hbm>>) target(%arg9 : memref<80x152xf32, #tpu.memory_space<vmem>>) offsets(%dma_start3A_13 : memref<80xi32, #tpu.memory_space<vmem>>) semaphore(%arg11 : memref<!tpu.dma_semaphore, #tpu.memory_space<semaphore_mem>>)
      %dma_wait3A = arith.constant 0 : i32
      %dma_wait3A_17 = tpu.memref_slice %arg7[%scan3A_11, %dma_wait3A] : memref<125x80xi32, #tpu.memory_space<vmem>> -> memref<1x80xi32, #tpu.memory_space<vmem>>
      %dma_wait3A_18 = tpu.memref_squeeze %dma_wait3A_17 : memref<1x80xi32, #tpu.memory_space<vmem>> -> memref<80xi32, #tpu.memory_space<vmem>>
      %dma_wait3A_19 = arith.constant 0 : i32
      %dma_wait3A_20 = arith.constant 0 : i32
      %dma_wait3A_21 = tpu.memref_slice %arg2[%dma_wait3A_19, %dma_wait3A_20] : memref<20480x152xf32, #tpu.memory_space<hbm>> -> memref<20480x152xf32, #tpu.memory_space<hbm>>
      tpu.wait_indirect_dma semaphore(%arg11 : memref<!tpu.dma_semaphore, #tpu.memory_space<semaphore_mem>>) src(%dma_wait3A_21 : memref<20480x152xf32, #tpu.memory_space<hbm>>) dst(%arg9 : memref<80x152xf32, #tpu.memory_space<vmem>>)
      "tpu.region"() ({
        %run_scoped3A = tpu.sem_alloc : memref<!tpu.dma_semaphore, #tpu.memory_space<semaphore_mem>>
        %dma_start3A_22 = arith.constant 0 : i32
        %dma_start3A_23 = tpu.memref_slice %arg8[%scan3A_11, %dma_start3A_22] : memref<125x80xi32, #tpu.memory_space<vmem>> -> memref<1x80xi32, #tpu.memory_space<vmem>>
        %dma_start3A_24 = tpu.memref_squeeze %dma_start3A_23 : memref<1x80xi32, #tpu.memory_space<vmem>> -> memref<80xi32, #tpu.memory_space<vmem>>
        %dma_start3A_25 = arith.constant 0 : i32
        %dma_start3A_26 = arith.constant 0 : i32
        %dma_start3A_27 = tpu.memref_slice %arg10[%dma_start3A_25, %dma_start3A_26] : memref<10240x152xf32, #tpu.memory_space<vmem_shared>> -> memref<10240x152xf32, #tpu.memory_space<vmem_shared>>
        tpu.enqueue_indirect_dma source(%arg9 : memref<80x152xf32, #tpu.memory_space<vmem>>) target(%dma_start3A_27 : memref<10240x152xf32, #tpu.memory_space<vmem_shared>>) offsets(%dma_start3A_24 : memref<80xi32, #tpu.memory_space<vmem>>) semaphore(%run_scoped3A : memref<!tpu.dma_semaphore, #tpu.memory_space<semaphore_mem>>) {add = true}
        %dma_wait3A_28 = arith.constant 0 : i32
        %dma_wait3A_29 = tpu.memref_slice %arg8[%scan3A_11, %dma_wait3A_28] : memref<125x80xi32, #tpu.memory_space<vmem>> -> memref<1x80xi32, #tpu.memory_space<vmem>>
        %dma_wait3A_30 = tpu.memref_squeeze %dma_wait3A_29 : memref<1x80xi32, #tpu.memory_space<vmem>> -> memref<80xi32, #tpu.memory_space<vmem>>
        %dma_wait3A_31 = arith.constant 0 : i32
        %dma_wait3A_32 = arith.constant 0 : i32
        %dma_wait3A_33 = tpu.memref_slice %arg10[%dma_wait3A_31, %dma_wait3A_32] : memref<10240x152xf32, #tpu.memory_space<vmem_shared>> -> memref<10240x152xf32, #tpu.memory_space<vmem_shared>>
        tpu.wait_indirect_dma semaphore(%run_scoped3A : memref<!tpu.dma_semaphore, #tpu.memory_space<semaphore_mem>>) src(%arg9 : memref<80x152xf32, #tpu.memory_space<vmem>>) dst(%dma_wait3A_33 : memref<10240x152xf32, #tpu.memory_space<vmem_shared>>)
        tpu.yield
      }) : () -> ()
    }
    %scan3A_5 = arith.constant 125 : i32
    %barrier3A_6 = arith.constant 0 : index
    tpu.barrier barrier_id(%barrier3A_6)
    %mul3A_7 = arith.constant 640 : i32
    %mul3A_8 = arith.muli %arg1, %mul3A_7 : i32
    %mul3A_9 = arith.constant 640 : i32
    %mul3A_10 = arith.muli %arg1, %mul3A_9 : i32
    "tpu.region"() ({
      %run_scoped3A = tpu.sem_alloc : memref<!tpu.dma_semaphore, #tpu.memory_space<semaphore_mem>>
      %dma_start3A = arith.constant 0 : i32
      %dma_start3A_11 = tpu.memref_slice %arg6[%arg0, %mul3A_10, %dma_start3A] : memref<2x10240x152xf32, #tpu.memory_space<hbm>> -> memref<1x640x152xf32, #tpu.memory_space<hbm>>
      %dma_start3A_12 = tpu.memref_squeeze %dma_start3A_11 : memref<1x640x152xf32, #tpu.memory_space<hbm>> -> memref<640x152xf32, #tpu.memory_space<hbm>>
      %dma_start3A_13 = arith.constant 0 : i32
      %dma_start3A_14 = tpu.memref_slice %arg10[%mul3A_8, %dma_start3A_13] : memref<10240x152xf32, #tpu.memory_space<vmem_shared>> -> memref<640x152xf32, #tpu.memory_space<vmem_shared>>
      tpu.enqueue_dma source(%dma_start3A_14 : memref<640x152xf32, #tpu.memory_space<vmem_shared>>) target(%dma_start3A_12 : memref<640x152xf32, #tpu.memory_space<hbm>>) target_semaphore(%run_scoped3A : memref<!tpu.dma_semaphore, #tpu.memory_space<semaphore_mem>>)
      %dma_wait3A = arith.constant 0 : i32
      %dma_wait3A_15 = tpu.memref_slice %arg6[%arg0, %mul3A_10, %dma_wait3A] : memref<2x10240x152xf32, #tpu.memory_space<hbm>> -> memref<1x640x152xf32, #tpu.memory_space<hbm>>
      %dma_wait3A_16 = tpu.memref_squeeze %dma_wait3A_15 : memref<1x640x152xf32, #tpu.memory_space<hbm>> -> memref<640x152xf32, #tpu.memory_space<hbm>>
      %dma_wait3A_17 = arith.constant 0 : i32
      %dma_wait3A_18 = tpu.memref_slice %arg10[%mul3A_8, %dma_wait3A_17] : memref<10240x152xf32, #tpu.memory_space<vmem_shared>> -> memref<640x152xf32, #tpu.memory_space<vmem_shared>>
      tpu.wait_dma2 semaphore(%run_scoped3A : memref<!tpu.dma_semaphore, #tpu.memory_space<semaphore_mem>>) src(%dma_wait3A_18 : memref<640x152xf32, #tpu.memory_space<vmem_shared>>) dst(%dma_wait3A_16 : memref<640x152xf32, #tpu.memory_space<hbm>>)
      tpu.yield
    }) : () -> ()
    return
  }
}

#map = affine_map<(d0, d1) -> (0, 0, 0)>
#map1 = affine_map<(d0, d1) -> (0, 0)>
module attributes {stable_mosaic.version = 14 : i64} {
  func.func @_sc_counts_body(%arg0: i32, %arg1: i32, %arg2: memref<32x40x128xi32, #tpu.memory_space<hbm>>, %arg3: memref<32x40x128xi32, #tpu.memory_space<hbm>>, %arg4: memref<1536x16xf32, #tpu.memory_space<hbm>>, %arg5: memref<640x16xf32, #tpu.memory_space<hbm>>, %arg6: memref<10240x2x16xf32, #tpu.memory_space<hbm>>, %arg7: memref<40x128xi32, #tpu.memory_space<vmem>>, %arg8: memref<40x128xi32, #tpu.memory_space<vmem>>, %arg9: memref<128x16xf32, #tpu.memory_space<vmem>>, %arg10: memref<10240x16xf32, #tpu.memory_space<vmem_shared>>, %arg11: memref<!tpu.dma_semaphore, #tpu.memory_space<semaphore_mem>>) attributes {dimension_semantics = [#tpu.dimension_semantics<core_parallel>, #tpu.dimension_semantics<subcore_parallel>], iteration_bounds = array<i64: 2, 16>, scalar_prefetch = 0 : i64, scratch_operands = 5 : i64, tpu.core_type = #tpu.core_type<sc_vector_subcore>, window_params = [{transform_indices = #map}, {transform_indices = #map}, {transform_indices = #map1}, {transform_indices = #map1}, {transform_indices = #map}]} {
    %mul3A = arith.constant 16 : i32
    %mul3A_0 = arith.muli %arg0, %mul3A : i32
    %add3A = arith.addi %mul3A_0, %arg1 : i32
    %mul3A_1 = arith.constant 640 : i32
    %mul3A_2 = arith.muli %arg1, %mul3A_1 : i32
    "tpu.region"() ({
      %run_scoped3A = tpu.sem_alloc : memref<!tpu.dma_semaphore, #tpu.memory_space<semaphore_mem>>
      %dma_start3A = arith.constant 0 : i32
      %dma_start3A_13 = tpu.memref_slice %arg10[%mul3A_2, %dma_start3A] : memref<10240x16xf32, #tpu.memory_space<vmem_shared>> -> memref<640x16xf32, #tpu.memory_space<vmem_shared>>
      tpu.enqueue_dma source(%arg5 : memref<640x16xf32, #tpu.memory_space<hbm>>) target(%dma_start3A_13 : memref<640x16xf32, #tpu.memory_space<vmem_shared>>) target_semaphore(%run_scoped3A : memref<!tpu.dma_semaphore, #tpu.memory_space<semaphore_mem>>)
      %dma_wait3A = arith.constant 0 : i32
      %dma_wait3A_14 = tpu.memref_slice %arg10[%mul3A_2, %dma_wait3A] : memref<10240x16xf32, #tpu.memory_space<vmem_shared>> -> memref<640x16xf32, #tpu.memory_space<vmem_shared>>
      tpu.wait_dma2 semaphore(%run_scoped3A : memref<!tpu.dma_semaphore, #tpu.memory_space<semaphore_mem>>) src(%arg5 : memref<640x16xf32, #tpu.memory_space<hbm>>) dst(%dma_wait3A_14 : memref<640x16xf32, #tpu.memory_space<vmem_shared>>)
      tpu.yield
    }) : () -> ()
    "tpu.region"() ({
      %run_scoped3A = tpu.sem_alloc : memref<!tpu.dma_semaphore, #tpu.memory_space<semaphore_mem>>
      %dma_start3A = arith.constant 0 : i32
      %dma_start3A_13 = arith.constant 0 : i32
      %dma_start3A_14 = tpu.memref_slice %arg2[%add3A, %dma_start3A, %dma_start3A_13] : memref<32x40x128xi32, #tpu.memory_space<hbm>> -> memref<1x40x128xi32, #tpu.memory_space<hbm>>
      %dma_start3A_15 = tpu.memref_squeeze %dma_start3A_14 : memref<1x40x128xi32, #tpu.memory_space<hbm>> -> memref<40x128xi32, #tpu.memory_space<hbm>>
      %dma_start3A_16 = arith.constant 0 : i32
      %dma_start3A_17 = arith.constant 0 : i32
      %dma_start3A_18 = tpu.memref_slice %arg2[%add3A, %dma_start3A_16, %dma_start3A_17] : memref<32x40x128xi32, #tpu.memory_space<hbm>> -> memref<1x40x128xi32, #tpu.memory_space<hbm>>
      %dma_start3A_19 = tpu.memref_squeeze %dma_start3A_18 : memref<1x40x128xi32, #tpu.memory_space<hbm>> -> memref<40x128xi32, #tpu.memory_space<hbm>>
      tpu.enqueue_dma source(%dma_start3A_19 : memref<40x128xi32, #tpu.memory_space<hbm>>) target(%arg7 : memref<40x128xi32, #tpu.memory_space<vmem>>) target_semaphore(%run_scoped3A : memref<!tpu.dma_semaphore, #tpu.memory_space<semaphore_mem>>)
      %dma_wait3A = arith.constant 0 : i32
      %dma_wait3A_20 = arith.constant 0 : i32
      %dma_wait3A_21 = tpu.memref_slice %arg2[%add3A, %dma_wait3A, %dma_wait3A_20] : memref<32x40x128xi32, #tpu.memory_space<hbm>> -> memref<1x40x128xi32, #tpu.memory_space<hbm>>
      %dma_wait3A_22 = tpu.memref_squeeze %dma_wait3A_21 : memref<1x40x128xi32, #tpu.memory_space<hbm>> -> memref<40x128xi32, #tpu.memory_space<hbm>>
      %dma_wait3A_23 = arith.constant 0 : i32
      %dma_wait3A_24 = arith.constant 0 : i32
      %dma_wait3A_25 = tpu.memref_slice %arg2[%add3A, %dma_wait3A_23, %dma_wait3A_24] : memref<32x40x128xi32, #tpu.memory_space<hbm>> -> memref<1x40x128xi32, #tpu.memory_space<hbm>>
      %dma_wait3A_26 = tpu.memref_squeeze %dma_wait3A_25 : memref<1x40x128xi32, #tpu.memory_space<hbm>> -> memref<40x128xi32, #tpu.memory_space<hbm>>
      tpu.wait_dma2 semaphore(%run_scoped3A : memref<!tpu.dma_semaphore, #tpu.memory_space<semaphore_mem>>) src(%dma_wait3A_26 : memref<40x128xi32, #tpu.memory_space<hbm>>) dst(%arg7 : memref<40x128xi32, #tpu.memory_space<vmem>>)
      tpu.yield
    }) : () -> ()
    "tpu.region"() ({
      %run_scoped3A = tpu.sem_alloc : memref<!tpu.dma_semaphore, #tpu.memory_space<semaphore_mem>>
      %dma_start3A = arith.constant 0 : i32
      %dma_start3A_13 = arith.constant 0 : i32
      %dma_start3A_14 = tpu.memref_slice %arg3[%add3A, %dma_start3A, %dma_start3A_13] : memref<32x40x128xi32, #tpu.memory_space<hbm>> -> memref<1x40x128xi32, #tpu.memory_space<hbm>>
      %dma_start3A_15 = tpu.memref_squeeze %dma_start3A_14 : memref<1x40x128xi32, #tpu.memory_space<hbm>> -> memref<40x128xi32, #tpu.memory_space<hbm>>
      %dma_start3A_16 = arith.constant 0 : i32
      %dma_start3A_17 = arith.constant 0 : i32
      %dma_start3A_18 = tpu.memref_slice %arg3[%add3A, %dma_start3A_16, %dma_start3A_17] : memref<32x40x128xi32, #tpu.memory_space<hbm>> -> memref<1x40x128xi32, #tpu.memory_space<hbm>>
      %dma_start3A_19 = tpu.memref_squeeze %dma_start3A_18 : memref<1x40x128xi32, #tpu.memory_space<hbm>> -> memref<40x128xi32, #tpu.memory_space<hbm>>
      tpu.enqueue_dma source(%dma_start3A_19 : memref<40x128xi32, #tpu.memory_space<hbm>>) target(%arg8 : memref<40x128xi32, #tpu.memory_space<vmem>>) target_semaphore(%run_scoped3A : memref<!tpu.dma_semaphore, #tpu.memory_space<semaphore_mem>>)
      %dma_wait3A = arith.constant 0 : i32
      %dma_wait3A_20 = arith.constant 0 : i32
      %dma_wait3A_21 = tpu.memref_slice %arg3[%add3A, %dma_wait3A, %dma_wait3A_20] : memref<32x40x128xi32, #tpu.memory_space<hbm>> -> memref<1x40x128xi32, #tpu.memory_space<hbm>>
      %dma_wait3A_22 = tpu.memref_squeeze %dma_wait3A_21 : memref<1x40x128xi32, #tpu.memory_space<hbm>> -> memref<40x128xi32, #tpu.memory_space<hbm>>
      %dma_wait3A_23 = arith.constant 0 : i32
      %dma_wait3A_24 = arith.constant 0 : i32
      %dma_wait3A_25 = tpu.memref_slice %arg3[%add3A, %dma_wait3A_23, %dma_wait3A_24] : memref<32x40x128xi32, #tpu.memory_space<hbm>> -> memref<1x40x128xi32, #tpu.memory_space<hbm>>
      %dma_wait3A_26 = tpu.memref_squeeze %dma_wait3A_25 : memref<1x40x128xi32, #tpu.memory_space<hbm>> -> memref<40x128xi32, #tpu.memory_space<hbm>>
      tpu.wait_dma2 semaphore(%run_scoped3A : memref<!tpu.dma_semaphore, #tpu.memory_space<semaphore_mem>>) src(%dma_wait3A_26 : memref<40x128xi32, #tpu.memory_space<hbm>>) dst(%arg8 : memref<40x128xi32, #tpu.memory_space<vmem>>)
      tpu.yield
    }) : () -> ()
    %barrier3A = arith.constant 0 : index
    tpu.barrier barrier_id(%barrier3A)
    %scan3A = arith.constant 0 : i32
    %scan3A_3 = arith.constant 0 : i32
    %scan3A_4 = arith.constant 40 : i32
    %scan3A_5 = arith.addi %scan3A_3, %scan3A_4 : i32
    %scan3A_6 = arith.constant 1 : i32
    scf.for %scan3A_13 = %scan3A_3 to %scan3A_5 step %scan3A_6  : i32 {
      %dma_start3A = arith.constant 0 : i32
      %dma_start3A_14 = tpu.memref_slice %arg7[%scan3A_13, %dma_start3A] : memref<40x128xi32, #tpu.memory_space<vmem>> -> memref<1x128xi32, #tpu.memory_space<vmem>>
      %dma_start3A_15 = tpu.memref_squeeze %dma_start3A_14 : memref<1x128xi32, #tpu.memory_space<vmem>> -> memref<128xi32, #tpu.memory_space<vmem>>
      %dma_start3A_16 = arith.constant 0 : i32
      %dma_start3A_17 = arith.constant 0 : i32
      %dma_start3A_18 = tpu.memref_slice %arg4[%dma_start3A_16, %dma_start3A_17] : memref<1536x16xf32, #tpu.memory_space<hbm>> -> memref<1536x16xf32, #tpu.memory_space<hbm>>
      tpu.enqueue_indirect_dma source(%dma_start3A_18 : memref<1536x16xf32, #tpu.memory_space<hbm>>) target(%arg9 : memref<128x16xf32, #tpu.memory_space<vmem>>) offsets(%dma_start3A_15 : memref<128xi32, #tpu.memory_space<vmem>>) semaphore(%arg11 : memref<!tpu.dma_semaphore, #tpu.memory_space<semaphore_mem>>)
      %dma_wait3A = arith.constant 0 : i32
      %dma_wait3A_19 = tpu.memref_slice %arg7[%scan3A_13, %dma_wait3A] : memref<40x128xi32, #tpu.memory_space<vmem>> -> memref<1x128xi32, #tpu.memory_space<vmem>>
      %dma_wait3A_20 = tpu.memref_squeeze %dma_wait3A_19 : memref<1x128xi32, #tpu.memory_space<vmem>> -> memref<128xi32, #tpu.memory_space<vmem>>
      %dma_wait3A_21 = arith.constant 0 : i32
      %dma_wait3A_22 = arith.constant 0 : i32
      %dma_wait3A_23 = tpu.memref_slice %arg4[%dma_wait3A_21, %dma_wait3A_22] : memref<1536x16xf32, #tpu.memory_space<hbm>> -> memref<1536x16xf32, #tpu.memory_space<hbm>>
      tpu.wait_indirect_dma semaphore(%arg11 : memref<!tpu.dma_semaphore, #tpu.memory_space<semaphore_mem>>) src(%dma_wait3A_23 : memref<1536x16xf32, #tpu.memory_space<hbm>>) dst(%arg9 : memref<128x16xf32, #tpu.memory_space<vmem>>)
      "tpu.region"() ({
        %run_scoped3A = tpu.sem_alloc : memref<!tpu.dma_semaphore, #tpu.memory_space<semaphore_mem>>
        %dma_start3A_24 = arith.constant 0 : i32
        %dma_start3A_25 = tpu.memref_slice %arg8[%scan3A_13, %dma_start3A_24] : memref<40x128xi32, #tpu.memory_space<vmem>> -> memref<1x128xi32, #tpu.memory_space<vmem>>
        %dma_start3A_26 = tpu.memref_squeeze %dma_start3A_25 : memref<1x128xi32, #tpu.memory_space<vmem>> -> memref<128xi32, #tpu.memory_space<vmem>>
        %dma_start3A_27 = arith.constant 0 : i32
        %dma_start3A_28 = arith.constant 0 : i32
        %dma_start3A_29 = tpu.memref_slice %arg10[%dma_start3A_27, %dma_start3A_28] : memref<10240x16xf32, #tpu.memory_space<vmem_shared>> -> memref<10240x16xf32, #tpu.memory_space<vmem_shared>>
        tpu.enqueue_indirect_dma source(%arg9 : memref<128x16xf32, #tpu.memory_space<vmem>>) target(%dma_start3A_29 : memref<10240x16xf32, #tpu.memory_space<vmem_shared>>) offsets(%dma_start3A_26 : memref<128xi32, #tpu.memory_space<vmem>>) semaphore(%run_scoped3A : memref<!tpu.dma_semaphore, #tpu.memory_space<semaphore_mem>>) {add = true}
        %dma_wait3A_30 = arith.constant 0 : i32
        %dma_wait3A_31 = tpu.memref_slice %arg8[%scan3A_13, %dma_wait3A_30] : memref<40x128xi32, #tpu.memory_space<vmem>> -> memref<1x128xi32, #tpu.memory_space<vmem>>
        %dma_wait3A_32 = tpu.memref_squeeze %dma_wait3A_31 : memref<1x128xi32, #tpu.memory_space<vmem>> -> memref<128xi32, #tpu.memory_space<vmem>>
        %dma_wait3A_33 = arith.constant 0 : i32
        %dma_wait3A_34 = arith.constant 0 : i32
        %dma_wait3A_35 = tpu.memref_slice %arg10[%dma_wait3A_33, %dma_wait3A_34] : memref<10240x16xf32, #tpu.memory_space<vmem_shared>> -> memref<10240x16xf32, #tpu.memory_space<vmem_shared>>
        tpu.wait_indirect_dma semaphore(%run_scoped3A : memref<!tpu.dma_semaphore, #tpu.memory_space<semaphore_mem>>) src(%arg9 : memref<128x16xf32, #tpu.memory_space<vmem>>) dst(%dma_wait3A_35 : memref<10240x16xf32, #tpu.memory_space<vmem_shared>>)
        tpu.yield
      }) : () -> ()
    }
    %scan3A_7 = arith.constant 40 : i32
    %barrier3A_8 = arith.constant 0 : index
    tpu.barrier barrier_id(%barrier3A_8)
    %mul3A_9 = arith.constant 640 : i32
    %mul3A_10 = arith.muli %arg1, %mul3A_9 : i32
    %mul3A_11 = arith.constant 640 : i32
    %mul3A_12 = arith.muli %arg1, %mul3A_11 : i32
    "tpu.region"() ({
      %run_scoped3A = tpu.sem_alloc : memref<!tpu.dma_semaphore, #tpu.memory_space<semaphore_mem>>
      %dma_start3A = arith.constant 0 : i32
      %dma_start3A_13 = tpu.memref_slice %arg6[%mul3A_12, %arg0, %dma_start3A] : memref<10240x2x16xf32, #tpu.memory_space<hbm>> -> memref<640x1x16xf32, #tpu.memory_space<hbm>>
      %dma_start3A_14 = tpu.memref_squeeze %dma_start3A_13 : memref<640x1x16xf32, #tpu.memory_space<hbm>> -> memref<640x16xf32, #tpu.memory_space<hbm>>
      %dma_start3A_15 = arith.constant 0 : i32
      %dma_start3A_16 = tpu.memref_slice %arg10[%mul3A_10, %dma_start3A_15] : memref<10240x16xf32, #tpu.memory_space<vmem_shared>> -> memref<640x16xf32, #tpu.memory_space<vmem_shared>>
      tpu.enqueue_dma source(%dma_start3A_16 : memref<640x16xf32, #tpu.memory_space<vmem_shared>>) target(%dma_start3A_14 : memref<640x16xf32, #tpu.memory_space<hbm>>) target_semaphore(%run_scoped3A : memref<!tpu.dma_semaphore, #tpu.memory_space<semaphore_mem>>)
      %dma_wait3A = arith.constant 0 : i32
      %dma_wait3A_17 = tpu.memref_slice %arg6[%mul3A_12, %arg0, %dma_wait3A] : memref<10240x2x16xf32, #tpu.memory_space<hbm>> -> memref<640x1x16xf32, #tpu.memory_space<hbm>>
      %dma_wait3A_18 = tpu.memref_squeeze %dma_wait3A_17 : memref<640x1x16xf32, #tpu.memory_space<hbm>> -> memref<640x16xf32, #tpu.memory_space<hbm>>
      %dma_wait3A_19 = arith.constant 0 : i32
      %dma_wait3A_20 = tpu.memref_slice %arg10[%mul3A_10, %dma_wait3A_19] : memref<10240x16xf32, #tpu.memory_space<vmem_shared>> -> memref<640x16xf32, #tpu.memory_space<vmem_shared>>
      tpu.wait_dma2 semaphore(%run_scoped3A : memref<!tpu.dma_semaphore, #tpu.memory_space<semaphore_mem>>) src(%dma_wait3A_20 : memref<640x16xf32, #tpu.memory_space<vmem_shared>>) dst(%dma_wait3A_18 : memref<640x16xf32, #tpu.memory_space<hbm>>)
      tpu.yield
    }) : () -> ()
    return
  }
}

#map = affine_map<(d0, d1) -> (0, 0)>
#map1 = affine_map<(d0, d1) -> (0, 0, 0, 0)>
#map2 = affine_map<(d0, d1) -> (0, 0, 0)>
module attributes {stable_mosaic.version = 14 : i64} {
  func.func @_sc_layer_body(%arg0: i32, %arg1: i32, %arg2: memref<20480x152xf32, #tpu.memory_space<hbm>>, %arg3: memref<2x16x125x80xi32, #tpu.memory_space<hbm>>, %arg4: memref<16x125x80xi32, #tpu.memory_space<hbm>>, %arg5: memref<640x152xf32, #tpu.memory_space<hbm>>, %arg6: memref<2x10240x152xf32, #tpu.memory_space<hbm>>, %arg7: memref<125x80xi32, #tpu.memory_space<vmem>>, %arg8: memref<125x80xi32, #tpu.memory_space<vmem>>, %arg9: memref<80x152xf32, #tpu.memory_space<vmem>>, %arg10: memref<10240x152xf32, #tpu.memory_space<vmem_shared>>, %arg11: memref<!tpu.dma_semaphore, #tpu.memory_space<semaphore_mem>>) attributes {dimension_semantics = [#tpu.dimension_semantics<core_parallel>, #tpu.dimension_semantics<subcore_parallel>], iteration_bounds = array<i64: 2, 16>, scalar_prefetch = 0 : i64, scratch_operands = 5 : i64, tpu.core_type = #tpu.core_type<sc_vector_subcore>, window_params = [{transform_indices = #map}, {transform_indices = #map1}, {transform_indices = #map2}, {transform_indices = #map}, {transform_indices = #map2}]} {
    %mul3A = arith.constant 640 : i32
    %mul3A_0 = arith.muli %arg1, %mul3A : i32
    "tpu.region"() ({
      %run_scoped3A = tpu.sem_alloc : memref<!tpu.dma_semaphore, #tpu.memory_space<semaphore_mem>>
      %dma_start3A = arith.constant 0 : i32
      %dma_start3A_11 = tpu.memref_slice %arg10[%mul3A_0, %dma_start3A] : memref<10240x152xf32, #tpu.memory_space<vmem_shared>> -> memref<640x152xf32, #tpu.memory_space<vmem_shared>>
      tpu.enqueue_dma source(%arg5 : memref<640x152xf32, #tpu.memory_space<hbm>>) target(%dma_start3A_11 : memref<640x152xf32, #tpu.memory_space<vmem_shared>>) target_semaphore(%run_scoped3A : memref<!tpu.dma_semaphore, #tpu.memory_space<semaphore_mem>>)
      %dma_wait3A = arith.constant 0 : i32
      %dma_wait3A_12 = tpu.memref_slice %arg10[%mul3A_0, %dma_wait3A] : memref<10240x152xf32, #tpu.memory_space<vmem_shared>> -> memref<640x152xf32, #tpu.memory_space<vmem_shared>>
      tpu.wait_dma2 semaphore(%run_scoped3A : memref<!tpu.dma_semaphore, #tpu.memory_space<semaphore_mem>>) src(%arg5 : memref<640x152xf32, #tpu.memory_space<hbm>>) dst(%dma_wait3A_12 : memref<640x152xf32, #tpu.memory_space<vmem_shared>>)
      tpu.yield
    }) : () -> ()
    "tpu.region"() ({
      %run_scoped3A = tpu.sem_alloc : memref<!tpu.dma_semaphore, #tpu.memory_space<semaphore_mem>>
      %dma_start3A = arith.constant 0 : i32
      %dma_start3A_11 = arith.constant 0 : i32
      %dma_start3A_12 = tpu.memref_slice %arg3[%arg0, %arg1, %dma_start3A, %dma_start3A_11] : memref<2x16x125x80xi32, #tpu.memory_space<hbm>> -> memref<1x1x125x80xi32, #tpu.memory_space<hbm>>
      %dma_start3A_13 = tpu.memref_squeeze %dma_start3A_12 : memref<1x1x125x80xi32, #tpu.memory_space<hbm>> -> memref<125x80xi32, #tpu.memory_space<hbm>>
      %dma_start3A_14 = arith.constant 0 : i32
      %dma_start3A_15 = arith.constant 0 : i32
      %dma_start3A_16 = tpu.memref_slice %arg3[%arg0, %arg1, %dma_start3A_14, %dma_start3A_15] : memref<2x16x125x80xi32, #tpu.memory_space<hbm>> -> memref<1x1x125x80xi32, #tpu.memory_space<hbm>>
      %dma_start3A_17 = tpu.memref_squeeze %dma_start3A_16 : memref<1x1x125x80xi32, #tpu.memory_space<hbm>> -> memref<125x80xi32, #tpu.memory_space<hbm>>
      tpu.enqueue_dma source(%dma_start3A_17 : memref<125x80xi32, #tpu.memory_space<hbm>>) target(%arg7 : memref<125x80xi32, #tpu.memory_space<vmem>>) target_semaphore(%run_scoped3A : memref<!tpu.dma_semaphore, #tpu.memory_space<semaphore_mem>>)
      %dma_wait3A = arith.constant 0 : i32
      %dma_wait3A_18 = arith.constant 0 : i32
      %dma_wait3A_19 = tpu.memref_slice %arg3[%arg0, %arg1, %dma_wait3A, %dma_wait3A_18] : memref<2x16x125x80xi32, #tpu.memory_space<hbm>> -> memref<1x1x125x80xi32, #tpu.memory_space<hbm>>
      %dma_wait3A_20 = tpu.memref_squeeze %dma_wait3A_19 : memref<1x1x125x80xi32, #tpu.memory_space<hbm>> -> memref<125x80xi32, #tpu.memory_space<hbm>>
      %dma_wait3A_21 = arith.constant 0 : i32
      %dma_wait3A_22 = arith.constant 0 : i32
      %dma_wait3A_23 = tpu.memref_slice %arg3[%arg0, %arg1, %dma_wait3A_21, %dma_wait3A_22] : memref<2x16x125x80xi32, #tpu.memory_space<hbm>> -> memref<1x1x125x80xi32, #tpu.memory_space<hbm>>
      %dma_wait3A_24 = tpu.memref_squeeze %dma_wait3A_23 : memref<1x1x125x80xi32, #tpu.memory_space<hbm>> -> memref<125x80xi32, #tpu.memory_space<hbm>>
      tpu.wait_dma2 semaphore(%run_scoped3A : memref<!tpu.dma_semaphore, #tpu.memory_space<semaphore_mem>>) src(%dma_wait3A_24 : memref<125x80xi32, #tpu.memory_space<hbm>>) dst(%arg7 : memref<125x80xi32, #tpu.memory_space<vmem>>)
      tpu.yield
    }) : () -> ()
    "tpu.region"() ({
      %run_scoped3A = tpu.sem_alloc : memref<!tpu.dma_semaphore, #tpu.memory_space<semaphore_mem>>
      %dma_start3A = arith.constant 0 : i32
      %dma_start3A_11 = arith.constant 0 : i32
      %dma_start3A_12 = tpu.memref_slice %arg4[%arg1, %dma_start3A, %dma_start3A_11] : memref<16x125x80xi32, #tpu.memory_space<hbm>> -> memref<1x125x80xi32, #tpu.memory_space<hbm>>
      %dma_start3A_13 = tpu.memref_squeeze %dma_start3A_12 : memref<1x125x80xi32, #tpu.memory_space<hbm>> -> memref<125x80xi32, #tpu.memory_space<hbm>>
      %dma_start3A_14 = arith.constant 0 : i32
      %dma_start3A_15 = arith.constant 0 : i32
      %dma_start3A_16 = tpu.memref_slice %arg4[%arg1, %dma_start3A_14, %dma_start3A_15] : memref<16x125x80xi32, #tpu.memory_space<hbm>> -> memref<1x125x80xi32, #tpu.memory_space<hbm>>
      %dma_start3A_17 = tpu.memref_squeeze %dma_start3A_16 : memref<1x125x80xi32, #tpu.memory_space<hbm>> -> memref<125x80xi32, #tpu.memory_space<hbm>>
      tpu.enqueue_dma source(%dma_start3A_17 : memref<125x80xi32, #tpu.memory_space<hbm>>) target(%arg8 : memref<125x80xi32, #tpu.memory_space<vmem>>) target_semaphore(%run_scoped3A : memref<!tpu.dma_semaphore, #tpu.memory_space<semaphore_mem>>)
      %dma_wait3A = arith.constant 0 : i32
      %dma_wait3A_18 = arith.constant 0 : i32
      %dma_wait3A_19 = tpu.memref_slice %arg4[%arg1, %dma_wait3A, %dma_wait3A_18] : memref<16x125x80xi32, #tpu.memory_space<hbm>> -> memref<1x125x80xi32, #tpu.memory_space<hbm>>
      %dma_wait3A_20 = tpu.memref_squeeze %dma_wait3A_19 : memref<1x125x80xi32, #tpu.memory_space<hbm>> -> memref<125x80xi32, #tpu.memory_space<hbm>>
      %dma_wait3A_21 = arith.constant 0 : i32
      %dma_wait3A_22 = arith.constant 0 : i32
      %dma_wait3A_23 = tpu.memref_slice %arg4[%arg1, %dma_wait3A_21, %dma_wait3A_22] : memref<16x125x80xi32, #tpu.memory_space<hbm>> -> memref<1x125x80xi32, #tpu.memory_space<hbm>>
      %dma_wait3A_24 = tpu.memref_squeeze %dma_wait3A_23 : memref<1x125x80xi32, #tpu.memory_space<hbm>> -> memref<125x80xi32, #tpu.memory_space<hbm>>
      tpu.wait_dma2 semaphore(%run_scoped3A : memref<!tpu.dma_semaphore, #tpu.memory_space<semaphore_mem>>) src(%dma_wait3A_24 : memref<125x80xi32, #tpu.memory_space<hbm>>) dst(%arg8 : memref<125x80xi32, #tpu.memory_space<vmem>>)
      tpu.yield
    }) : () -> ()
    %barrier3A = arith.constant 0 : index
    tpu.barrier barrier_id(%barrier3A)
    %scan3A = arith.constant 0 : i32
    %scan3A_1 = arith.constant 0 : i32
    %scan3A_2 = arith.constant 125 : i32
    %scan3A_3 = arith.addi %scan3A_1, %scan3A_2 : i32
    %scan3A_4 = arith.constant 1 : i32
    scf.for %scan3A_11 = %scan3A_1 to %scan3A_3 step %scan3A_4  : i32 {
      %dma_start3A = arith.constant 0 : i32
      %dma_start3A_12 = tpu.memref_slice %arg7[%scan3A_11, %dma_start3A] : memref<125x80xi32, #tpu.memory_space<vmem>> -> memref<1x80xi32, #tpu.memory_space<vmem>>
      %dma_start3A_13 = tpu.memref_squeeze %dma_start3A_12 : memref<1x80xi32, #tpu.memory_space<vmem>> -> memref<80xi32, #tpu.memory_space<vmem>>
      %dma_start3A_14 = arith.constant 0 : i32
      %dma_start3A_15 = arith.constant 0 : i32
      %dma_start3A_16 = tpu.memref_slice %arg2[%dma_start3A_14, %dma_start3A_15] : memref<20480x152xf32, #tpu.memory_space<hbm>> -> memref<20480x152xf32, #tpu.memory_space<hbm>>
      tpu.enqueue_indirect_dma source(%dma_start3A_16 : memref<20480x152xf32, #tpu.memory_space<hbm>>) target(%arg9 : memref<80x152xf32, #tpu.memory_space<vmem>>) offsets(%dma_start3A_13 : memref<80xi32, #tpu.memory_space<vmem>>) semaphore(%arg11 : memref<!tpu.dma_semaphore, #tpu.memory_space<semaphore_mem>>)
      %dma_wait3A = arith.constant 0 : i32
      %dma_wait3A_17 = tpu.memref_slice %arg7[%scan3A_11, %dma_wait3A] : memref<125x80xi32, #tpu.memory_space<vmem>> -> memref<1x80xi32, #tpu.memory_space<vmem>>
      %dma_wait3A_18 = tpu.memref_squeeze %dma_wait3A_17 : memref<1x80xi32, #tpu.memory_space<vmem>> -> memref<80xi32, #tpu.memory_space<vmem>>
      %dma_wait3A_19 = arith.constant 0 : i32
      %dma_wait3A_20 = arith.constant 0 : i32
      %dma_wait3A_21 = tpu.memref_slice %arg2[%dma_wait3A_19, %dma_wait3A_20] : memref<20480x152xf32, #tpu.memory_space<hbm>> -> memref<20480x152xf32, #tpu.memory_space<hbm>>
      tpu.wait_indirect_dma semaphore(%arg11 : memref<!tpu.dma_semaphore, #tpu.memory_space<semaphore_mem>>) src(%dma_wait3A_21 : memref<20480x152xf32, #tpu.memory_space<hbm>>) dst(%arg9 : memref<80x152xf32, #tpu.memory_space<vmem>>)
      "tpu.region"() ({
        %run_scoped3A = tpu.sem_alloc : memref<!tpu.dma_semaphore, #tpu.memory_space<semaphore_mem>>
        %dma_start3A_22 = arith.constant 0 : i32
        %dma_start3A_23 = tpu.memref_slice %arg8[%scan3A_11, %dma_start3A_22] : memref<125x80xi32, #tpu.memory_space<vmem>> -> memref<1x80xi32, #tpu.memory_space<vmem>>
        %dma_start3A_24 = tpu.memref_squeeze %dma_start3A_23 : memref<1x80xi32, #tpu.memory_space<vmem>> -> memref<80xi32, #tpu.memory_space<vmem>>
        %dma_start3A_25 = arith.constant 0 : i32
        %dma_start3A_26 = arith.constant 0 : i32
        %dma_start3A_27 = tpu.memref_slice %arg10[%dma_start3A_25, %dma_start3A_26] : memref<10240x152xf32, #tpu.memory_space<vmem_shared>> -> memref<10240x152xf32, #tpu.memory_space<vmem_shared>>
        tpu.enqueue_indirect_dma source(%arg9 : memref<80x152xf32, #tpu.memory_space<vmem>>) target(%dma_start3A_27 : memref<10240x152xf32, #tpu.memory_space<vmem_shared>>) offsets(%dma_start3A_24 : memref<80xi32, #tpu.memory_space<vmem>>) semaphore(%run_scoped3A : memref<!tpu.dma_semaphore, #tpu.memory_space<semaphore_mem>>) {add = true}
        %dma_wait3A_28 = arith.constant 0 : i32
        %dma_wait3A_29 = tpu.memref_slice %arg8[%scan3A_11, %dma_wait3A_28] : memref<125x80xi32, #tpu.memory_space<vmem>> -> memref<1x80xi32, #tpu.memory_space<vmem>>
        %dma_wait3A_30 = tpu.memref_squeeze %dma_wait3A_29 : memref<1x80xi32, #tpu.memory_space<vmem>> -> memref<80xi32, #tpu.memory_space<vmem>>
        %dma_wait3A_31 = arith.constant 0 : i32
        %dma_wait3A_32 = arith.constant 0 : i32
        %dma_wait3A_33 = tpu.memref_slice %arg10[%dma_wait3A_31, %dma_wait3A_32] : memref<10240x152xf32, #tpu.memory_space<vmem_shared>> -> memref<10240x152xf32, #tpu.memory_space<vmem_shared>>
        tpu.wait_indirect_dma semaphore(%run_scoped3A : memref<!tpu.dma_semaphore, #tpu.memory_space<semaphore_mem>>) src(%arg9 : memref<80x152xf32, #tpu.memory_space<vmem>>) dst(%dma_wait3A_33 : memref<10240x152xf32, #tpu.memory_space<vmem_shared>>)
        tpu.yield
      }) : () -> ()
    }
    %scan3A_5 = arith.constant 125 : i32
    %barrier3A_6 = arith.constant 0 : index
    tpu.barrier barrier_id(%barrier3A_6)
    %mul3A_7 = arith.constant 640 : i32
    %mul3A_8 = arith.muli %arg1, %mul3A_7 : i32
    %mul3A_9 = arith.constant 640 : i32
    %mul3A_10 = arith.muli %arg1, %mul3A_9 : i32
    "tpu.region"() ({
      %run_scoped3A = tpu.sem_alloc : memref<!tpu.dma_semaphore, #tpu.memory_space<semaphore_mem>>
      %dma_start3A = arith.constant 0 : i32
      %dma_start3A_11 = tpu.memref_slice %arg6[%arg0, %mul3A_10, %dma_start3A] : memref<2x10240x152xf32, #tpu.memory_space<hbm>> -> memref<1x640x152xf32, #tpu.memory_space<hbm>>
      %dma_start3A_12 = tpu.memref_squeeze %dma_start3A_11 : memref<1x640x152xf32, #tpu.memory_space<hbm>> -> memref<640x152xf32, #tpu.memory_space<hbm>>
      %dma_start3A_13 = arith.constant 0 : i32
      %dma_start3A_14 = tpu.memref_slice %arg10[%mul3A_8, %dma_start3A_13] : memref<10240x152xf32, #tpu.memory_space<vmem_shared>> -> memref<640x152xf32, #tpu.memory_space<vmem_shared>>
      tpu.enqueue_dma source(%dma_start3A_14 : memref<640x152xf32, #tpu.memory_space<vmem_shared>>) target(%dma_start3A_12 : memref<640x152xf32, #tpu.memory_space<hbm>>) target_semaphore(%run_scoped3A : memref<!tpu.dma_semaphore, #tpu.memory_space<semaphore_mem>>)
      %dma_wait3A = arith.constant 0 : i32
      %dma_wait3A_15 = tpu.memref_slice %arg6[%arg0, %mul3A_10, %dma_wait3A] : memref<2x10240x152xf32, #tpu.memory_space<hbm>> -> memref<1x640x152xf32, #tpu.memory_space<hbm>>
      %dma_wait3A_16 = tpu.memref_squeeze %dma_wait3A_15 : memref<1x640x152xf32, #tpu.memory_space<hbm>> -> memref<640x152xf32, #tpu.memory_space<hbm>>
      %dma_wait3A_17 = arith.constant 0 : i32
      %dma_wait3A_18 = tpu.memref_slice %arg10[%mul3A_8, %dma_wait3A_17] : memref<10240x152xf32, #tpu.memory_space<vmem_shared>> -> memref<640x152xf32, #tpu.memory_space<vmem_shared>>
      tpu.wait_dma2 semaphore(%run_scoped3A : memref<!tpu.dma_semaphore, #tpu.memory_space<semaphore_mem>>) src(%dma_wait3A_18 : memref<640x152xf32, #tpu.memory_space<vmem_shared>>) dst(%dma_wait3A_16 : memref<640x152xf32, #tpu.memory_space<hbm>>)
      tpu.yield
    }) : () -> ()
    return
  }
}

#map = affine_map<(d0, d1) -> (0, 0)>
#map1 = affine_map<(d0, d1) -> (0, 0, 0, 0)>
#map2 = affine_map<(d0, d1) -> (0, 0, 0)>
module attributes {stable_mosaic.version = 14 : i64} {
  func.func @_sc_layer_body(%arg0: i32, %arg1: i32, %arg2: memref<20480x152xf32, #tpu.memory_space<hbm>>, %arg3: memref<2x16x125x80xi32, #tpu.memory_space<hbm>>, %arg4: memref<16x125x80xi32, #tpu.memory_space<hbm>>, %arg5: memref<640x152xf32, #tpu.memory_space<hbm>>, %arg6: memref<2x10240x152xf32, #tpu.memory_space<hbm>>, %arg7: memref<125x80xi32, #tpu.memory_space<vmem>>, %arg8: memref<125x80xi32, #tpu.memory_space<vmem>>, %arg9: memref<80x152xf32, #tpu.memory_space<vmem>>, %arg10: memref<10240x152xf32, #tpu.memory_space<vmem_shared>>, %arg11: memref<!tpu.dma_semaphore, #tpu.memory_space<semaphore_mem>>) attributes {dimension_semantics = [#tpu.dimension_semantics<core_parallel>, #tpu.dimension_semantics<subcore_parallel>], iteration_bounds = array<i64: 2, 16>, scalar_prefetch = 0 : i64, scratch_operands = 5 : i64, tpu.core_type = #tpu.core_type<sc_vector_subcore>, window_params = [{transform_indices = #map}, {transform_indices = #map1}, {transform_indices = #map2}, {transform_indices = #map}, {transform_indices = #map2}]} {
    %mul3A = arith.constant 640 : i32
    %mul3A_0 = arith.muli %arg1, %mul3A : i32
    "tpu.region"() ({
      %run_scoped3A = tpu.sem_alloc : memref<!tpu.dma_semaphore, #tpu.memory_space<semaphore_mem>>
      %dma_start3A = arith.constant 0 : i32
      %dma_start3A_11 = tpu.memref_slice %arg10[%mul3A_0, %dma_start3A] : memref<10240x152xf32, #tpu.memory_space<vmem_shared>> -> memref<640x152xf32, #tpu.memory_space<vmem_shared>>
      tpu.enqueue_dma source(%arg5 : memref<640x152xf32, #tpu.memory_space<hbm>>) target(%dma_start3A_11 : memref<640x152xf32, #tpu.memory_space<vmem_shared>>) target_semaphore(%run_scoped3A : memref<!tpu.dma_semaphore, #tpu.memory_space<semaphore_mem>>)
      %dma_wait3A = arith.constant 0 : i32
      %dma_wait3A_12 = tpu.memref_slice %arg10[%mul3A_0, %dma_wait3A] : memref<10240x152xf32, #tpu.memory_space<vmem_shared>> -> memref<640x152xf32, #tpu.memory_space<vmem_shared>>
      tpu.wait_dma2 semaphore(%run_scoped3A : memref<!tpu.dma_semaphore, #tpu.memory_space<semaphore_mem>>) src(%arg5 : memref<640x152xf32, #tpu.memory_space<hbm>>) dst(%dma_wait3A_12 : memref<640x152xf32, #tpu.memory_space<vmem_shared>>)
      tpu.yield
    }) : () -> ()
    "tpu.region"() ({
      %run_scoped3A = tpu.sem_alloc : memref<!tpu.dma_semaphore, #tpu.memory_space<semaphore_mem>>
      %dma_start3A = arith.constant 0 : i32
      %dma_start3A_11 = arith.constant 0 : i32
      %dma_start3A_12 = tpu.memref_slice %arg3[%arg0, %arg1, %dma_start3A, %dma_start3A_11] : memref<2x16x125x80xi32, #tpu.memory_space<hbm>> -> memref<1x1x125x80xi32, #tpu.memory_space<hbm>>
      %dma_start3A_13 = tpu.memref_squeeze %dma_start3A_12 : memref<1x1x125x80xi32, #tpu.memory_space<hbm>> -> memref<125x80xi32, #tpu.memory_space<hbm>>
      %dma_start3A_14 = arith.constant 0 : i32
      %dma_start3A_15 = arith.constant 0 : i32
      %dma_start3A_16 = tpu.memref_slice %arg3[%arg0, %arg1, %dma_start3A_14, %dma_start3A_15] : memref<2x16x125x80xi32, #tpu.memory_space<hbm>> -> memref<1x1x125x80xi32, #tpu.memory_space<hbm>>
      %dma_start3A_17 = tpu.memref_squeeze %dma_start3A_16 : memref<1x1x125x80xi32, #tpu.memory_space<hbm>> -> memref<125x80xi32, #tpu.memory_space<hbm>>
      tpu.enqueue_dma source(%dma_start3A_17 : memref<125x80xi32, #tpu.memory_space<hbm>>) target(%arg7 : memref<125x80xi32, #tpu.memory_space<vmem>>) target_semaphore(%run_scoped3A : memref<!tpu.dma_semaphore, #tpu.memory_space<semaphore_mem>>)
      %dma_wait3A = arith.constant 0 : i32
      %dma_wait3A_18 = arith.constant 0 : i32
      %dma_wait3A_19 = tpu.memref_slice %arg3[%arg0, %arg1, %dma_wait3A, %dma_wait3A_18] : memref<2x16x125x80xi32, #tpu.memory_space<hbm>> -> memref<1x1x125x80xi32, #tpu.memory_space<hbm>>
      %dma_wait3A_20 = tpu.memref_squeeze %dma_wait3A_19 : memref<1x1x125x80xi32, #tpu.memory_space<hbm>> -> memref<125x80xi32, #tpu.memory_space<hbm>>
      %dma_wait3A_21 = arith.constant 0 : i32
      %dma_wait3A_22 = arith.constant 0 : i32
      %dma_wait3A_23 = tpu.memref_slice %arg3[%arg0, %arg1, %dma_wait3A_21, %dma_wait3A_22] : memref<2x16x125x80xi32, #tpu.memory_space<hbm>> -> memref<1x1x125x80xi32, #tpu.memory_space<hbm>>
      %dma_wait3A_24 = tpu.memref_squeeze %dma_wait3A_23 : memref<1x1x125x80xi32, #tpu.memory_space<hbm>> -> memref<125x80xi32, #tpu.memory_space<hbm>>
      tpu.wait_dma2 semaphore(%run_scoped3A : memref<!tpu.dma_semaphore, #tpu.memory_space<semaphore_mem>>) src(%dma_wait3A_24 : memref<125x80xi32, #tpu.memory_space<hbm>>) dst(%arg7 : memref<125x80xi32, #tpu.memory_space<vmem>>)
      tpu.yield
    }) : () -> ()
    "tpu.region"() ({
      %run_scoped3A = tpu.sem_alloc : memref<!tpu.dma_semaphore, #tpu.memory_space<semaphore_mem>>
      %dma_start3A = arith.constant 0 : i32
      %dma_start3A_11 = arith.constant 0 : i32
      %dma_start3A_12 = tpu.memref_slice %arg4[%arg1, %dma_start3A, %dma_start3A_11] : memref<16x125x80xi32, #tpu.memory_space<hbm>> -> memref<1x125x80xi32, #tpu.memory_space<hbm>>
      %dma_start3A_13 = tpu.memref_squeeze %dma_start3A_12 : memref<1x125x80xi32, #tpu.memory_space<hbm>> -> memref<125x80xi32, #tpu.memory_space<hbm>>
      %dma_start3A_14 = arith.constant 0 : i32
      %dma_start3A_15 = arith.constant 0 : i32
      %dma_start3A_16 = tpu.memref_slice %arg4[%arg1, %dma_start3A_14, %dma_start3A_15] : memref<16x125x80xi32, #tpu.memory_space<hbm>> -> memref<1x125x80xi32, #tpu.memory_space<hbm>>
      %dma_start3A_17 = tpu.memref_squeeze %dma_start3A_16 : memref<1x125x80xi32, #tpu.memory_space<hbm>> -> memref<125x80xi32, #tpu.memory_space<hbm>>
      tpu.enqueue_dma source(%dma_start3A_17 : memref<125x80xi32, #tpu.memory_space<hbm>>) target(%arg8 : memref<125x80xi32, #tpu.memory_space<vmem>>) target_semaphore(%run_scoped3A : memref<!tpu.dma_semaphore, #tpu.memory_space<semaphore_mem>>)
      %dma_wait3A = arith.constant 0 : i32
      %dma_wait3A_18 = arith.constant 0 : i32
      %dma_wait3A_19 = tpu.memref_slice %arg4[%arg1, %dma_wait3A, %dma_wait3A_18] : memref<16x125x80xi32, #tpu.memory_space<hbm>> -> memref<1x125x80xi32, #tpu.memory_space<hbm>>
      %dma_wait3A_20 = tpu.memref_squeeze %dma_wait3A_19 : memref<1x125x80xi32, #tpu.memory_space<hbm>> -> memref<125x80xi32, #tpu.memory_space<hbm>>
      %dma_wait3A_21 = arith.constant 0 : i32
      %dma_wait3A_22 = arith.constant 0 : i32
      %dma_wait3A_23 = tpu.memref_slice %arg4[%arg1, %dma_wait3A_21, %dma_wait3A_22] : memref<16x125x80xi32, #tpu.memory_space<hbm>> -> memref<1x125x80xi32, #tpu.memory_space<hbm>>
      %dma_wait3A_24 = tpu.memref_squeeze %dma_wait3A_23 : memref<1x125x80xi32, #tpu.memory_space<hbm>> -> memref<125x80xi32, #tpu.memory_space<hbm>>
      tpu.wait_dma2 semaphore(%run_scoped3A : memref<!tpu.dma_semaphore, #tpu.memory_space<semaphore_mem>>) src(%dma_wait3A_24 : memref<125x80xi32, #tpu.memory_space<hbm>>) dst(%arg8 : memref<125x80xi32, #tpu.memory_space<vmem>>)
      tpu.yield
    }) : () -> ()
    %barrier3A = arith.constant 0 : index
    tpu.barrier barrier_id(%barrier3A)
    %scan3A = arith.constant 0 : i32
    %scan3A_1 = arith.constant 0 : i32
    %scan3A_2 = arith.constant 125 : i32
    %scan3A_3 = arith.addi %scan3A_1, %scan3A_2 : i32
    %scan3A_4 = arith.constant 1 : i32
    scf.for %scan3A_11 = %scan3A_1 to %scan3A_3 step %scan3A_4  : i32 {
      %dma_start3A = arith.constant 0 : i32
      %dma_start3A_12 = tpu.memref_slice %arg7[%scan3A_11, %dma_start3A] : memref<125x80xi32, #tpu.memory_space<vmem>> -> memref<1x80xi32, #tpu.memory_space<vmem>>
      %dma_start3A_13 = tpu.memref_squeeze %dma_start3A_12 : memref<1x80xi32, #tpu.memory_space<vmem>> -> memref<80xi32, #tpu.memory_space<vmem>>
      %dma_start3A_14 = arith.constant 0 : i32
      %dma_start3A_15 = arith.constant 0 : i32
      %dma_start3A_16 = tpu.memref_slice %arg2[%dma_start3A_14, %dma_start3A_15] : memref<20480x152xf32, #tpu.memory_space<hbm>> -> memref<20480x152xf32, #tpu.memory_space<hbm>>
      tpu.enqueue_indirect_dma source(%dma_start3A_16 : memref<20480x152xf32, #tpu.memory_space<hbm>>) target(%arg9 : memref<80x152xf32, #tpu.memory_space<vmem>>) offsets(%dma_start3A_13 : memref<80xi32, #tpu.memory_space<vmem>>) semaphore(%arg11 : memref<!tpu.dma_semaphore, #tpu.memory_space<semaphore_mem>>)
      %dma_wait3A = arith.constant 0 : i32
      %dma_wait3A_17 = tpu.memref_slice %arg7[%scan3A_11, %dma_wait3A] : memref<125x80xi32, #tpu.memory_space<vmem>> -> memref<1x80xi32, #tpu.memory_space<vmem>>
      %dma_wait3A_18 = tpu.memref_squeeze %dma_wait3A_17 : memref<1x80xi32, #tpu.memory_space<vmem>> -> memref<80xi32, #tpu.memory_space<vmem>>
      %dma_wait3A_19 = arith.constant 0 : i32
      %dma_wait3A_20 = arith.constant 0 : i32
      %dma_wait3A_21 = tpu.memref_slice %arg2[%dma_wait3A_19, %dma_wait3A_20] : memref<20480x152xf32, #tpu.memory_space<hbm>> -> memref<20480x152xf32, #tpu.memory_space<hbm>>
      tpu.wait_indirect_dma semaphore(%arg11 : memref<!tpu.dma_semaphore, #tpu.memory_space<semaphore_mem>>) src(%dma_wait3A_21 : memref<20480x152xf32, #tpu.memory_space<hbm>>) dst(%arg9 : memref<80x152xf32, #tpu.memory_space<vmem>>)
      "tpu.region"() ({
        %run_scoped3A = tpu.sem_alloc : memref<!tpu.dma_semaphore, #tpu.memory_space<semaphore_mem>>
        %dma_start3A_22 = arith.constant 0 : i32
        %dma_start3A_23 = tpu.memref_slice %arg8[%scan3A_11, %dma_start3A_22] : memref<125x80xi32, #tpu.memory_space<vmem>> -> memref<1x80xi32, #tpu.memory_space<vmem>>
        %dma_start3A_24 = tpu.memref_squeeze %dma_start3A_23 : memref<1x80xi32, #tpu.memory_space<vmem>> -> memref<80xi32, #tpu.memory_space<vmem>>
        %dma_start3A_25 = arith.constant 0 : i32
        %dma_start3A_26 = arith.constant 0 : i32
        %dma_start3A_27 = tpu.memref_slice %arg10[%dma_start3A_25, %dma_start3A_26] : memref<10240x152xf32, #tpu.memory_space<vmem_shared>> -> memref<10240x152xf32, #tpu.memory_space<vmem_shared>>
        tpu.enqueue_indirect_dma source(%arg9 : memref<80x152xf32, #tpu.memory_space<vmem>>) target(%dma_start3A_27 : memref<10240x152xf32, #tpu.memory_space<vmem_shared>>) offsets(%dma_start3A_24 : memref<80xi32, #tpu.memory_space<vmem>>) semaphore(%run_scoped3A : memref<!tpu.dma_semaphore, #tpu.memory_space<semaphore_mem>>) {add = true}
        %dma_wait3A_28 = arith.constant 0 : i32
        %dma_wait3A_29 = tpu.memref_slice %arg8[%scan3A_11, %dma_wait3A_28] : memref<125x80xi32, #tpu.memory_space<vmem>> -> memref<1x80xi32, #tpu.memory_space<vmem>>
        %dma_wait3A_30 = tpu.memref_squeeze %dma_wait3A_29 : memref<1x80xi32, #tpu.memory_space<vmem>> -> memref<80xi32, #tpu.memory_space<vmem>>
        %dma_wait3A_31 = arith.constant 0 : i32
        %dma_wait3A_32 = arith.constant 0 : i32
        %dma_wait3A_33 = tpu.memref_slice %arg10[%dma_wait3A_31, %dma_wait3A_32] : memref<10240x152xf32, #tpu.memory_space<vmem_shared>> -> memref<10240x152xf32, #tpu.memory_space<vmem_shared>>
        tpu.wait_indirect_dma semaphore(%run_scoped3A : memref<!tpu.dma_semaphore, #tpu.memory_space<semaphore_mem>>) src(%arg9 : memref<80x152xf32, #tpu.memory_space<vmem>>) dst(%dma_wait3A_33 : memref<10240x152xf32, #tpu.memory_space<vmem_shared>>)
        tpu.yield
      }) : () -> ()
    }
    %scan3A_5 = arith.constant 125 : i32
    %barrier3A_6 = arith.constant 0 : index
    tpu.barrier barrier_id(%barrier3A_6)
    %mul3A_7 = arith.constant 640 : i32
    %mul3A_8 = arith.muli %arg1, %mul3A_7 : i32
    %mul3A_9 = arith.constant 640 : i32
    %mul3A_10 = arith.muli %arg1, %mul3A_9 : i32
    "tpu.region"() ({
      %run_scoped3A = tpu.sem_alloc : memref<!tpu.dma_semaphore, #tpu.memory_space<semaphore_mem>>
      %dma_start3A = arith.constant 0 : i32
      %dma_start3A_11 = tpu.memref_slice %arg6[%arg0, %mul3A_10, %dma_start3A] : memref<2x10240x152xf32, #tpu.memory_space<hbm>> -> memref<1x640x152xf32, #tpu.memory_space<hbm>>
      %dma_start3A_12 = tpu.memref_squeeze %dma_start3A_11 : memref<1x640x152xf32, #tpu.memory_space<hbm>> -> memref<640x152xf32, #tpu.memory_space<hbm>>
      %dma_start3A_13 = arith.constant 0 : i32
      %dma_start3A_14 = tpu.memref_slice %arg10[%mul3A_8, %dma_start3A_13] : memref<10240x152xf32, #tpu.memory_space<vmem_shared>> -> memref<640x152xf32, #tpu.memory_space<vmem_shared>>
      tpu.enqueue_dma source(%dma_start3A_14 : memref<640x152xf32, #tpu.memory_space<vmem_shared>>) target(%dma_start3A_12 : memref<640x152xf32, #tpu.memory_space<hbm>>) target_semaphore(%run_scoped3A : memref<!tpu.dma_semaphore, #tpu.memory_space<semaphore_mem>>)
      %dma_wait3A = arith.constant 0 : i32
      %dma_wait3A_15 = tpu.memref_slice %arg6[%arg0, %mul3A_10, %dma_wait3A] : memref<2x10240x152xf32, #tpu.memory_space<hbm>> -> memref<1x640x152xf32, #tpu.memory_space<hbm>>
      %dma_wait3A_16 = tpu.memref_squeeze %dma_wait3A_15 : memref<1x640x152xf32, #tpu.memory_space<hbm>> -> memref<640x152xf32, #tpu.memory_space<hbm>>
      %dma_wait3A_17 = arith.constant 0 : i32
      %dma_wait3A_18 = tpu.memref_slice %arg10[%mul3A_8, %dma_wait3A_17] : memref<10240x152xf32, #tpu.memory_space<vmem_shared>> -> memref<640x152xf32, #tpu.memory_space<vmem_shared>>
      tpu.wait_dma2 semaphore(%run_scoped3A : memref<!tpu.dma_semaphore, #tpu.memory_space<semaphore_mem>>) src(%dma_wait3A_18 : memref<640x152xf32, #tpu.memory_space<vmem_shared>>) dst(%dma_wait3A_16 : memref<640x152xf32, #tpu.memory_space<hbm>>)
      tpu.yield
    }) : () -> ()
    return
  }
}

#map = affine_map<(d0, d1) -> (0, 0)>
#map1 = affine_map<(d0, d1) -> (0, 0, 0, 0)>
#map2 = affine_map<(d0, d1) -> (0, 0, 0)>
module attributes {stable_mosaic.version = 14 : i64} {
  func.func @_sc_layer_body(%arg0: i32, %arg1: i32, %arg2: memref<20480x152xf32, #tpu.memory_space<hbm>>, %arg3: memref<2x16x125x80xi32, #tpu.memory_space<hbm>>, %arg4: memref<16x125x80xi32, #tpu.memory_space<hbm>>, %arg5: memref<640x152xf32, #tpu.memory_space<hbm>>, %arg6: memref<2x10240x152xf32, #tpu.memory_space<hbm>>, %arg7: memref<125x80xi32, #tpu.memory_space<vmem>>, %arg8: memref<125x80xi32, #tpu.memory_space<vmem>>, %arg9: memref<80x152xf32, #tpu.memory_space<vmem>>, %arg10: memref<10240x152xf32, #tpu.memory_space<vmem_shared>>, %arg11: memref<!tpu.dma_semaphore, #tpu.memory_space<semaphore_mem>>) attributes {dimension_semantics = [#tpu.dimension_semantics<core_parallel>, #tpu.dimension_semantics<subcore_parallel>], iteration_bounds = array<i64: 2, 16>, scalar_prefetch = 0 : i64, scratch_operands = 5 : i64, tpu.core_type = #tpu.core_type<sc_vector_subcore>, window_params = [{transform_indices = #map}, {transform_indices = #map1}, {transform_indices = #map2}, {transform_indices = #map}, {transform_indices = #map2}]} {
    %mul3A = arith.constant 640 : i32
    %mul3A_0 = arith.muli %arg1, %mul3A : i32
    "tpu.region"() ({
      %run_scoped3A = tpu.sem_alloc : memref<!tpu.dma_semaphore, #tpu.memory_space<semaphore_mem>>
      %dma_start3A = arith.constant 0 : i32
      %dma_start3A_11 = tpu.memref_slice %arg10[%mul3A_0, %dma_start3A] : memref<10240x152xf32, #tpu.memory_space<vmem_shared>> -> memref<640x152xf32, #tpu.memory_space<vmem_shared>>
      tpu.enqueue_dma source(%arg5 : memref<640x152xf32, #tpu.memory_space<hbm>>) target(%dma_start3A_11 : memref<640x152xf32, #tpu.memory_space<vmem_shared>>) target_semaphore(%run_scoped3A : memref<!tpu.dma_semaphore, #tpu.memory_space<semaphore_mem>>)
      %dma_wait3A = arith.constant 0 : i32
      %dma_wait3A_12 = tpu.memref_slice %arg10[%mul3A_0, %dma_wait3A] : memref<10240x152xf32, #tpu.memory_space<vmem_shared>> -> memref<640x152xf32, #tpu.memory_space<vmem_shared>>
      tpu.wait_dma2 semaphore(%run_scoped3A : memref<!tpu.dma_semaphore, #tpu.memory_space<semaphore_mem>>) src(%arg5 : memref<640x152xf32, #tpu.memory_space<hbm>>) dst(%dma_wait3A_12 : memref<640x152xf32, #tpu.memory_space<vmem_shared>>)
      tpu.yield
    }) : () -> ()
    "tpu.region"() ({
      %run_scoped3A = tpu.sem_alloc : memref<!tpu.dma_semaphore, #tpu.memory_space<semaphore_mem>>
      %dma_start3A = arith.constant 0 : i32
      %dma_start3A_11 = arith.constant 0 : i32
      %dma_start3A_12 = tpu.memref_slice %arg3[%arg0, %arg1, %dma_start3A, %dma_start3A_11] : memref<2x16x125x80xi32, #tpu.memory_space<hbm>> -> memref<1x1x125x80xi32, #tpu.memory_space<hbm>>
      %dma_start3A_13 = tpu.memref_squeeze %dma_start3A_12 : memref<1x1x125x80xi32, #tpu.memory_space<hbm>> -> memref<125x80xi32, #tpu.memory_space<hbm>>
      %dma_start3A_14 = arith.constant 0 : i32
      %dma_start3A_15 = arith.constant 0 : i32
      %dma_start3A_16 = tpu.memref_slice %arg3[%arg0, %arg1, %dma_start3A_14, %dma_start3A_15] : memref<2x16x125x80xi32, #tpu.memory_space<hbm>> -> memref<1x1x125x80xi32, #tpu.memory_space<hbm>>
      %dma_start3A_17 = tpu.memref_squeeze %dma_start3A_16 : memref<1x1x125x80xi32, #tpu.memory_space<hbm>> -> memref<125x80xi32, #tpu.memory_space<hbm>>
      tpu.enqueue_dma source(%dma_start3A_17 : memref<125x80xi32, #tpu.memory_space<hbm>>) target(%arg7 : memref<125x80xi32, #tpu.memory_space<vmem>>) target_semaphore(%run_scoped3A : memref<!tpu.dma_semaphore, #tpu.memory_space<semaphore_mem>>)
      %dma_wait3A = arith.constant 0 : i32
      %dma_wait3A_18 = arith.constant 0 : i32
      %dma_wait3A_19 = tpu.memref_slice %arg3[%arg0, %arg1, %dma_wait3A, %dma_wait3A_18] : memref<2x16x125x80xi32, #tpu.memory_space<hbm>> -> memref<1x1x125x80xi32, #tpu.memory_space<hbm>>
      %dma_wait3A_20 = tpu.memref_squeeze %dma_wait3A_19 : memref<1x1x125x80xi32, #tpu.memory_space<hbm>> -> memref<125x80xi32, #tpu.memory_space<hbm>>
      %dma_wait3A_21 = arith.constant 0 : i32
      %dma_wait3A_22 = arith.constant 0 : i32
      %dma_wait3A_23 = tpu.memref_slice %arg3[%arg0, %arg1, %dma_wait3A_21, %dma_wait3A_22] : memref<2x16x125x80xi32, #tpu.memory_space<hbm>> -> memref<1x1x125x80xi32, #tpu.memory_space<hbm>>
      %dma_wait3A_24 = tpu.memref_squeeze %dma_wait3A_23 : memref<1x1x125x80xi32, #tpu.memory_space<hbm>> -> memref<125x80xi32, #tpu.memory_space<hbm>>
      tpu.wait_dma2 semaphore(%run_scoped3A : memref<!tpu.dma_semaphore, #tpu.memory_space<semaphore_mem>>) src(%dma_wait3A_24 : memref<125x80xi32, #tpu.memory_space<hbm>>) dst(%arg7 : memref<125x80xi32, #tpu.memory_space<vmem>>)
      tpu.yield
    }) : () -> ()
    "tpu.region"() ({
      %run_scoped3A = tpu.sem_alloc : memref<!tpu.dma_semaphore, #tpu.memory_space<semaphore_mem>>
      %dma_start3A = arith.constant 0 : i32
      %dma_start3A_11 = arith.constant 0 : i32
      %dma_start3A_12 = tpu.memref_slice %arg4[%arg1, %dma_start3A, %dma_start3A_11] : memref<16x125x80xi32, #tpu.memory_space<hbm>> -> memref<1x125x80xi32, #tpu.memory_space<hbm>>
      %dma_start3A_13 = tpu.memref_squeeze %dma_start3A_12 : memref<1x125x80xi32, #tpu.memory_space<hbm>> -> memref<125x80xi32, #tpu.memory_space<hbm>>
      %dma_start3A_14 = arith.constant 0 : i32
      %dma_start3A_15 = arith.constant 0 : i32
      %dma_start3A_16 = tpu.memref_slice %arg4[%arg1, %dma_start3A_14, %dma_start3A_15] : memref<16x125x80xi32, #tpu.memory_space<hbm>> -> memref<1x125x80xi32, #tpu.memory_space<hbm>>
      %dma_start3A_17 = tpu.memref_squeeze %dma_start3A_16 : memref<1x125x80xi32, #tpu.memory_space<hbm>> -> memref<125x80xi32, #tpu.memory_space<hbm>>
      tpu.enqueue_dma source(%dma_start3A_17 : memref<125x80xi32, #tpu.memory_space<hbm>>) target(%arg8 : memref<125x80xi32, #tpu.memory_space<vmem>>) target_semaphore(%run_scoped3A : memref<!tpu.dma_semaphore, #tpu.memory_space<semaphore_mem>>)
      %dma_wait3A = arith.constant 0 : i32
      %dma_wait3A_18 = arith.constant 0 : i32
      %dma_wait3A_19 = tpu.memref_slice %arg4[%arg1, %dma_wait3A, %dma_wait3A_18] : memref<16x125x80xi32, #tpu.memory_space<hbm>> -> memref<1x125x80xi32, #tpu.memory_space<hbm>>
      %dma_wait3A_20 = tpu.memref_squeeze %dma_wait3A_19 : memref<1x125x80xi32, #tpu.memory_space<hbm>> -> memref<125x80xi32, #tpu.memory_space<hbm>>
      %dma_wait3A_21 = arith.constant 0 : i32
      %dma_wait3A_22 = arith.constant 0 : i32
      %dma_wait3A_23 = tpu.memref_slice %arg4[%arg1, %dma_wait3A_21, %dma_wait3A_22] : memref<16x125x80xi32, #tpu.memory_space<hbm>> -> memref<1x125x80xi32, #tpu.memory_space<hbm>>
      %dma_wait3A_24 = tpu.memref_squeeze %dma_wait3A_23 : memref<1x125x80xi32, #tpu.memory_space<hbm>> -> memref<125x80xi32, #tpu.memory_space<hbm>>
      tpu.wait_dma2 semaphore(%run_scoped3A : memref<!tpu.dma_semaphore, #tpu.memory_space<semaphore_mem>>) src(%dma_wait3A_24 : memref<125x80xi32, #tpu.memory_space<hbm>>) dst(%arg8 : memref<125x80xi32, #tpu.memory_space<vmem>>)
      tpu.yield
    }) : () -> ()
    %barrier3A = arith.constant 0 : index
    tpu.barrier barrier_id(%barrier3A)
    %scan3A = arith.constant 0 : i32
    %scan3A_1 = arith.constant 0 : i32
    %scan3A_2 = arith.constant 125 : i32
    %scan3A_3 = arith.addi %scan3A_1, %scan3A_2 : i32
    %scan3A_4 = arith.constant 1 : i32
    scf.for %scan3A_11 = %scan3A_1 to %scan3A_3 step %scan3A_4  : i32 {
      %dma_start3A = arith.constant 0 : i32
      %dma_start3A_12 = tpu.memref_slice %arg7[%scan3A_11, %dma_start3A] : memref<125x80xi32, #tpu.memory_space<vmem>> -> memref<1x80xi32, #tpu.memory_space<vmem>>
      %dma_start3A_13 = tpu.memref_squeeze %dma_start3A_12 : memref<1x80xi32, #tpu.memory_space<vmem>> -> memref<80xi32, #tpu.memory_space<vmem>>
      %dma_start3A_14 = arith.constant 0 : i32
      %dma_start3A_15 = arith.constant 0 : i32
      %dma_start3A_16 = tpu.memref_slice %arg2[%dma_start3A_14, %dma_start3A_15] : memref<20480x152xf32, #tpu.memory_space<hbm>> -> memref<20480x152xf32, #tpu.memory_space<hbm>>
      tpu.enqueue_indirect_dma source(%dma_start3A_16 : memref<20480x152xf32, #tpu.memory_space<hbm>>) target(%arg9 : memref<80x152xf32, #tpu.memory_space<vmem>>) offsets(%dma_start3A_13 : memref<80xi32, #tpu.memory_space<vmem>>) semaphore(%arg11 : memref<!tpu.dma_semaphore, #tpu.memory_space<semaphore_mem>>)
      %dma_wait3A = arith.constant 0 : i32
      %dma_wait3A_17 = tpu.memref_slice %arg7[%scan3A_11, %dma_wait3A] : memref<125x80xi32, #tpu.memory_space<vmem>> -> memref<1x80xi32, #tpu.memory_space<vmem>>
      %dma_wait3A_18 = tpu.memref_squeeze %dma_wait3A_17 : memref<1x80xi32, #tpu.memory_space<vmem>> -> memref<80xi32, #tpu.memory_space<vmem>>
      %dma_wait3A_19 = arith.constant 0 : i32
      %dma_wait3A_20 = arith.constant 0 : i32
      %dma_wait3A_21 = tpu.memref_slice %arg2[%dma_wait3A_19, %dma_wait3A_20] : memref<20480x152xf32, #tpu.memory_space<hbm>> -> memref<20480x152xf32, #tpu.memory_space<hbm>>
      tpu.wait_indirect_dma semaphore(%arg11 : memref<!tpu.dma_semaphore, #tpu.memory_space<semaphore_mem>>) src(%dma_wait3A_21 : memref<20480x152xf32, #tpu.memory_space<hbm>>) dst(%arg9 : memref<80x152xf32, #tpu.memory_space<vmem>>)
      "tpu.region"() ({
        %run_scoped3A = tpu.sem_alloc : memref<!tpu.dma_semaphore, #tpu.memory_space<semaphore_mem>>
        %dma_start3A_22 = arith.constant 0 : i32
        %dma_start3A_23 = tpu.memref_slice %arg8[%scan3A_11, %dma_start3A_22] : memref<125x80xi32, #tpu.memory_space<vmem>> -> memref<1x80xi32, #tpu.memory_space<vmem>>
        %dma_start3A_24 = tpu.memref_squeeze %dma_start3A_23 : memref<1x80xi32, #tpu.memory_space<vmem>> -> memref<80xi32, #tpu.memory_space<vmem>>
        %dma_start3A_25 = arith.constant 0 : i32
        %dma_start3A_26 = arith.constant 0 : i32
        %dma_start3A_27 = tpu.memref_slice %arg10[%dma_start3A_25, %dma_start3A_26] : memref<10240x152xf32, #tpu.memory_space<vmem_shared>> -> memref<10240x152xf32, #tpu.memory_space<vmem_shared>>
        tpu.enqueue_indirect_dma source(%arg9 : memref<80x152xf32, #tpu.memory_space<vmem>>) target(%dma_start3A_27 : memref<10240x152xf32, #tpu.memory_space<vmem_shared>>) offsets(%dma_start3A_24 : memref<80xi32, #tpu.memory_space<vmem>>) semaphore(%run_scoped3A : memref<!tpu.dma_semaphore, #tpu.memory_space<semaphore_mem>>) {add = true}
        %dma_wait3A_28 = arith.constant 0 : i32
        %dma_wait3A_29 = tpu.memref_slice %arg8[%scan3A_11, %dma_wait3A_28] : memref<125x80xi32, #tpu.memory_space<vmem>> -> memref<1x80xi32, #tpu.memory_space<vmem>>
        %dma_wait3A_30 = tpu.memref_squeeze %dma_wait3A_29 : memref<1x80xi32, #tpu.memory_space<vmem>> -> memref<80xi32, #tpu.memory_space<vmem>>
        %dma_wait3A_31 = arith.constant 0 : i32
        %dma_wait3A_32 = arith.constant 0 : i32
        %dma_wait3A_33 = tpu.memref_slice %arg10[%dma_wait3A_31, %dma_wait3A_32] : memref<10240x152xf32, #tpu.memory_space<vmem_shared>> -> memref<10240x152xf32, #tpu.memory_space<vmem_shared>>
        tpu.wait_indirect_dma semaphore(%run_scoped3A : memref<!tpu.dma_semaphore, #tpu.memory_space<semaphore_mem>>) src(%arg9 : memref<80x152xf32, #tpu.memory_space<vmem>>) dst(%dma_wait3A_33 : memref<10240x152xf32, #tpu.memory_space<vmem_shared>>)
        tpu.yield
      }) : () -> ()
    }
    %scan3A_5 = arith.constant 125 : i32
    %barrier3A_6 = arith.constant 0 : index
    tpu.barrier barrier_id(%barrier3A_6)
    %mul3A_7 = arith.constant 640 : i32
    %mul3A_8 = arith.muli %arg1, %mul3A_7 : i32
    %mul3A_9 = arith.constant 640 : i32
    %mul3A_10 = arith.muli %arg1, %mul3A_9 : i32
    "tpu.region"() ({
      %run_scoped3A = tpu.sem_alloc : memref<!tpu.dma_semaphore, #tpu.memory_space<semaphore_mem>>
      %dma_start3A = arith.constant 0 : i32
      %dma_start3A_11 = tpu.memref_slice %arg6[%arg0, %mul3A_10, %dma_start3A] : memref<2x10240x152xf32, #tpu.memory_space<hbm>> -> memref<1x640x152xf32, #tpu.memory_space<hbm>>
      %dma_start3A_12 = tpu.memref_squeeze %dma_start3A_11 : memref<1x640x152xf32, #tpu.memory_space<hbm>> -> memref<640x152xf32, #tpu.memory_space<hbm>>
      %dma_start3A_13 = arith.constant 0 : i32
      %dma_start3A_14 = tpu.memref_slice %arg10[%mul3A_8, %dma_start3A_13] : memref<10240x152xf32, #tpu.memory_space<vmem_shared>> -> memref<640x152xf32, #tpu.memory_space<vmem_shared>>
      tpu.enqueue_dma source(%dma_start3A_14 : memref<640x152xf32, #tpu.memory_space<vmem_shared>>) target(%dma_start3A_12 : memref<640x152xf32, #tpu.memory_space<hbm>>) target_semaphore(%run_scoped3A : memref<!tpu.dma_semaphore, #tpu.memory_space<semaphore_mem>>)
      %dma_wait3A = arith.constant 0 : i32
      %dma_wait3A_15 = tpu.memref_slice %arg6[%arg0, %mul3A_10, %dma_wait3A] : memref<2x10240x152xf32, #tpu.memory_space<hbm>> -> memref<1x640x152xf32, #tpu.memory_space<hbm>>
      %dma_wait3A_16 = tpu.memref_squeeze %dma_wait3A_15 : memref<1x640x152xf32, #tpu.memory_space<hbm>> -> memref<640x152xf32, #tpu.memory_space<hbm>>
      %dma_wait3A_17 = arith.constant 0 : i32
      %dma_wait3A_18 = tpu.memref_slice %arg10[%mul3A_8, %dma_wait3A_17] : memref<10240x152xf32, #tpu.memory_space<vmem_shared>> -> memref<640x152xf32, #tpu.memory_space<vmem_shared>>
      tpu.wait_dma2 semaphore(%run_scoped3A : memref<!tpu.dma_semaphore, #tpu.memory_space<semaphore_mem>>) src(%dma_wait3A_18 : memref<640x152xf32, #tpu.memory_space<vmem_shared>>) dst(%dma_wait3A_16 : memref<640x152xf32, #tpu.memory_space<hbm>>)
      tpu.yield
    }) : () -> ()
    return
  }
}

#map = affine_map<(d0, d1) -> (0, 0)>
#map1 = affine_map<(d0, d1) -> (0, 0, 0, 0)>
#map2 = affine_map<(d0, d1) -> (0, 0, 0)>
module attributes {stable_mosaic.version = 14 : i64} {
  func.func @_sc_layer_body(%arg0: i32, %arg1: i32, %arg2: memref<20480x152xf32, #tpu.memory_space<hbm>>, %arg3: memref<2x16x125x80xi32, #tpu.memory_space<hbm>>, %arg4: memref<16x125x80xi32, #tpu.memory_space<hbm>>, %arg5: memref<640x152xf32, #tpu.memory_space<hbm>>, %arg6: memref<2x10240x152xf32, #tpu.memory_space<hbm>>, %arg7: memref<125x80xi32, #tpu.memory_space<vmem>>, %arg8: memref<125x80xi32, #tpu.memory_space<vmem>>, %arg9: memref<80x152xf32, #tpu.memory_space<vmem>>, %arg10: memref<10240x152xf32, #tpu.memory_space<vmem_shared>>, %arg11: memref<!tpu.dma_semaphore, #tpu.memory_space<semaphore_mem>>) attributes {dimension_semantics = [#tpu.dimension_semantics<core_parallel>, #tpu.dimension_semantics<subcore_parallel>], iteration_bounds = array<i64: 2, 16>, scalar_prefetch = 0 : i64, scratch_operands = 5 : i64, tpu.core_type = #tpu.core_type<sc_vector_subcore>, window_params = [{transform_indices = #map}, {transform_indices = #map1}, {transform_indices = #map2}, {transform_indices = #map}, {transform_indices = #map2}]} {
    %mul3A = arith.constant 640 : i32
    %mul3A_0 = arith.muli %arg1, %mul3A : i32
    "tpu.region"() ({
      %run_scoped3A = tpu.sem_alloc : memref<!tpu.dma_semaphore, #tpu.memory_space<semaphore_mem>>
      %dma_start3A = arith.constant 0 : i32
      %dma_start3A_11 = tpu.memref_slice %arg10[%mul3A_0, %dma_start3A] : memref<10240x152xf32, #tpu.memory_space<vmem_shared>> -> memref<640x152xf32, #tpu.memory_space<vmem_shared>>
      tpu.enqueue_dma source(%arg5 : memref<640x152xf32, #tpu.memory_space<hbm>>) target(%dma_start3A_11 : memref<640x152xf32, #tpu.memory_space<vmem_shared>>) target_semaphore(%run_scoped3A : memref<!tpu.dma_semaphore, #tpu.memory_space<semaphore_mem>>)
      %dma_wait3A = arith.constant 0 : i32
      %dma_wait3A_12 = tpu.memref_slice %arg10[%mul3A_0, %dma_wait3A] : memref<10240x152xf32, #tpu.memory_space<vmem_shared>> -> memref<640x152xf32, #tpu.memory_space<vmem_shared>>
      tpu.wait_dma2 semaphore(%run_scoped3A : memref<!tpu.dma_semaphore, #tpu.memory_space<semaphore_mem>>) src(%arg5 : memref<640x152xf32, #tpu.memory_space<hbm>>) dst(%dma_wait3A_12 : memref<640x152xf32, #tpu.memory_space<vmem_shared>>)
      tpu.yield
    }) : () -> ()
    "tpu.region"() ({
      %run_scoped3A = tpu.sem_alloc : memref<!tpu.dma_semaphore, #tpu.memory_space<semaphore_mem>>
      %dma_start3A = arith.constant 0 : i32
      %dma_start3A_11 = arith.constant 0 : i32
      %dma_start3A_12 = tpu.memref_slice %arg3[%arg0, %arg1, %dma_start3A, %dma_start3A_11] : memref<2x16x125x80xi32, #tpu.memory_space<hbm>> -> memref<1x1x125x80xi32, #tpu.memory_space<hbm>>
      %dma_start3A_13 = tpu.memref_squeeze %dma_start3A_12 : memref<1x1x125x80xi32, #tpu.memory_space<hbm>> -> memref<125x80xi32, #tpu.memory_space<hbm>>
      %dma_start3A_14 = arith.constant 0 : i32
      %dma_start3A_15 = arith.constant 0 : i32
      %dma_start3A_16 = tpu.memref_slice %arg3[%arg0, %arg1, %dma_start3A_14, %dma_start3A_15] : memref<2x16x125x80xi32, #tpu.memory_space<hbm>> -> memref<1x1x125x80xi32, #tpu.memory_space<hbm>>
      %dma_start3A_17 = tpu.memref_squeeze %dma_start3A_16 : memref<1x1x125x80xi32, #tpu.memory_space<hbm>> -> memref<125x80xi32, #tpu.memory_space<hbm>>
      tpu.enqueue_dma source(%dma_start3A_17 : memref<125x80xi32, #tpu.memory_space<hbm>>) target(%arg7 : memref<125x80xi32, #tpu.memory_space<vmem>>) target_semaphore(%run_scoped3A : memref<!tpu.dma_semaphore, #tpu.memory_space<semaphore_mem>>)
      %dma_wait3A = arith.constant 0 : i32
      %dma_wait3A_18 = arith.constant 0 : i32
      %dma_wait3A_19 = tpu.memref_slice %arg3[%arg0, %arg1, %dma_wait3A, %dma_wait3A_18] : memref<2x16x125x80xi32, #tpu.memory_space<hbm>> -> memref<1x1x125x80xi32, #tpu.memory_space<hbm>>
      %dma_wait3A_20 = tpu.memref_squeeze %dma_wait3A_19 : memref<1x1x125x80xi32, #tpu.memory_space<hbm>> -> memref<125x80xi32, #tpu.memory_space<hbm>>
      %dma_wait3A_21 = arith.constant 0 : i32
      %dma_wait3A_22 = arith.constant 0 : i32
      %dma_wait3A_23 = tpu.memref_slice %arg3[%arg0, %arg1, %dma_wait3A_21, %dma_wait3A_22] : memref<2x16x125x80xi32, #tpu.memory_space<hbm>> -> memref<1x1x125x80xi32, #tpu.memory_space<hbm>>
      %dma_wait3A_24 = tpu.memref_squeeze %dma_wait3A_23 : memref<1x1x125x80xi32, #tpu.memory_space<hbm>> -> memref<125x80xi32, #tpu.memory_space<hbm>>
      tpu.wait_dma2 semaphore(%run_scoped3A : memref<!tpu.dma_semaphore, #tpu.memory_space<semaphore_mem>>) src(%dma_wait3A_24 : memref<125x80xi32, #tpu.memory_space<hbm>>) dst(%arg7 : memref<125x80xi32, #tpu.memory_space<vmem>>)
      tpu.yield
    }) : () -> ()
    "tpu.region"() ({
      %run_scoped3A = tpu.sem_alloc : memref<!tpu.dma_semaphore, #tpu.memory_space<semaphore_mem>>
      %dma_start3A = arith.constant 0 : i32
      %dma_start3A_11 = arith.constant 0 : i32
      %dma_start3A_12 = tpu.memref_slice %arg4[%arg1, %dma_start3A, %dma_start3A_11] : memref<16x125x80xi32, #tpu.memory_space<hbm>> -> memref<1x125x80xi32, #tpu.memory_space<hbm>>
      %dma_start3A_13 = tpu.memref_squeeze %dma_start3A_12 : memref<1x125x80xi32, #tpu.memory_space<hbm>> -> memref<125x80xi32, #tpu.memory_space<hbm>>
      %dma_start3A_14 = arith.constant 0 : i32
      %dma_start3A_15 = arith.constant 0 : i32
      %dma_start3A_16 = tpu.memref_slice %arg4[%arg1, %dma_start3A_14, %dma_start3A_15] : memref<16x125x80xi32, #tpu.memory_space<hbm>> -> memref<1x125x80xi32, #tpu.memory_space<hbm>>
      %dma_start3A_17 = tpu.memref_squeeze %dma_start3A_16 : memref<1x125x80xi32, #tpu.memory_space<hbm>> -> memref<125x80xi32, #tpu.memory_space<hbm>>
      tpu.enqueue_dma source(%dma_start3A_17 : memref<125x80xi32, #tpu.memory_space<hbm>>) target(%arg8 : memref<125x80xi32, #tpu.memory_space<vmem>>) target_semaphore(%run_scoped3A : memref<!tpu.dma_semaphore, #tpu.memory_space<semaphore_mem>>)
      %dma_wait3A = arith.constant 0 : i32
      %dma_wait3A_18 = arith.constant 0 : i32
      %dma_wait3A_19 = tpu.memref_slice %arg4[%arg1, %dma_wait3A, %dma_wait3A_18] : memref<16x125x80xi32, #tpu.memory_space<hbm>> -> memref<1x125x80xi32, #tpu.memory_space<hbm>>
      %dma_wait3A_20 = tpu.memref_squeeze %dma_wait3A_19 : memref<1x125x80xi32, #tpu.memory_space<hbm>> -> memref<125x80xi32, #tpu.memory_space<hbm>>
      %dma_wait3A_21 = arith.constant 0 : i32
      %dma_wait3A_22 = arith.constant 0 : i32
      %dma_wait3A_23 = tpu.memref_slice %arg4[%arg1, %dma_wait3A_21, %dma_wait3A_22] : memref<16x125x80xi32, #tpu.memory_space<hbm>> -> memref<1x125x80xi32, #tpu.memory_space<hbm>>
      %dma_wait3A_24 = tpu.memref_squeeze %dma_wait3A_23 : memref<1x125x80xi32, #tpu.memory_space<hbm>> -> memref<125x80xi32, #tpu.memory_space<hbm>>
      tpu.wait_dma2 semaphore(%run_scoped3A : memref<!tpu.dma_semaphore, #tpu.memory_space<semaphore_mem>>) src(%dma_wait3A_24 : memref<125x80xi32, #tpu.memory_space<hbm>>) dst(%arg8 : memref<125x80xi32, #tpu.memory_space<vmem>>)
      tpu.yield
    }) : () -> ()
    %barrier3A = arith.constant 0 : index
    tpu.barrier barrier_id(%barrier3A)
    %scan3A = arith.constant 0 : i32
    %scan3A_1 = arith.constant 0 : i32
    %scan3A_2 = arith.constant 125 : i32
    %scan3A_3 = arith.addi %scan3A_1, %scan3A_2 : i32
    %scan3A_4 = arith.constant 1 : i32
    scf.for %scan3A_11 = %scan3A_1 to %scan3A_3 step %scan3A_4  : i32 {
      %dma_start3A = arith.constant 0 : i32
      %dma_start3A_12 = tpu.memref_slice %arg7[%scan3A_11, %dma_start3A] : memref<125x80xi32, #tpu.memory_space<vmem>> -> memref<1x80xi32, #tpu.memory_space<vmem>>
      %dma_start3A_13 = tpu.memref_squeeze %dma_start3A_12 : memref<1x80xi32, #tpu.memory_space<vmem>> -> memref<80xi32, #tpu.memory_space<vmem>>
      %dma_start3A_14 = arith.constant 0 : i32
      %dma_start3A_15 = arith.constant 0 : i32
      %dma_start3A_16 = tpu.memref_slice %arg2[%dma_start3A_14, %dma_start3A_15] : memref<20480x152xf32, #tpu.memory_space<hbm>> -> memref<20480x152xf32, #tpu.memory_space<hbm>>
      tpu.enqueue_indirect_dma source(%dma_start3A_16 : memref<20480x152xf32, #tpu.memory_space<hbm>>) target(%arg9 : memref<80x152xf32, #tpu.memory_space<vmem>>) offsets(%dma_start3A_13 : memref<80xi32, #tpu.memory_space<vmem>>) semaphore(%arg11 : memref<!tpu.dma_semaphore, #tpu.memory_space<semaphore_mem>>)
      %dma_wait3A = arith.constant 0 : i32
      %dma_wait3A_17 = tpu.memref_slice %arg7[%scan3A_11, %dma_wait3A] : memref<125x80xi32, #tpu.memory_space<vmem>> -> memref<1x80xi32, #tpu.memory_space<vmem>>
      %dma_wait3A_18 = tpu.memref_squeeze %dma_wait3A_17 : memref<1x80xi32, #tpu.memory_space<vmem>> -> memref<80xi32, #tpu.memory_space<vmem>>
      %dma_wait3A_19 = arith.constant 0 : i32
      %dma_wait3A_20 = arith.constant 0 : i32
      %dma_wait3A_21 = tpu.memref_slice %arg2[%dma_wait3A_19, %dma_wait3A_20] : memref<20480x152xf32, #tpu.memory_space<hbm>> -> memref<20480x152xf32, #tpu.memory_space<hbm>>
      tpu.wait_indirect_dma semaphore(%arg11 : memref<!tpu.dma_semaphore, #tpu.memory_space<semaphore_mem>>) src(%dma_wait3A_21 : memref<20480x152xf32, #tpu.memory_space<hbm>>) dst(%arg9 : memref<80x152xf32, #tpu.memory_space<vmem>>)
      "tpu.region"() ({
        %run_scoped3A = tpu.sem_alloc : memref<!tpu.dma_semaphore, #tpu.memory_space<semaphore_mem>>
        %dma_start3A_22 = arith.constant 0 : i32
        %dma_start3A_23 = tpu.memref_slice %arg8[%scan3A_11, %dma_start3A_22] : memref<125x80xi32, #tpu.memory_space<vmem>> -> memref<1x80xi32, #tpu.memory_space<vmem>>
        %dma_start3A_24 = tpu.memref_squeeze %dma_start3A_23 : memref<1x80xi32, #tpu.memory_space<vmem>> -> memref<80xi32, #tpu.memory_space<vmem>>
        %dma_start3A_25 = arith.constant 0 : i32
        %dma_start3A_26 = arith.constant 0 : i32
        %dma_start3A_27 = tpu.memref_slice %arg10[%dma_start3A_25, %dma_start3A_26] : memref<10240x152xf32, #tpu.memory_space<vmem_shared>> -> memref<10240x152xf32, #tpu.memory_space<vmem_shared>>
        tpu.enqueue_indirect_dma source(%arg9 : memref<80x152xf32, #tpu.memory_space<vmem>>) target(%dma_start3A_27 : memref<10240x152xf32, #tpu.memory_space<vmem_shared>>) offsets(%dma_start3A_24 : memref<80xi32, #tpu.memory_space<vmem>>) semaphore(%run_scoped3A : memref<!tpu.dma_semaphore, #tpu.memory_space<semaphore_mem>>) {add = true}
        %dma_wait3A_28 = arith.constant 0 : i32
        %dma_wait3A_29 = tpu.memref_slice %arg8[%scan3A_11, %dma_wait3A_28] : memref<125x80xi32, #tpu.memory_space<vmem>> -> memref<1x80xi32, #tpu.memory_space<vmem>>
        %dma_wait3A_30 = tpu.memref_squeeze %dma_wait3A_29 : memref<1x80xi32, #tpu.memory_space<vmem>> -> memref<80xi32, #tpu.memory_space<vmem>>
        %dma_wait3A_31 = arith.constant 0 : i32
        %dma_wait3A_32 = arith.constant 0 : i32
        %dma_wait3A_33 = tpu.memref_slice %arg10[%dma_wait3A_31, %dma_wait3A_32] : memref<10240x152xf32, #tpu.memory_space<vmem_shared>> -> memref<10240x152xf32, #tpu.memory_space<vmem_shared>>
        tpu.wait_indirect_dma semaphore(%run_scoped3A : memref<!tpu.dma_semaphore, #tpu.memory_space<semaphore_mem>>) src(%arg9 : memref<80x152xf32, #tpu.memory_space<vmem>>) dst(%dma_wait3A_33 : memref<10240x152xf32, #tpu.memory_space<vmem_shared>>)
        tpu.yield
      }) : () -> ()
    }
    %scan3A_5 = arith.constant 125 : i32
    %barrier3A_6 = arith.constant 0 : index
    tpu.barrier barrier_id(%barrier3A_6)
    %mul3A_7 = arith.constant 640 : i32
    %mul3A_8 = arith.muli %arg1, %mul3A_7 : i32
    %mul3A_9 = arith.constant 640 : i32
    %mul3A_10 = arith.muli %arg1, %mul3A_9 : i32
    "tpu.region"() ({
      %run_scoped3A = tpu.sem_alloc : memref<!tpu.dma_semaphore, #tpu.memory_space<semaphore_mem>>
      %dma_start3A = arith.constant 0 : i32
      %dma_start3A_11 = tpu.memref_slice %arg6[%arg0, %mul3A_10, %dma_start3A] : memref<2x10240x152xf32, #tpu.memory_space<hbm>> -> memref<1x640x152xf32, #tpu.memory_space<hbm>>
      %dma_start3A_12 = tpu.memref_squeeze %dma_start3A_11 : memref<1x640x152xf32, #tpu.memory_space<hbm>> -> memref<640x152xf32, #tpu.memory_space<hbm>>
      %dma_start3A_13 = arith.constant 0 : i32
      %dma_start3A_14 = tpu.memref_slice %arg10[%mul3A_8, %dma_start3A_13] : memref<10240x152xf32, #tpu.memory_space<vmem_shared>> -> memref<640x152xf32, #tpu.memory_space<vmem_shared>>
      tpu.enqueue_dma source(%dma_start3A_14 : memref<640x152xf32, #tpu.memory_space<vmem_shared>>) target(%dma_start3A_12 : memref<640x152xf32, #tpu.memory_space<hbm>>) target_semaphore(%run_scoped3A : memref<!tpu.dma_semaphore, #tpu.memory_space<semaphore_mem>>)
      %dma_wait3A = arith.constant 0 : i32
      %dma_wait3A_15 = tpu.memref_slice %arg6[%arg0, %mul3A_10, %dma_wait3A] : memref<2x10240x152xf32, #tpu.memory_space<hbm>> -> memref<1x640x152xf32, #tpu.memory_space<hbm>>
      %dma_wait3A_16 = tpu.memref_squeeze %dma_wait3A_15 : memref<1x640x152xf32, #tpu.memory_space<hbm>> -> memref<640x152xf32, #tpu.memory_space<hbm>>
      %dma_wait3A_17 = arith.constant 0 : i32
      %dma_wait3A_18 = tpu.memref_slice %arg10[%mul3A_8, %dma_wait3A_17] : memref<10240x152xf32, #tpu.memory_space<vmem_shared>> -> memref<640x152xf32, #tpu.memory_space<vmem_shared>>
      tpu.wait_dma2 semaphore(%run_scoped3A : memref<!tpu.dma_semaphore, #tpu.memory_space<semaphore_mem>>) src(%dma_wait3A_18 : memref<640x152xf32, #tpu.memory_space<vmem_shared>>) dst(%dma_wait3A_16 : memref<640x152xf32, #tpu.memory_space<hbm>>)
      tpu.yield
    }) : () -> ()
    return
  }
}

module attributes {stable_mosaic.version = 14 : i64} {
  func.func @_t0_body(%arg0: i32, %arg1: memref<1x1x512xi32, #tpu.memory_space<vmem>>, %arg2: memref<1x1x512xi32, #tpu.memory_space<vmem>>, %arg3: memref<128x300xf32, #tpu.memory_space<vmem>>, %arg4: memref<8x300xf32, #tpu.memory_space<vmem>>, %arg5: memref<2x512x152xf32, #tpu.memory_space<vmem>>) attributes {dimension_semantics = [#tpu.dimension_semantics<arbitrary>], iteration_bounds = array<i64: 20>, scalar_prefetch = 0 : i64, scratch_operands = 0 : i64, tpu.core_type = #tpu.core_type<tc>, window_params = [{transform_indices = @transform_0, window_bounds = array<i64: 1, 1, 512>}, {transform_indices = @transform_1, window_bounds = array<i64: 1, 1, 512>}, {pipeline_mode = #tpu.pipeline_mode<synchronous>, transform_indices = @transform_2, window_bounds = array<i64: 128, 300>}, {pipeline_mode = #tpu.pipeline_mode<synchronous>, transform_indices = @transform_3, window_bounds = array<i64: 8, 300>}, {transform_indices = @transform_4, window_bounds = array<i64: 2, 512, 152>}]} {
    %get3A = arith.constant 0 : index
    %get3A_0 = arith.constant 0 : index
    %get3A_1 = arith.constant 0 : index
    %get3A_2 = vector.load %arg1[%get3A, %get3A_0, %get3A_1] : memref<1x1x512xi32, #tpu.memory_space<vmem>>, vector<1x1x512xi32>
    %get3A_3 = vector.shape_cast %get3A_2 : vector<1x1x512xi32> to vector<512xi32>
    %get3A_4 = arith.constant 0 : index
    %get3A_5 = arith.constant 0 : index
    %get3A_6 = arith.constant 0 : index
    %get3A_7 = vector.load %arg2[%get3A_4, %get3A_5, %get3A_6] : memref<1x1x512xi32, #tpu.memory_space<vmem>>, vector<1x1x512xi32>
    %get3A_8 = vector.shape_cast %get3A_7 : vector<1x1x512xi32> to vector<512xi32>
    %broadcast_in_dim3A = vector.shape_cast %get3A_3 : vector<512xi32> to vector<512x1xi32>
    %iota3A = tpu.iota {dimensions = array<i32: 1>} : vector<512x128xi32>
    %eq3A = vector.broadcast %broadcast_in_dim3A : vector<512x1xi32> to vector<512x128xi32>
    %eq3A_9 = arith.cmpi eq, %eq3A, %iota3A : vector<512x128xi32>
    %convert_element_type3A = arith.extui %eq3A_9 : vector<512x128xi1> to vector<512x128xi32>
    %convert_element_type3A_10 = arith.sitofp %convert_element_type3A : vector<512x128xi32> to vector<512x128xf32>
    %broadcast_in_dim3A_11 = vector.shape_cast %get3A_8 : vector<512xi32> to vector<512x1xi32>
    %iota3A_12 = tpu.iota {dimensions = array<i32: 1>} : vector<512x8xi32>
    %eq3A_13 = vector.broadcast %broadcast_in_dim3A_11 : vector<512x1xi32> to vector<512x8xi32>
    %eq3A_14 = arith.cmpi eq, %eq3A_13, %iota3A_12 : vector<512x8xi32>
    %convert_element_type3A_15 = arith.extui %eq3A_14 : vector<512x8xi1> to vector<512x8xi32>
    %convert_element_type3A_16 = arith.sitofp %convert_element_type3A_15 : vector<512x8xi32> to vector<512x8xf32>
    %get3A_17 = arith.constant 0 : index
    %get3A_18 = arith.constant 0 : index
    %get3A_19 = vector.load %arg3[%get3A_17, %get3A_18] : memref<128x300xf32, #tpu.memory_space<vmem>>, vector<128x300xf32>
    %dot_general3A = arith.constant dense<0.000000e+00> : vector<512x300xf32>
    %dot_general3A_20 = tpu.matmul %convert_element_type3A_10, %get3A_19, %dot_general3A {dimension_numbers = #tpu.dot_dimension_numbers<[1], [0], [0], [1], [0, 0, 1, 1], [], []>, transpose_lhs_hint = false} : vector<512x128xf32>, vector<128x300xf32>, vector<512x300xf32> -> vector<512x300xf32>
    %get3A_21 = arith.constant 0 : index
    %get3A_22 = arith.constant 0 : index
    %get3A_23 = vector.load %arg4[%get3A_21, %get3A_22] : memref<8x300xf32, #tpu.memory_space<vmem>>, vector<8x300xf32>
    %dot_general3A_24 = arith.constant dense<0.000000e+00> : vector<512x300xf32>
    %dot_general3A_25 = tpu.matmul %convert_element_type3A_16, %get3A_23, %dot_general3A_24 {dimension_numbers = #tpu.dot_dimension_numbers<[1], [0], [0], [1], [0, 0, 1, 1], [], []>, transpose_lhs_hint = false} : vector<512x8xf32>, vector<8x300xf32>, vector<512x300xf32> -> vector<512x300xf32>
    %add3A = arith.addf %dot_general3A_20, %dot_general3A_25 : vector<512x300xf32>
    %broadcast_in_dim3A_26 = arith.constant 0.000000e+00 : f32
    %broadcast_in_dim3A_27 = vector.broadcast %broadcast_in_dim3A_26 : f32 to vector<512x2xf32>
    %slice3A = vector.extract_strided_slice %add3A {offsets = [0, 0], sizes = [512, 150], strides = [1, 1]} : vector<512x300xf32> to vector<512x150xf32>
    %concatenate3A = tpu.concatenate %slice3A, %broadcast_in_dim3A_27 in 1 : vector<512x150xf32>, vector<512x2xf32> -> vector<512x152xf32>
    %slice3A_28 = vector.extract_strided_slice %add3A {offsets = [0, 150], sizes = [512, 150], strides = [1, 1]} : vector<512x300xf32> to vector<512x150xf32>
    %concatenate3A_29 = tpu.concatenate %slice3A_28, %broadcast_in_dim3A_27 in 1 : vector<512x150xf32>, vector<512x2xf32> -> vector<512x152xf32>
    %stack3A = vector.shape_cast %concatenate3A : vector<512x152xf32> to vector<1x512x152xf32>
    %stack3A_30 = vector.shape_cast %concatenate3A_29 : vector<512x152xf32> to vector<1x512x152xf32>
    %stack3A_31 = tpu.concatenate %stack3A, %stack3A_30 in 0 : vector<1x512x152xf32>, vector<1x512x152xf32> -> vector<2x512x152xf32>
    %swap3A = arith.constant 0 : index
    %swap3A_32 = arith.constant 0 : index
    %swap3A_33 = arith.constant 0 : index
    %swap3A_34 = vector.load %arg5[%swap3A, %swap3A_32, %swap3A_33] : memref<2x512x152xf32, #tpu.memory_space<vmem>>, vector<2x512x152xf32>
    tpu.vector_store %arg5[%swap3A, %swap3A_32, %swap3A_33], %stack3A_31 {strides = array<i32>} : memref<2x512x152xf32, #tpu.memory_space<vmem>>, vector<2x512x152xf32>,
    return
  }
  func.func @transform_0(%arg0: i32) -> (i32, i32, i32) {
    %c0_i32 = arith.constant 0 : i32
    %c0_i32_0 = arith.constant 0 : i32
    %c0_i32_1 = arith.constant 0 : i32
    return %arg0, %c0_i32, %c0_i32_0 : i32, i32, i32
  }
  func.func @transform_1(%arg0: i32) -> (i32, i32, i32) {
    %c0_i32 = arith.constant 0 : i32
    %c0_i32_0 = arith.constant 0 : i32
    %c0_i32_1 = arith.constant 0 : i32
    return %arg0, %c0_i32, %c0_i32_0 : i32, i32, i32
  }
  func.func @transform_2(%arg0: i32) -> (i32, i32) {
    %c0_i32 = arith.constant 0 : i32
    %c0_i32_0 = arith.constant 0 : i32
    %c0_i32_1 = arith.constant 0 : i32
    return %c0_i32, %c0_i32_0 : i32, i32
  }
  func.func @transform_3(%arg0: i32) -> (i32, i32) {
    %c0_i32 = arith.constant 0 : i32
    %c0_i32_0 = arith.constant 0 : i32
    %c0_i32_1 = arith.constant 0 : i32
    return %c0_i32, %c0_i32_0 : i32, i32
  }
  func.func @transform_4(%arg0: i32) -> (i32, i32, i32) {
    %c0_i32 = arith.constant 0 : i32
    %c0_i32_0 = arith.constant 0 : i32
    %c0_i32_1 = arith.constant 0 : i32
    return %c0_i32, %arg0, %c0_i32_0 : i32, i32, i32
  }
}

module attributes {stable_mosaic.version = 14 : i64} {
  func.func @_mlp_body(%arg0: i32, %arg1: memref<2x512x152xf32, #tpu.memory_space<vmem>>, %arg2: memref<512x32xf32, #tpu.memory_space<vmem>>, %arg3: memref<32x300xf32, #tpu.memory_space<vmem>>, %arg4: memref<300x600xf32, #tpu.memory_space<vmem>>, %arg5: memref<1x600xf32, #tpu.memory_space<vmem>>, %arg6: memref<600x300xf32, #tpu.memory_space<vmem>>, %arg7: memref<1x300xf32, #tpu.memory_space<vmem>>, %arg8: memref<2x512x152xf32, #tpu.memory_space<vmem>>) attributes {dimension_semantics = [#tpu.dimension_semantics<arbitrary>], iteration_bounds = array<i64: 20>, scalar_prefetch = 0 : i64, scratch_operands = 0 : i64, tpu.core_type = #tpu.core_type<tc>, window_params = [{transform_indices = @transform_0, window_bounds = array<i64: 2, 512, 152>}, {transform_indices = @transform_1, window_bounds = array<i64: 512, 32>}, {pipeline_mode = #tpu.pipeline_mode<synchronous>, transform_indices = @transform_2, window_bounds = array<i64: 32, 300>}, {pipeline_mode = #tpu.pipeline_mode<synchronous>, transform_indices = @transform_3, window_bounds = array<i64: 300, 600>}, {pipeline_mode = #tpu.pipeline_mode<synchronous>, transform_indices = @transform_4, window_bounds = array<i64: 1, 600>}, {pipeline_mode = #tpu.pipeline_mode<synchronous>, transform_indices = @transform_5, window_bounds = array<i64: 600, 300>}, {pipeline_mode = #tpu.pipeline_mode<synchronous>, transform_indices = @transform_6, window_bounds = array<i64: 1, 300>}, {transform_indices = @transform_7, window_bounds = array<i64: 2, 512, 152>}]} {
    %get3A = arith.constant 0 : index
    %get3A_0 = arith.constant 0 : index
    %get3A_1 = arith.constant 0 : index
    %get3A_2 = vector.load %arg1[%get3A, %get3A_0, %get3A_1] : memref<2x512x152xf32, #tpu.memory_space<vmem>>, vector<1x512x150xf32>
    %get3A_3 = vector.shape_cast %get3A_2 : vector<1x512x150xf32> to vector<512x150xf32>
    %get3A_4 = arith.constant 1 : index
    %get3A_5 = arith.constant 0 : index
    %get3A_6 = arith.constant 0 : index
    %get3A_7 = vector.load %arg1[%get3A_4, %get3A_5, %get3A_6] : memref<2x512x152xf32, #tpu.memory_space<vmem>>, vector<1x512x150xf32>
    %get3A_8 = vector.shape_cast %get3A_7 : vector<1x512x150xf32> to vector<512x150xf32>
    %concatenate3A = tpu.concatenate %get3A_3, %get3A_8 in 1 : vector<512x150xf32>, vector<512x150xf32> -> vector<512x300xf32>
    %get3A_9 = arith.constant 0 : index
    %get3A_10 = arith.constant 0 : index
    %get3A_11 = vector.load %arg2[%get3A_9, %get3A_10] : memref<512x32xf32, #tpu.memory_space<vmem>>, vector<512x32xf32>
    %get3A_12 = arith.constant 0 : index
    %get3A_13 = arith.constant 0 : index
    %get3A_14 = vector.load %arg3[%get3A_12, %get3A_13] : memref<32x300xf32, #tpu.memory_space<vmem>>, vector<32x300xf32>
    %dot_general3A = arith.constant dense<0.000000e+00> : vector<512x300xf32>
    %dot_general3A_15 = tpu.matmul %get3A_11, %get3A_14, %dot_general3A {dimension_numbers = #tpu.dot_dimension_numbers<[1], [0], [0], [1], [0, 0, 1, 1], [], []>, transpose_lhs_hint = false} : vector<512x32xf32>, vector<32x300xf32>, vector<512x300xf32> -> vector<512x300xf32>
    %add3A = arith.addf %concatenate3A, %dot_general3A_15 : vector<512x300xf32>
    %get3A_16 = arith.constant 0 : index
    %get3A_17 = arith.constant 0 : index
    %get3A_18 = vector.load %arg4[%get3A_16, %get3A_17] : memref<300x600xf32, #tpu.memory_space<vmem>>, vector<300x600xf32>
    %dot_general3A_19 = arith.constant dense<0.000000e+00> : vector<512x600xf32>
    %dot_general3A_20 = tpu.matmul %add3A, %get3A_18, %dot_general3A_19 {dimension_numbers = #tpu.dot_dimension_numbers<[1], [0], [0], [1], [0, 0, 1, 1], [], []>, transpose_lhs_hint = false} : vector<512x300xf32>, vector<300x600xf32>, vector<512x600xf32> -> vector<512x600xf32>
    %get3A_21 = arith.constant 0 : index
    %get3A_22 = arith.constant 0 : index
    %get3A_23 = vector.load %arg5[%get3A_21, %get3A_22] : memref<1x600xf32, #tpu.memory_space<vmem>>, vector<1x600xf32>
    %add3A_24 = vector.broadcast %get3A_23 : vector<1x600xf32> to vector<512x600xf32>
    %add3A_25 = arith.addf %dot_general3A_20, %add3A_24 : vector<512x600xf32>
    %max3A = arith.constant 0.000000e+00 : f32
    %max3A_26 = vector.broadcast %max3A : f32 to vector<512x600xf32>
    %max3A_27 = arith.maximumf %add3A_25, %max3A_26 : vector<512x600xf32>
    %get3A_28 = arith.constant 0 : index
    %get3A_29 = arith.constant 0 : index
    %get3A_30 = vector.load %arg6[%get3A_28, %get3A_29] : memref<600x300xf32, #tpu.memory_space<vmem>>, vector<600x300xf32>
    %dot_general3A_31 = arith.constant dense<0.000000e+00> : vector<512x300xf32>
    %dot_general3A_32 = tpu.matmul %max3A_27, %get3A_30, %dot_general3A_31 {dimension_numbers = #tpu.dot_dimension_numbers<[1], [0], [0], [1], [0, 0, 1, 1], [], []>, transpose_lhs_hint = false} : vector<512x600xf32>, vector<600x300xf32>, vector<512x300xf32> -> vector<512x300xf32>
    %get3A_33 = arith.constant 0 : index
    %get3A_34 = arith.constant 0 : index
    %get3A_35 = vector.load %arg7[%get3A_33, %get3A_34] : memref<1x300xf32, #tpu.memory_space<vmem>>, vector<1x300xf32>
    %add3A_36 = vector.broadcast %get3A_35 : vector<1x300xf32> to vector<512x300xf32>
    %add3A_37 = arith.addf %dot_general3A_32, %add3A_36 : vector<512x300xf32>
    %max3A_38 = arith.constant 0.000000e+00 : f32
    %max3A_39 = vector.broadcast %max3A_38 : f32 to vector<512x300xf32>
    %max3A_40 = arith.maximumf %add3A_37, %max3A_39 : vector<512x300xf32>
    %broadcast_in_dim3A = arith.constant 0.000000e+00 : f32
    %broadcast_in_dim3A_41 = vector.broadcast %broadcast_in_dim3A : f32 to vector<512x2xf32>
    %slice3A = vector.extract_strided_slice %max3A_40 {offsets = [0, 0], sizes = [512, 150], strides = [1, 1]} : vector<512x300xf32> to vector<512x150xf32>
    %concatenate3A_42 = tpu.concatenate %slice3A, %broadcast_in_dim3A_41 in 1 : vector<512x150xf32>, vector<512x2xf32> -> vector<512x152xf32>
    %slice3A_43 = vector.extract_strided_slice %max3A_40 {offsets = [0, 150], sizes = [512, 150], strides = [1, 1]} : vector<512x300xf32> to vector<512x150xf32>
    %concatenate3A_44 = tpu.concatenate %slice3A_43, %broadcast_in_dim3A_41 in 1 : vector<512x150xf32>, vector<512x2xf32> -> vector<512x152xf32>
    %stack3A = vector.shape_cast %concatenate3A_42 : vector<512x152xf32> to vector<1x512x152xf32>
    %stack3A_45 = vector.shape_cast %concatenate3A_44 : vector<512x152xf32> to vector<1x512x152xf32>
    %stack3A_46 = tpu.concatenate %stack3A, %stack3A_45 in 0 : vector<1x512x152xf32>, vector<1x512x152xf32> -> vector<2x512x152xf32>
    %swap3A = arith.constant 0 : index
    %swap3A_47 = arith.constant 0 : index
    %swap3A_48 = arith.constant 0 : index
    %swap3A_49 = vector.load %arg8[%swap3A, %swap3A_47, %swap3A_48] : memref<2x512x152xf32, #tpu.memory_space<vmem>>, vector<2x512x152xf32>
    tpu.vector_store %arg8[%swap3A, %swap3A_47, %swap3A_48], %stack3A_46 {strides = array<i32>} : memref<2x512x152xf32, #tpu.memory_space<vmem>>, vector<2x512x152xf32>,
    return
  }
  func.func @transform_0(%arg0: i32) -> (i32, i32, i32) {
    %c0_i32 = arith.constant 0 : i32
    %c0_i32_0 = arith.constant 0 : i32
    %c0_i32_1 = arith.constant 0 : i32
    return %c0_i32, %arg0, %c0_i32_0 : i32, i32, i32
  }
  func.func @transform_1(%arg0: i32) -> (i32, i32) {
    %c0_i32 = arith.constant 0 : i32
    %c0_i32_0 = arith.constant 0 : i32
    return %arg0, %c0_i32 : i32, i32
  }
  func.func @transform_2(%arg0: i32) -> (i32, i32) {
    %c0_i32 = arith.constant 0 : i32
    %c0_i32_0 = arith.constant 0 : i32
    %c0_i32_1 = arith.constant 0 : i32
    return %c0_i32, %c0_i32_0 : i32, i32
  }
  func.func @transform_3(%arg0: i32) -> (i32, i32) {
    %c0_i32 = arith.constant 0 : i32
    %c0_i32_0 = arith.constant 0 : i32
    %c0_i32_1 = arith.constant 0 : i32
    return %c0_i32, %c0_i32_0 : i32, i32
  }
  func.func @transform_4(%arg0: i32) -> (i32, i32) {
    %c0_i32 = arith.constant 0 : i32
    %c0_i32_0 = arith.constant 0 : i32
    %c0_i32_1 = arith.constant 0 : i32
    return %c0_i32, %c0_i32_0 : i32, i32
  }
  func.func @transform_5(%arg0: i32) -> (i32, i32) {
    %c0_i32 = arith.constant 0 : i32
    %c0_i32_0 = arith.constant 0 : i32
    %c0_i32_1 = arith.constant 0 : i32
    return %c0_i32, %c0_i32_0 : i32, i32
  }
  func.func @transform_6(%arg0: i32) -> (i32, i32) {
    %c0_i32 = arith.constant 0 : i32
    %c0_i32_0 = arith.constant 0 : i32
    %c0_i32_1 = arith.constant 0 : i32
    return %c0_i32, %c0_i32_0 : i32, i32
  }
  func.func @transform_7(%arg0: i32) -> (i32, i32, i32) {
    %c0_i32 = arith.constant 0 : i32
    %c0_i32_0 = arith.constant 0 : i32
    %c0_i32_1 = arith.constant 0 : i32
    return %c0_i32, %arg0, %c0_i32_0 : i32, i32, i32
  }
}

module attributes {stable_mosaic.version = 14 : i64} {
  func.func @_fin_body(%arg0: i32, %arg1: memref<2x512x152xf32, #tpu.memory_space<vmem>>, %arg2: memref<512x32xf32, #tpu.memory_space<vmem>>, %arg3: memref<32x300xf32, #tpu.memory_space<vmem>>, %arg4: memref<300x600xf32, #tpu.memory_space<vmem>>, %arg5: memref<1x600xf32, #tpu.memory_space<vmem>>, %arg6: memref<600x300xf32, #tpu.memory_space<vmem>>, %arg7: memref<1x300xf32, #tpu.memory_space<vmem>>, %arg8: memref<1x1x512xi32, #tpu.memory_space<vmem>>, %arg9: memref<300x2048xf32, #tpu.memory_space<vmem>>, %arg10: memref<1x2048xf32, #tpu.memory_space<vmem>>, %arg11: memref<256x2048xf32, #tpu.memory_space<vmem>>, %arg12: memref<256x308xf32, #tpu.memory_space<vmem>>) attributes {dimension_semantics = [#tpu.dimension_semantics<arbitrary>], iteration_bounds = array<i64: 20>, scalar_prefetch = 0 : i64, scratch_operands = 1 : i64, tpu.core_type = #tpu.core_type<tc>, window_params = [{transform_indices = @transform_0, window_bounds = array<i64: 2, 512, 152>}, {transform_indices = @transform_1, window_bounds = array<i64: 512, 32>}, {pipeline_mode = #tpu.pipeline_mode<synchronous>, transform_indices = @transform_2, window_bounds = array<i64: 32, 300>}, {pipeline_mode = #tpu.pipeline_mode<synchronous>, transform_indices = @transform_3, window_bounds = array<i64: 300, 600>}, {pipeline_mode = #tpu.pipeline_mode<synchronous>, transform_indices = @transform_4, window_bounds = array<i64: 1, 600>}, {pipeline_mode = #tpu.pipeline_mode<synchronous>, transform_indices = @transform_5, window_bounds = array<i64: 600, 300>}, {pipeline_mode = #tpu.pipeline_mode<synchronous>, transform_indices = @transform_6, window_bounds = array<i64: 1, 300>}, {transform_indices = @transform_7, window_bounds = array<i64: 1, 1, 512>}, {pipeline_mode = #tpu.pipeline_mode<synchronous>, transform_indices = @transform_8, window_bounds = array<i64: 300, 2048>}, {pipeline_mode = #tpu.pipeline_mode<synchronous>, transform_indices = @transform_9, window_bounds = array<i64: 1, 2048>}, {pipeline_mode = #tpu.pipeline_mode<synchronous>, transform_indices = @transform_10, window_bounds = array<i64: 256, 2048>}]} {
    %eq3A = arith.constant 0 : i32
    %eq3A_0 = arith.cmpi eq, %arg0, %eq3A : i32
    %convert_element_type3A = arith.extui %eq3A_0 : i1 to i32
    %cond3A = arith.constant 0 : i32
    %cond3A_1 = arith.cmpi ne, %convert_element_type3A, %cond3A : i32
    scf.if %cond3A_1 {
      %broadcast_in_dim3A_65 = arith.constant 0.000000e+00 : f32
      %broadcast_in_dim3A_66 = vector.broadcast %broadcast_in_dim3A_65 : f32 to vector<256x308xf32>
      %swap3A_67 = arith.constant 0 : index
      %swap3A_68 = arith.constant 0 : index
      %swap3A_69 = vector.load %arg12[%swap3A_67, %swap3A_68] : memref<256x308xf32, #tpu.memory_space<vmem>>, vector<256x308xf32>
      tpu.vector_store %arg12[%swap3A_67, %swap3A_68], %broadcast_in_dim3A_66 {strides = array<i32>} : memref<256x308xf32, #tpu.memory_space<vmem>>, vector<256x308xf32>,
    } else {
    }
    %get3A = arith.constant 0 : index
    %get3A_2 = arith.constant 0 : index
    %get3A_3 = arith.constant 0 : index
    %get3A_4 = vector.load %arg1[%get3A, %get3A_2, %get3A_3] : memref<2x512x152xf32, #tpu.memory_space<vmem>>, vector<1x512x150xf32>
    %get3A_5 = vector.shape_cast %get3A_4 : vector<1x512x150xf32> to vector<512x150xf32>
    %get3A_6 = arith.constant 1 : index
    %get3A_7 = arith.constant 0 : index
    %get3A_8 = arith.constant 0 : index
    %get3A_9 = vector.load %arg1[%get3A_6, %get3A_7, %get3A_8] : memref<2x512x152xf32, #tpu.memory_space<vmem>>, vector<1x512x150xf32>
    %get3A_10 = vector.shape_cast %get3A_9 : vector<1x512x150xf32> to vector<512x150xf32>
    %concatenate3A = tpu.concatenate %get3A_5, %get3A_10 in 1 : vector<512x150xf32>, vector<512x150xf32> -> vector<512x300xf32>
    %get3A_11 = arith.constant 0 : index
    %get3A_12 = arith.constant 0 : index
    %get3A_13 = vector.load %arg2[%get3A_11, %get3A_12] : memref<512x32xf32, #tpu.memory_space<vmem>>, vector<512x32xf32>
    %get3A_14 = arith.constant 0 : index
    %get3A_15 = arith.constant 0 : index
    %get3A_16 = vector.load %arg3[%get3A_14, %get3A_15] : memref<32x300xf32, #tpu.memory_space<vmem>>, vector<32x300xf32>
    %dot_general3A = arith.constant dense<0.000000e+00> : vector<512x300xf32>
    %dot_general3A_17 = tpu.matmul %get3A_13, %get3A_16, %dot_general3A {dimension_numbers = #tpu.dot_dimension_numbers<[1], [0], [0], [1], [0, 0, 1, 1], [], []>, transpose_lhs_hint = false} : vector<512x32xf32>, vector<32x300xf32>, vector<512x300xf32> -> vector<512x300xf32>
    %add3A = arith.addf %concatenate3A, %dot_general3A_17 : vector<512x300xf32>
    %get3A_18 = arith.constant 0 : index
    %get3A_19 = arith.constant 0 : index
    %get3A_20 = vector.load %arg4[%get3A_18, %get3A_19] : memref<300x600xf32, #tpu.memory_space<vmem>>, vector<300x600xf32>
    %dot_general3A_21 = arith.constant dense<0.000000e+00> : vector<512x600xf32>
    %dot_general3A_22 = tpu.matmul %add3A, %get3A_20, %dot_general3A_21 {dimension_numbers = #tpu.dot_dimension_numbers<[1], [0], [0], [1], [0, 0, 1, 1], [], []>, transpose_lhs_hint = false} : vector<512x300xf32>, vector<300x600xf32>, vector<512x600xf32> -> vector<512x600xf32>
    %get3A_23 = arith.constant 0 : index
    %get3A_24 = arith.constant 0 : index
    %get3A_25 = vector.load %arg5[%get3A_23, %get3A_24] : memref<1x600xf32, #tpu.memory_space<vmem>>, vector<1x600xf32>
    %add3A_26 = vector.broadcast %get3A_25 : vector<1x600xf32> to vector<512x600xf32>
    %add3A_27 = arith.addf %dot_general3A_22, %add3A_26 : vector<512x600xf32>
    %max3A = arith.constant 0.000000e+00 : f32
    %max3A_28 = vector.broadcast %max3A : f32 to vector<512x600xf32>
    %max3A_29 = arith.maximumf %add3A_27, %max3A_28 : vector<512x600xf32>
    %get3A_30 = arith.constant 0 : index
    %get3A_31 = arith.constant 0 : index
    %get3A_32 = vector.load %arg6[%get3A_30, %get3A_31] : memref<600x300xf32, #tpu.memory_space<vmem>>, vector<600x300xf32>
    %dot_general3A_33 = arith.constant dense<0.000000e+00> : vector<512x300xf32>
    %dot_general3A_34 = tpu.matmul %max3A_29, %get3A_32, %dot_general3A_33 {dimension_numbers = #tpu.dot_dimension_numbers<[1], [0], [0], [1], [0, 0, 1, 1], [], []>, transpose_lhs_hint = false} : vector<512x600xf32>, vector<600x300xf32>, vector<512x300xf32> -> vector<512x300xf32>
    %get3A_35 = arith.constant 0 : index
    %get3A_36 = arith.constant 0 : index
    %get3A_37 = vector.load %arg7[%get3A_35, %get3A_36] : memref<1x300xf32, #tpu.memory_space<vmem>>, vector<1x300xf32>
    %add3A_38 = vector.broadcast %get3A_37 : vector<1x300xf32> to vector<512x300xf32>
    %add3A_39 = arith.addf %dot_general3A_34, %add3A_38 : vector<512x300xf32>
    %get3A_40 = arith.constant 0 : index
    %get3A_41 = arith.constant 0 : index
    %get3A_42 = arith.constant 0 : index
    %get3A_43 = vector.load %arg8[%get3A_40, %get3A_41, %get3A_42] : memref<1x1x512xi32, #tpu.memory_space<vmem>>, vector<1x1x512xi32>
    %get3A_44 = vector.shape_cast %get3A_43 : vector<1x1x512xi32> to vector<512xi32>
    %broadcast_in_dim3A = vector.shape_cast %get3A_44 : vector<512xi32> to vector<512x1xi32>
    %iota3A = tpu.iota {dimensions = array<i32: 1>} : vector<512x256xi32>
    %eq3A_45 = vector.broadcast %broadcast_in_dim3A : vector<512x1xi32> to vector<512x256xi32>
    %eq3A_46 = arith.cmpi eq, %eq3A_45, %iota3A : vector<512x256xi32>
    %convert_element_type3A_47 = arith.extui %eq3A_46 : vector<512x256xi1> to vector<512x256xi32>
    %convert_element_type3A_48 = arith.sitofp %convert_element_type3A_47 : vector<512x256xi32> to vector<512x256xf32>
    %broadcast_in_dim3A_49 = arith.constant 1.000000e+00 : f32
    %broadcast_in_dim3A_50 = vector.broadcast %broadcast_in_dim3A_49 : f32 to vector<512x8xf32>
    %concatenate3A_51 = tpu.concatenate %add3A_39, %broadcast_in_dim3A_50 in 1 : vector<512x300xf32>, vector<512x8xf32> -> vector<512x308xf32>
    %get3A_52 = arith.constant 0 : index
    %get3A_53 = arith.constant 0 : index
    %get3A_54 = vector.load %arg12[%get3A_52, %get3A_53] : memref<256x308xf32, #tpu.memory_space<vmem>>, vector<256x308xf32>
    %dot_general3A_55 = arith.constant dense<0.000000e+00> : vector<256x308xf32>
    %dot_general3A_56 = tpu.matmul %convert_element_type3A_48, %concatenate3A_51, %dot_general3A_55 {dimension_numbers = #tpu.dot_dimension_numbers<[0], [0], [1], [1], [0, 1, 1, 1], [], []>, transpose_lhs_hint = false} : vector<512x256xf32>, vector<512x308xf32>, vector<256x308xf32> -> vector<256x308xf32>
    %add3A_57 = arith.addf %get3A_54, %dot_general3A_56 : vector<256x308xf32>
    %swap3A = arith.constant 0 : index
    %swap3A_58 = arith.constant 0 : index
    %swap3A_59 = vector.load %arg12[%swap3A, %swap3A_58] : memref<256x308xf32, #tpu.memory_space<vmem>>, vector<256x308xf32>
    tpu.vector_store %arg12[%swap3A, %swap3A_58], %add3A_57 {strides = array<i32>} : memref<256x308xf32, #tpu.memory_space<vmem>>, vector<256x308xf32>,
    %eq3A_60 = arith.constant 19 : i32
    %eq3A_61 = arith.cmpi eq, %arg0, %eq3A_60 : i32
    %convert_element_type3A_62 = arith.extui %eq3A_61 : i1 to i32
    %cond3A_63 = arith.constant 0 : i32
    %cond3A_64 = arith.cmpi ne, %convert_element_type3A_62, %cond3A_63 : i32
    scf.if %cond3A_64 {
      %get3A_65 = arith.constant 0 : index
      %get3A_66 = arith.constant 0 : index
      %get3A_67 = vector.load %arg12[%get3A_65, %get3A_66] : memref<256x308xf32, #tpu.memory_space<vmem>>, vector<256x300xf32>
      %get3A_68 = arith.constant 0 : index
      %get3A_69 = arith.constant 300 : index
      %get3A_70 = vector.load %arg12[%get3A_68, %get3A_69] : memref<256x308xf32, #tpu.memory_space<vmem>>, vector<256x1xf32>
      %max3A_71 = arith.constant 1.000000e+00 : f32
      %max3A_72 = vector.broadcast %max3A_71 : f32 to vector<256x1xf32>
      %max3A_73 = arith.maximumf %get3A_70, %max3A_72 : vector<256x1xf32>
      %div3A = vector.broadcast %max3A_73 : vector<256x1xf32> to vector<256x300xf32>
      %div3A_74 = arith.divf %get3A_67, %div3A : vector<256x300xf32>
      %get3A_75 = arith.constant 0 : index
      %get3A_76 = arith.constant 0 : index
      %get3A_77 = vector.load %arg9[%get3A_75, %get3A_76] : memref<300x2048xf32, #tpu.memory_space<vmem>>, vector<300x2048xf32>
      %dot_general3A_78 = arith.constant dense<0.000000e+00> : vector<256x2048xf32>
      %dot_general3A_79 = tpu.matmul %div3A_74, %get3A_77, %dot_general3A_78 {dimension_numbers = #tpu.dot_dimension_numbers<[1], [0], [0], [1], [0, 0, 1, 1], [], []>, transpose_lhs_hint = false} : vector<256x300xf32>, vector<300x2048xf32>, vector<256x2048xf32> -> vector<256x2048xf32>
      %get3A_80 = arith.constant 0 : index
      %get3A_81 = arith.constant 0 : index
      %get3A_82 = vector.load %arg10[%get3A_80, %get3A_81] : memref<1x2048xf32, #tpu.memory_space<vmem>>, vector<1x2048xf32>
      %add3A_83 = vector.broadcast %get3A_82 : vector<1x2048xf32> to vector<256x2048xf32>
      %add3A_84 = arith.addf %dot_general3A_79, %add3A_83 : vector<256x2048xf32>
      %swap3A_85 = arith.constant 0 : index
      %swap3A_86 = arith.constant 0 : index
      %swap3A_87 = vector.load %arg11[%swap3A_85, %swap3A_86] : memref<256x2048xf32, #tpu.memory_space<vmem>>, vector<256x2048xf32>
      tpu.vector_store %arg11[%swap3A_85, %swap3A_86], %add3A_84 {strides = array<i32>} : memref<256x2048xf32, #tpu.memory_space<vmem>>, vector<256x2048xf32>,
    } else {
    }
    return
  }
  func.func @transform_0(%arg0: i32) -> (i32, i32, i32) {
    %c0_i32 = arith.constant 0 : i32
    %c0_i32_0 = arith.constant 0 : i32
    %c0_i32_1 = arith.constant 0 : i32
    return %c0_i32, %arg0, %c0_i32_0 : i32, i32, i32
  }
  func.func @transform_1(%arg0: i32) -> (i32, i32) {
    %c0_i32 = arith.constant 0 : i32
    %c0_i32_0 = arith.constant 0 : i32
    return %arg0, %c0_i32 : i32, i32
  }
  func.func @transform_2(%arg0: i32) -> (i32, i32) {
    %c0_i32 = arith.constant 0 : i32
    %c0_i32_0 = arith.constant 0 : i32
    %c0_i32_1 = arith.constant 0 : i32
    return %c0_i32, %c0_i32_0 : i32, i32
  }
  func.func @transform_3(%arg0: i32) -> (i32, i32) {
    %c0_i32 = arith.constant 0 : i32
    %c0_i32_0 = arith.constant 0 : i32
    %c0_i32_1 = arith.constant 0 : i32
    return %c0_i32, %c0_i32_0 : i32, i32
  }
  func.func @transform_4(%arg0: i32) -> (i32, i32) {
    %c0_i32 = arith.constant 0 : i32
    %c0_i32_0 = arith.constant 0 : i32
    %c0_i32_1 = arith.constant 0 : i32
    return %c0_i32, %c0_i32_0 : i32, i32
  }
  func.func @transform_5(%arg0: i32) -> (i32, i32) {
    %c0_i32 = arith.constant 0 : i32
    %c0_i32_0 = arith.constant 0 : i32
    %c0_i32_1 = arith.constant 0 : i32
    return %c0_i32, %c0_i32_0 : i32, i32
  }
  func.func @transform_6(%arg0: i32) -> (i32, i32) {
    %c0_i32 = arith.constant 0 : i32
    %c0_i32_0 = arith.constant 0 : i32
    %c0_i32_1 = arith.constant 0 : i32
    return %c0_i32, %c0_i32_0 : i32, i32
  }
  func.func @transform_7(%arg0: i32) -> (i32, i32, i32) {
    %c0_i32 = arith.constant 0 : i32
    %c0_i32_0 = arith.constant 0 : i32
    %c0_i32_1 = arith.constant 0 : i32
    return %arg0, %c0_i32, %c0_i32_0 : i32, i32, i32
  }
  func.func @transform_8(%arg0: i32) -> (i32, i32) {
    %c0_i32 = arith.constant 0 : i32
    %c0_i32_0 = arith.constant 0 : i32
    %c0_i32_1 = arith.constant 0 : i32
    return %c0_i32, %c0_i32_0 : i32, i32
  }
  func.func @transform_9(%arg0: i32) -> (i32, i32) {
    %c0_i32 = arith.constant 0 : i32
    %c0_i32_0 = arith.constant 0 : i32
    %c0_i32_1 = arith.constant 0 : i32
    return %c0_i32, %c0_i32_0 : i32, i32
  }
  func.func @transform_10(%arg0: i32) -> (i32, i32) {
    %c0_i32 = arith.constant 0 : i32
    %c0_i32_0 = arith.constant 0 : i32
    %c0_i32_1 = arith.constant 0 : i32
    return %c0_i32, %c0_i32_0 : i32, i32
  }
}

</mosaic_0001>

<sc_bundles>
// kernel: kernel.14.cloned.1.call-start
scs
__scs_entry_jumppad:
0x0: {  	(pc) =	sbr.rel $0x88, $3  }
0x1: {  	(tag) =	ssettag $0x0;
	lr =	simm.s32 $0x1  }
0x2: {  	[smem:$0x3F8D] =	sst lr;
	_ =	strace $0xD0000000  }
0x3: {  	_ = 	snop  }
0x4: {  	_ = 	snop  }
0x5: {  	_ = 	snop  }
0x6: {  	_ = 	snop  }
0x7: {  	_ = 	snop  }
__scs_overlays_trampoline_lowered:
0x8: {  	[smem:$0x3F9C] =	sst s0  }
0x9: {  	[smem:$0x3F9D] =	sst s1  }
0xa: {  	[smem:$0x3F9E] =	sst s2  }
0xb: {  	[smem:$0x3F9F] =	sst s3  }
0xc: {  	[smem:$0x3FA0] =	sst s4  }
0xd: {  	[smem:$0x3FA1] =	sst s5  }
0xe: {  	[smem:$0x3FA2] =	sst s6  }
0xf: {  	[smem:$0x3FA3] =	sst s7  }
0x10: {  	[smem:$0x3FA4] =	sst s8  }
0x11: {  	[smem:$0x3FA5] =	sst s9;
	s0 =	simm.s32 @!p0 $0x0  }
0x12: {  	s1 =	sld [smem:$0x3F8B];
	s0 =	simm.s32 @p0 $0x1  }
0x13: {  	[smem:$0x3FA6] =	sst s0;
	s0 =	simm.s32 @!p1 $0x0  }
0x14: {  	s2 =	sld [smem:$0x3F8A];
	s0 =	simm.s32 @p1 $0x1  }
0x15: {  	[smem:$0x3FA7] =	sst s0;
	s0 =	simm.s32 @!p2 $0x0  }
0x16: {  	s3 =	sld [smem:$0x3FDB];
	s0 =	simm.s32 @p2 $0x1  }
0x17: {  	s4 =	simm.s32 $0x1BF5;
	[smem:$0x3FA9] =	sst s0  }
0x18: {  	s0 =	sld [smem:$0x3F8C];
	_ =	swait.ge [sflag:s4], $0x0  }
0x19: {  	s7 =	sld [smem:$0x3F8D]  }
0x1a: {  	s8 =	sadd.s32 $0xFFFFE003, lr  }
0x1b: {  	s9 =	sadd.s32 $0xFFFFFEF7, lr;
	s5 =	simm.s32 $0xFFFFFFFF;
	p2 =	slt.u32 s8, $0xFFFFF086  }
0x1c: {  	p1 =	slt.u32 s9, $0xF7A;
	s5 =	simm.s32 @!p2 $0x0  }
0x1d: {  	s5 =	simm.s32 @p1 $0x1;
	p0 =	seq.s32 s7, s2  }
0x1e: {  	s7 =	smul.u32 @!p0 $0xF7A, s2;
	p2 =	seq.s32 @!p0 s5, $0x0  }
0x1f: {  	s9 =	smul.u32 $0xF7A, s1;
	s8 =	simm.s32 @!p0 $0x1BF5;
	p2 =	por !p2, p0  }
0x20: {  	[sflag:s8] =	ssyncset.s32 @!p0 $0xFFFFF086;
	s6 =	sadd.s32 @!p0 s3, s7;
	s7 =	simm.s32 @!p0 $0x108  }
0x21: {  	s3 =	sadd.s32 s3, s9;
	s6 =	sadd.s32 @!p0 $0x88, s6;
	s7 =	simm.s32 @p2 $0x1082  }
0x22: {  	[simem:s7], [sflag:s8] =	dma.local @!p0 [hbm:s6], $0xF7A  }
0x23: {  	s9 =	sor.u32 $0xD0000000, s2;
	s6 =	simm.s32 $0x108;
	_ =	swait.ge @!p0 [sflag:s8], $0x0  }
0x24: {  	s3 =	sadd.s32 $0x88, s3;
	s6 =	simm.s32 @!p1 $0x1082;
	[sflag:s4] =	ssyncset.s32 $0xFFFFF086  }
0x25: {  	[simem:s6], [sflag:s4] =	dma.local [hbm:s3], $0xF7A  }
0x26: {  	[smem:$0x3F8D] =	sst s1;
	(tag) =	ssettag s2;
	_ =	strace s9  }
0x27: {  	s1 =	sld [smem:$0x3F9D]  }
0x28: {  	s2 =	sld [smem:$0x3F9E]  }
0x29: {  	s4 =	sld [smem:$0x3FA0]  }
0x2a: {  	p0 =	seq.s32 s5, $0x0;
	s5 =	sld [smem:$0x3FA1]  }
0x2b: {  	s6 =	sld [smem:$0x3FA2]  }
0x2c: {  	s7 =	sld [smem:$0x3FA3]  }
0x2d: {  	s3 =	simm.s32 $0x108;
	s8 =	sld [smem:$0x3FA4]  }
0x2e: {  	s3 =	simm.s32 @!p0 $0x1082;
	s9 =	sld [smem:$0x3FA5]  }
0x2f: {  	lr =	sadd.s32 s0, s3;
	s0 =	sld [smem:$0x3F9C]  }
0x30: {  	s3 =	sld [smem:$0x3F9F]  }
0x31: {  	[smem:$0x3FA8] =	sst s10  }
0x32: {  	s10 =	sld [smem:$0x3FA6];
	_ =	sdelay $0x3  }
0x33: {  	p0 =	seq.s32 s10, $0x1;
	s10 =	sld [smem:$0x3FA8];
	_ =	sdelay $0x3  }
0x34: {  	[smem:$0x3FA8] =	sst s10  }
0x35: {  	s10 =	sld [smem:$0x3FA7];
	_ =	sdelay $0x3  }
0x36: {  	p1 =	seq.s32 s10, $0x1;
	s10 =	sld [smem:$0x3FA8];
	_ =	sdelay $0x3  }
0x37: {  	[smem:$0x3FA8] =	sst s10  }
0x38: {  	s10 =	sld [smem:$0x3FA9]  }
0x39: {  	_ = 	snop;
	(pc) =	sbr.ind lr, $3  }
0x3a: {  	_ = 	snop  }
0x3b: {  	_ = 	snop  }
0x3c: {  	p2 =	seq.s32 s10, $0x1;
	s10 =	sld [smem:$0x3FA8]  }
0x3d: {  	_ =	shalt  }
0x3e: {  	_ =	shalt  }
0x3f: {  	_ =	shalt  }
0x40: {  	_ =	shalt  }
0x41: {  	_ =	shalt  }
0x42: {  	_ =	shalt  }
0x43: {  	_ =	shalt  }
0x44: {  	_ =	shalt  }
0x45: {  	_ =	shalt  }
0x46: {  	_ =	shalt  }
0x47: {  	_ =	shalt  }
0x48: {  	_ =	shalt  }
0x49: {  	_ =	shalt  }
0x4a: {  	_ =	shalt  }
0x4b: {  	_ =	shalt  }
0x4c: {  	_ =	shalt  }
0x4d: {  	_ =	shalt  }
0x4e: {  	_ =	shalt  }
0x4f: {  	_ =	shalt  }
0x50: {  	_ =	shalt  }
0x51: {  	_ =	shalt  }
0x52: {  	_ =	shalt  }
0x53: {  	_ =	shalt  }
0x54: {  	_ =	shalt  }
0x55: {  	_ =	shalt  }
0x56: {  	_ =	shalt  }
0x57: {  	_ =	shalt  }
0x58: {  	_ =	shalt  }
0x59: {  	_ =	shalt  }
0x5a: {  	_ =	shalt  }
0x5b: {  	_ =	shalt  }
0x5c: {  	_ =	shalt  }
0x5d: {  	_ =	shalt  }
0x5e: {  	_ =	shalt  }
0x5f: {  	_ =	shalt  }
0x60: {  	_ =	shalt  }
0x61: {  	_ =	shalt  }
0x62: {  	_ =	shalt  }
0x63: {  	_ =	shalt  }
0x64: {  	_ =	shalt  }
0x65: {  	_ =	shalt  }
0x66: {  	_ =	shalt  }
0x67: {  	_ =	shalt  }
0x68: {  	_ =	shalt  }
0x69: {  	_ =	shalt  }
0x6a: {  	_ =	shalt  }
0x6b: {  	_ =	shalt  }
0x6c: {  	_ =	shalt  }
0x6d: {  	_ =	shalt  }
0x6e: {  	_ =	shalt  }
0x6f: {  	_ =	shalt  }
0x70: {  	_ =	shalt  }
0x71: {  	_ =	shalt  }
0x72: {  	_ =	shalt  }
0x73: {  	_ =	shalt  }
0x74: {  	_ =	shalt  }
0x75: {  	_ =	shalt  }
0x76: {  	_ =	shalt  }
0x77: {  	_ =	shalt  }
0x78: {  	_ =	shalt  }
0x79: {  	_ =	shalt  }
0x7a: {  	_ =	shalt  }
0x7b: {  	_ =	shalt  }
0x7c: {  	_ =	shalt  }
0x7d: {  	_ =	shalt  }
0x7e: {  	_ =	shalt  }
0x7f: {  	_ =	shalt  }
0x80: {  	_ =	shalt  }
0x81: {  	_ =	shalt  }
0x82: {  	_ =	shalt  }
0x83: {  	_ =	shalt  }
0x84: {  	_ =	shalt  }
0x85: {  	_ =	shalt  }
0x86: {  	_ =	shalt  }
0x87: {  	_ =	shalt  }
.Lfunc_end0:
.L_simem_size_0:
called_computation_lowered:
.L_overlay_start_0:
0x88: {  	s2 =	sld [smem:$0x3FD9]  }
0x89: {  	s3 =	sld [smem:$0x3FFE];
	_ =	sdelay $0x1  }
0x8a: {  	s1 =	srdreg.scid  }
0x8b: {  	s0 =	sand.u32 $0x1, s1  }
0x8c: {  	s17 =	sshll.u32 s0, $0xA;
	s2 =	sadd.s32 s3, s2  }
0x8d: {  	s2 =	sadd.s32 s2, s17  }
0x8e: {  	[smem:$0x3FB4] =	sst s2  }
0x8f: {  	_ = 	snop  }
0x90: {  	s18 =	sld [smem:$0x3FD0];
	(tm) =	ssettm $0x1  }
0x91: {  	s19 =	sld [smem:$0x3FFB];
	_ =	sdelay $0x3  }
0x92: {  	_ =	strace s19  }
0x93: {  	s2 =	sld [smem:$0x3FFC];
	_ =	sdelay $0x3  }
0x94: {  	_ =	strace s2  }
0x95: {  	s2 =	sld [smem:$0x3FFD];
	_ =	sdelay $0x3  }
0x96: {  	_ =	strace s2  }
0x97: {  	_ =	strace $0x8FFFFFFF  }
0x98: {  	s20 =	sld [smem:$0x3FDB];
	_ =	sdelay $0x1  }
0x99: {  	s4 =	simm.s32 $_scs_section_size  }
0x9a: {  	s5 =	simm.s32 $_size__tile_overlayer_lowered;
	s6 =	simm.s32 $_tile_overlayer_lowered  }
0x9b: {  	s7 =	simm.s32 $0x1BFF;
	s21 =	sshll.u32 s6, $0x1;
	s4 =	sadd.s32 s4, s20  }
0x9c: {  	s22 =	simm.s32 $0x0;
	s5 =	sshll.u32 s5, $0x1;
	s6 =	sadd.s32 s21, s4  }
0x9d: {  	[timem:s22], [sflag:s7] =	dma.local [hbm:s6], s5  }
0x9e: {  	_ =	swait.ge [sflag:s7], s5  }
0x9f: {  	s5 =	ssub.s32 $0x0, s5;
	[sflag:s7] =	ssyncset.done $0x0  }
0xa0: {  	[sflag:s7] =	ssyncadd.s32 s5;
	_ =	sdelay $0x1  }
0xa1: {  	s23 =	simm.s32 $0x1B8B  }
0xa2: {  	_ =	swait.ge [sflag:s23], $0x1  }
0xa3: {  	[sflag:s23] =	ssyncset.done $0x0  }
0xa4: {  	[sflag:s23] =	ssyncadd.s32 $0xFFFFFFFF  }
0xa5: {  	s5 =	sld [smem:$0x0]  }
0xa6: {  	s6 =	sand.u32 $0xFFFFFFFE, s1  }
0xa7: {  	p0 =	sne.s32 s1, s6  }
0xa8: {  	s6 =	sshll.u32 @p0 s6, $0xE  }
0xa9: {  	s6 =	sadd.s32 @p0 $0x11B8D, s6;
	s7 =	sshll.u32 @p0 s5, $0x11  }
0xaa: {  	s6 =	sor.u32 @p0 s7, s6  }
0xab: {  	[sflag:s6] =	ssyncadd.remote.s32 @p0 $0x1;
	_ =	sdelay $0x1  }
0xac: {  	s6 =	simm.s32 @p0 $0x1B8D  }
0xad: {  	_ =	swait.eq @p0 [sflag:s6], $0x1  }
0xae: {  	[sflag:s6] =	ssyncadd.s32 @p0 $0xFFFFFFFF  }
0xaf: {  	s7 =	sshll.u32 @!p0 s1, $0xE  }
0xb0: {  	s7 =	sor.u32 @!p0 $0x4000, s7;
	s6 =	simm.s32 @!p0 $0x1B8D  }
0xb1: {  	s5 =	sshll.u32 @!p0 s5, $0x11;
	s7 =	sadd.s32 @!p0 $0x11B8D, s7;
	_ =	swait.eq @!p0 [sflag:s6], $0x1  }
0xb2: {  	s5 =	sor.u32 @!p0 s5, s7;
	[sflag:s6] =	ssyncadd.s32 @!p0 $0xFFFFFFFF  }
0xb3: {  	s25 =	simm.s32 $0x1B8E;
	s24 =	sld [smem:$0x3FFE];
	[sflag:s5] =	ssyncadd.remote.s32 @!p0 $0x1  }
0xb4: {  	s26 =	simm.s32 $execute0_lowered;
	[smem:$0x3FD2] =	sst s25  }
0xb5: {  	s6 =	sshll.u32 s26, $0x1;
	_ =	strace $0x80000049;
	[dreg:$0x1] =	wrdreg $0xFFFFFFFF  }
0xb6: {  	s28 =	simm.s32 $_size_execute0_lowered;
	s4 =	sadd.s32 s4, s6;
	[dreg:$0x0] =	wrdreg $0x0  }
0xb7: {  	s6 =	sshll.u32 s28, $0x1;
	[dreg:$0x2] =	wrdreg s4  }
0xb8: {  	[dreg:$0x3] =	wrdreg s6  }
0xb9: {  	[dreg:$0x4] =	wrdreg $0xC0  }
0xba: {  	_ =	task [dreg:s22], $0x5FFFF  }
0xbb: {  	[dreg:$0x1] =	wrdreg $0xFFFFFFFF  }
0xbc: {  	[dreg:$0x0] =	wrdreg $0x60  }
0xbd: {  	[dreg:$0x2] =	wrdreg s24  }
0xbe: {  	[dreg:$0x3] =	wrdreg s18  }
0xbf: {  	[dreg:$0x4] =	wrdreg $0x30000  }
0xc0: {  	[dreg:$0x5] =	wrdreg $0x9  }
0xc1: {  	_ =	task.clear_ibuf [dreg:s22], $0x6FFFF;
	_ =	strace $0x90000049  }
0xc2: {  	s29 =	simm.s32 $0x9;
	_ =	strace $0x8000004B  }
0xc3: {  	_ =	swait.ge [sflag:s29], $0x1  }
0xc4: {  	[sflag:s29] =	ssyncadd.s32 $0xFFFFFFFF  }
0xc5: {  	_ =	strace $0x9000004B  }
0xc6: {  	_ =	sfence  }
0xc7: {  	s30 =	sld [smem:$0x0];
	_ =	sdelay $0x2  }
0xc8: {  	s31 =	sshll.u32 s1, $0xD;
	s1 =	sshrl.u32 s1, $0x2  }
0xc9: {  	s4 =	sand.u32 $0x4000, s31;
	s1 =	sadd.s32 s1, s30  }
0xca: {  	s0 =	sor.u32 s4, s0;
	s1 =	sshll.u32 s1, $0x11  }
0xcb: {  	s0 =	sor.u32 s1, s0  }
0xcc: {  	s0 =	sadd.s32 $0x8F2B, s0  }
0xcd: {  	[sflag:s0] =	ssyncadd.remote.s32 $0x1  }
0xce: {  	_ =	sfence.sel $0xFFFF  }
0xcf: {  	[dreg:$0x0] =	wrdreg $0xFFFFFFFF;
	(pc) =	sbr.abs _section_cstart, $3  }
0xd0: {  	[dreg:$0x1] =	wrdreg $0xFFFFFFFF  }
0xd1: {  	_ =	task.clear_ibuf [dreg:s22], $0x2FFFF;
	_ =	strace $0x9FFFFFFF  }
0xd2: {  	(tm) =	ssettm $0x7FFFFFFF  }
0xd3: {  	_ =	shalt  }
tec
execute0_lowered:
.L_overlay_start_1:
0x0: {  	(tag) =	ssettag $0x1  }
0x1: {  	s5 =	rddreg [dreg:$0x0]  }
0x2: {  	s0 =	srdreg.scid;
	s9 =	rddreg [dreg:$0x1]  }
0x3: {  	s2 =	rddreg [dreg:$0x2];
	s1 =	stileid.u32;
	s3 =	simm.s32 $0x0  }
0x4: {  	s14 =	simm.s32 $0x80;
	s15 =	simm.s32 $0x2800;
	s16 =	simm.s32 $0x1  }
0x5: {  	s17 =	simm.s32 $0x4;
	s4 =	sand.u32 $0x1, s0;
	s0 =	rddreg [dreg:$0x3]  }
0x6: {  	s18 =	simm.s32 $0x0;
	[smem:$0x7FF] =	sst s3;
	s10 =	smul.u32 $0xA000, s1  }
0x7: {  	s12 =	smul.u32 $0x5000, s1;
	s29 =	sshll.u32 s1, $0x6;
	s6 =	sshll.u32 s4, $0x4  }
0x8: {  	_ =	strace $0x8000004A;
	s8 =	ssub.s32 $0x2, s4;
	s4 =	sadd.s32 $0xDA400, s5  }
0x9: {  	s7 =	sor.u32 s1, s6;
	s26 =	sshrl.u32 s8, $0x1;
	s28 =	sshrl.u32 s10, $0x2  }
0xa: {  	s30 =	sor.u32 s6, s12;
	s6 =	sor.u32 $0x1C02, s29;
	s12 =	simm.s32 $0x2  }
0xb: {  	s7 =	smul.u32 $0x280, s7;
	s13 =	ssub.s32 s8, s26;
	s10 =	sshrl.u32 s30, $0x3  }
0xc: {  	s31 =	sadd.s32 s28, s2;
	s9 =	sadd.s32 s9, s10;
	s10 =	smax.u32 s13, $0x1  }
0xd: {  	s13 =	simm.s32 $0x1400;
	s11 =	sadd.s32 s7, s5;
	s5 =	sadd.s32 $0xE0000, s5  }
0xe: {  	s7 =	sadd.s32 $0xDB000, s11;
	s8 =	sadd.s32 $0xD5400, s11;
	s11 =	sshrl.u32 s31, $0x3  }
.LBB2_1:
0xf: {  	[spmem:s11], [sflag:s6] =	dma.local [hbm:s5], $0x500  }
0x10: {  	_ =	swait.ge [sflag:s12], $0x500  }
0x11: {  	[sflag:s12] =	ssyncset.done $0x0  }
0x12: {  	[sflag:s12] =	ssyncadd.s32 $0xFFFFFB00  }
0x13: {  	[tilespmem:s3], [sflag:$0x2] =	stream.linear.gather [hbm4b:s7+s3], $0x1400, $0x38;
	[tilespmem:$0x5800] =	vst v63  }
0x14: {  	_ =	swait.ge [sflag:s12], $0x1400  }
0x15: {  	[sflag:s12] =	ssyncset.done $0x0  }
0x16: {  	[sflag:s12] =	ssyncadd.s32 $0xFFFFEC00  }
0x17: {  	[tilespmem:s13], [sflag:$0x2] =	stream.linear.gather [hbm4b:s8+s3], $0x1400, $0x38;
	[tilespmem:$0x5800] =	vst v63  }
0x18: {  	_ =	swait.ge [sflag:s12], $0x1400  }
0x19: {  	[sflag:s12] =	ssyncset.done $0x0  }
0x1a: {  	[sflag:s12] =	ssyncadd.s32 $0xFFFFEC00  }
0x1b: {  	s19 =	simm.s32 $0x0;
	[bflag:$0x0] =	sbarrier.arrive $0xFFFF  }
0x1c: {  	[tilespmem:s15], [sflag:$0x1] =	stream.indirect.gather [hbm4b:s4+s14], $0x10, s19, s14, $0xb8;
	[tilespmem:$0x5800] =	vst v63  }
0x1d: {  	_ =	swait.ge [sflag:s16], $0x800  }
0x1e: {  	[sflag:s16] =	ssyncset.done $0x0  }
0x1f: {  	s31 =	simm.s32 $0x1400;
	[sflag:s16] =	ssyncadd.s32 $0xFFFFF800  }
0x20: {  	[spmem:s2] =	stream.indirect.scatter.add.f32 [tilespmem:s15], [sflag:$0x2], $0x10, s31, s14, $0xb8;
	[tilespmem:$0x5800] =	vst v63  }
0x21: {  	_ =	swait.ge [sflag:s12], $0x800  }
0x22: {  	s20 =	simm.s32 $0x400;
	s19 =	simm.s32 $0x200;
	[sflag:s12] =	ssyncset.done $0x0  }
.LBB2_2:
0x23: {  	s21 =	sshra.s32 s19, $0x2  }
0x24: {  	[sflag:s12] =	ssyncadd.s32 $0xFFFFF800;
	s19 =	smov.u32 s20;
	s22 =	sadd.s32 $0x200, s20  }
0x25: {  	[tilespmem:s15], [sflag:$0x1] =	stream.indirect.gather [hbm4b:s4+s14], $0x10, s21, s14, $0xb8;
	[tilespmem:$0x5800] =	vst v63  }
0x26: {  	p0 =	sne.s32 s20, $0x4E00;
	_ =	swait.ge [sflag:s16], $0x800  }
.Ltmp0:
0x27: {  	[sflag:s16] =	ssyncset.done $0x0;
	(pc) =	sbr.rel @p0 .LBB2_2-.Ltmp0, $4  }
0x28: {  	s20 =	sadd.s32 $0x1400, s21;
	[sflag:s16] =	ssyncadd.s32 $0xFFFFF800  }
0x29: {  	[spmem:s2] =	stream.indirect.scatter.add.f32 [tilespmem:s15], [sflag:$0x2], $0x10, s20, s14, $0xb8;
	[tilespmem:$0x5800] =	vst v63  }
0x2a: {  	_ =	swait.ge [sflag:s12], $0x800  }
0x2b: {  	s20 =	smov.u32 s22;
	[sflag:s12] =	ssyncset.done $0x0  }
0x2c: {  	s19 =	sshra.s32 s19, $0x2;
	[sflag:s12] =	ssyncadd.s32 $0xFFFFF800  }
0x2d: {  	[tilespmem:s15], [sflag:$0x1] =	stream.indirect.gather [hbm4b:s4+s14], $0x10, s19, s14, $0xb8;
	[tilespmem:$0x5800] =	vst v63  }
0x2e: {  	_ =	swait.ge [sflag:s16], $0x800  }
0x2f: {  	[sflag:s16] =	ssyncset.done $0x0  }
0x30: {  	s19 =	sadd.s32 $0x1400, s19;
	[sflag:s16] =	ssyncadd.s32 $0xFFFFF800  }
0x31: {  	[spmem:s2] =	stream.indirect.scatter.add.f32 [tilespmem:s15], [sflag:$0x2], $0x10, s19, s14, $0xb8;
	[tilespmem:$0x5800] =	vst v63  }
0x32: {  	_ =	swait.ge [sflag:s12], $0x800  }
0x33: {  	s18 =	sadd.s32 $0x1, s18;
	[sflag:s12] =	ssyncset.done $0x0  }
0x34: {  	p0 =	sne.s32 s18, s10;
	[sflag:s12] =	ssyncadd.s32 $0xFFFFF800  }
.Ltmp1:
0x35: {  	[bflag:$0x0] =	sbarrier.arrive $0xFFFF;
	(pc) =	sbr.rel @p0 .LBB2_1-.Ltmp1, $4  }
0x36: {  	[hbm:s9@s17], [sflag:s6] =	dma.strided [spmem:s11@s12], $0x500, s16, $0x2   }
0x37: {  	_ =	swait.ge [sflag:s12], $0x500  }
0x38: {  	[sflag:s12] =	ssyncset.done $0x0  }
0x39: {  	[sflag:s12] =	ssyncadd.s32 $0xFFFFFB00  }
0x3a: {  	_ =	sfence.sel $0x180000  }
0x3b: {  	[bflag:$0x0] =	sbarrier.arrive $0xFFFF  }
0x3c: {  	p0 =	sne.s32 s1, $0x0;
	_ =	strace $0x9000004A  }
0x3d: {  	s0 =	sadd.s32 @!p0 $0x100000, s0;
	[bflag:$0x2] =	sbarrier.arrive $0xFFFF  }
0x3e: {  	[sflag:s0] =	ssyncadd.tile.s32 @!p0 $0x1;
	_ =	shalt  }
.Lfunc_end2:
_tile_overlayer_lowered:
.L_overlay_start_2:
0x3f: {  	(tag) =	ssettag $0x2  }
0x40: {  	s0 =	rddreg [dreg:$0x0];
	s2 =	stileid.u32  }
0x41: {  	s1 =	rddreg [dreg:$0x1];
	p0 =	sne.s32 s2, $0x0  }
0x42: {  	s3 =	rddreg [dreg:$0x2];
	[bflag:$0x3] =	sbarrier.arrive $0xFFFF;
	s2 =	simm.s32 @!p0 $0x1C02  }
0x43: {  	[timem:s3], [sflag:s2] =	dma.local @!p0 [hbm:s0], s1  }
0x44: {  	s0 =	simm.s32 @!p0 $0x2  }
0x45: {  	_ =	swait.ge @!p0 [sflag:s0], s1  }
0x46: {  	s1 =	ssub.s32 @!p0 $0x0, s1;
	[sflag:s0] =	ssyncset.done @!p0 $0x0  }
0x47: {  	[sflag:s0] =	ssyncadd.s32 @!p0 s1  }
0x48: {  	[bflag:$0x3] =	sbarrier.arrive $0xFFFF  }
0x49: {  	_ =	shalt  }

// kernel: kernel.17.cloned.1.call-start
scs
__scs_entry_jumppad:
0x0: {  	(pc) =	sbr.rel $0x88, $3  }
0x1: {  	(tag) =	ssettag $0x0;
	lr =	simm.s32 $0x1  }
0x2: {  	[smem:$0x3F8D] =	sst lr;
	_ =	strace $0xD0000000  }
0x3: {  	_ = 	snop  }
0x4: {  	_ = 	snop  }
0x5: {  	_ = 	snop  }
0x6: {  	_ = 	snop  }
0x7: {  	_ = 	snop  }
__scs_overlays_trampoline_lowered:
0x8: {  	[smem:$0x3F9C] =	sst s0  }
0x9: {  	[smem:$0x3F9D] =	sst s1  }
0xa: {  	[smem:$0x3F9E] =	sst s2  }
0xb: {  	[smem:$0x3F9F] =	sst s3  }
0xc: {  	[smem:$0x3FA0] =	sst s4  }
0xd: {  	[smem:$0x3FA1] =	sst s5  }
0xe: {  	[smem:$0x3FA2] =	sst s6  }
0xf: {  	[smem:$0x3FA3] =	sst s7  }
0x10: {  	[smem:$0x3FA4] =	sst s8  }
0x11: {  	[smem:$0x3FA5] =	sst s9;
	s0 =	simm.s32 @!p0 $0x0  }
0x12: {  	s1 =	sld [smem:$0x3F8B];
	s0 =	simm.s32 @p0 $0x1  }
0x13: {  	[smem:$0x3FA6] =	sst s0;
	s0 =	simm.s32 @!p1 $0x0  }
0x14: {  	s2 =	sld [smem:$0x3F8A];
	s0 =	simm.s32 @p1 $0x1  }
0x15: {  	[smem:$0x3FA7] =	sst s0;
	s0 =	simm.s32 @!p2 $0x0  }
0x16: {  	s3 =	sld [smem:$0x3FDB];
	s0 =	simm.s32 @p2 $0x1  }
0x17: {  	s4 =	simm.s32 $0x1BF5;
	[smem:$0x3FA9] =	sst s0  }
0x18: {  	s0 =	sld [smem:$0x3F8C];
	_ =	swait.ge [sflag:s4], $0x0  }
0x19: {  	s7 =	sld [smem:$0x3F8D]  }
0x1a: {  	s8 =	sadd.s32 $0xFFFFE003, lr  }
0x1b: {  	s9 =	sadd.s32 $0xFFFFFEF7, lr;
	s5 =	simm.s32 $0xFFFFFFFF;
	p2 =	slt.u32 s8, $0xFFFFF086  }
0x1c: {  	p1 =	slt.u32 s9, $0xF7A;
	s5 =	simm.s32 @!p2 $0x0  }
0x1d: {  	s5 =	simm.s32 @p1 $0x1;
	p0 =	seq.s32 s7, s2  }
0x1e: {  	s7 =	smul.u32 @!p0 $0xF7A, s2;
	p2 =	seq.s32 @!p0 s5, $0x0  }
0x1f: {  	s9 =	smul.u32 $0xF7A, s1;
	s8 =	simm.s32 @!p0 $0x1BF5;
	p2 =	por !p2, p0  }
0x20: {  	[sflag:s8] =	ssyncset.s32 @!p0 $0xFFFFF086;
	s6 =	sadd.s32 @!p0 s3, s7;
	s7 =	simm.s32 @!p0 $0x108  }
0x21: {  	s3 =	sadd.s32 s3, s9;
	s6 =	sadd.s32 @!p0 $0x88, s6;
	s7 =	simm.s32 @p2 $0x1082  }
0x22: {  	[simem:s7], [sflag:s8] =	dma.local @!p0 [hbm:s6], $0xF7A  }
0x23: {  	s9 =	sor.u32 $0xD0000000, s2;
	s6 =	simm.s32 $0x108;
	_ =	swait.ge @!p0 [sflag:s8], $0x0  }
0x24: {  	s3 =	sadd.s32 $0x88, s3;
	s6 =	simm.s32 @!p1 $0x1082;
	[sflag:s4] =	ssyncset.s32 $0xFFFFF086  }
0x25: {  	[simem:s6], [sflag:s4] =	dma.local [hbm:s3], $0xF7A  }
0x26: {  	[smem:$0x3F8D] =	sst s1;
	(tag) =	ssettag s2;
	_ =	strace s9  }
0x27: {  	s1 =	sld [smem:$0x3F9D]  }
0x28: {  	s2 =	sld [smem:$0x3F9E]  }
0x29: {  	s4 =	sld [smem:$0x3FA0]  }
0x2a: {  	p0 =	seq.s32 s5, $0x0;
	s5 =	sld [smem:$0x3FA1]  }
0x2b: {  	s6 =	sld [smem:$0x3FA2]  }
0x2c: {  	s7 =	sld [smem:$0x3FA3]  }
0x2d: {  	s3 =	simm.s32 $0x108;
	s8 =	sld [smem:$0x3FA4]  }
0x2e: {  	s3 =	simm.s32 @!p0 $0x1082;
	s9 =	sld [smem:$0x3FA5]  }
0x2f: {  	lr =	sadd.s32 s0, s3;
	s0 =	sld [smem:$0x3F9C]  }
0x30: {  	s3 =	sld [smem:$0x3F9F]  }
0x31: {  	[smem:$0x3FA8] =	sst s10  }
0x32: {  	s10 =	sld [smem:$0x3FA6];
	_ =	sdelay $0x3  }
0x33: {  	p0 =	seq.s32 s10, $0x1;
	s10 =	sld [smem:$0x3FA8];
	_ =	sdelay $0x3  }
0x34: {  	[smem:$0x3FA8] =	sst s10  }
0x35: {  	s10 =	sld [smem:$0x3FA7];
	_ =	sdelay $0x3  }
0x36: {  	p1 =	seq.s32 s10, $0x1;
	s10 =	sld [smem:$0x3FA8];
	_ =	sdelay $0x3  }
0x37: {  	[smem:$0x3FA8] =	sst s10  }
0x38: {  	s10 =	sld [smem:$0x3FA9]  }
0x39: {  	_ = 	snop;
	(pc) =	sbr.ind lr, $3  }
0x3a: {  	_ = 	snop  }
0x3b: {  	_ = 	snop  }
0x3c: {  	p2 =	seq.s32 s10, $0x1;
	s10 =	sld [smem:$0x3FA8]  }
0x3d: {  	_ =	shalt  }
0x3e: {  	_ =	shalt  }
0x3f: {  	_ =	shalt  }
0x40: {  	_ =	shalt  }
0x41: {  	_ =	shalt  }
0x42: {  	_ =	shalt  }
0x43: {  	_ =	shalt  }
0x44: {  	_ =	shalt  }
0x45: {  	_ =	shalt  }
0x46: {  	_ =	shalt  }
0x47: {  	_ =	shalt  }
0x48: {  	_ =	shalt  }
0x49: {  	_ =	shalt  }
0x4a: {  	_ =	shalt  }
0x4b: {  	_ =	shalt  }
0x4c: {  	_ =	shalt  }
0x4d: {  	_ =	shalt  }
0x4e: {  	_ =	shalt  }
0x4f: {  	_ =	shalt  }
0x50: {  	_ =	shalt  }
0x51: {  	_ =	shalt  }
0x52: {  	_ =	shalt  }
0x53: {  	_ =	shalt  }
0x54: {  	_ =	shalt  }
0x55: {  	_ =	shalt  }
0x56: {  	_ =	shalt  }
0x57: {  	_ =	shalt  }
0x58: {  	_ =	shalt  }
0x59: {  	_ =	shalt  }
0x5a: {  	_ =	shalt  }
0x5b: {  	_ =	shalt  }
0x5c: {  	_ =	shalt  }
0x5d: {  	_ =	shalt  }
0x5e: {  	_ =	shalt  }
0x5f: {  	_ =	shalt  }
0x60: {  	_ =	shalt  }
0x61: {  	_ =	shalt  }
0x62: {  	_ =	shalt  }
0x63: {  	_ =	shalt  }
0x64: {  	_ =	shalt  }
0x65: {  	_ =	shalt  }
0x66: {  	_ =	shalt  }
0x67: {  	_ =	shalt  }
0x68: {  	_ =	shalt  }
0x69: {  	_ =	shalt  }
0x6a: {  	_ =	shalt  }
0x6b: {  	_ =	shalt  }
0x6c: {  	_ =	shalt  }
0x6d: {  	_ =	shalt  }
0x6e: {  	_ =	shalt  }
0x6f: {  	_ =	shalt  }
0x70: {  	_ =	shalt  }
0x71: {  	_ =	shalt  }
0x72: {  	_ =	shalt  }
0x73: {  	_ =	shalt  }
0x74: {  	_ =	shalt  }
0x75: {  	_ =	shalt  }
0x76: {  	_ =	shalt  }
0x77: {  	_ =	shalt  }
0x78: {  	_ =	shalt  }
0x79: {  	_ =	shalt  }
0x7a: {  	_ =	shalt  }
0x7b: {  	_ =	shalt  }
0x7c: {  	_ =	shalt  }
0x7d: {  	_ =	shalt  }
0x7e: {  	_ =	shalt  }
0x7f: {  	_ =	shalt  }
0x80: {  	_ =	shalt  }
0x81: {  	_ =	shalt  }
0x82: {  	_ =	shalt  }
0x83: {  	_ =	shalt  }
0x84: {  	_ =	shalt  }
0x85: {  	_ =	shalt  }
0x86: {  	_ =	shalt  }
0x87: {  	_ =	shalt  }
.Lfunc_end0:
.L_simem_size_0:
called_computation.1_lowered:
.L_overlay_start_0:
0x88: {  	s2 =	sld [smem:$0x3FD9]  }
0x89: {  	s3 =	sld [smem:$0x3FFE];
	_ =	sdelay $0x1  }
0x8a: {  	s1 =	srdreg.scid  }
0x8b: {  	s0 =	sand.u32 $0x1, s1  }
0x8c: {  	s16 =	sshll.u32 s0, $0xA;
	s2 =	sadd.s32 s3, s2  }
0x8d: {  	s2 =	sadd.s32 s2, s16  }
0x8e: {  	[smem:$0x3FB4] =	sst s2  }
0x8f: {  	_ = 	snop  }
0x90: {  	(tm) =	ssettm $0x1  }
0x91: {  	s17 =	sld [smem:$0x3FFB];
	_ =	sdelay $0x3  }
0x92: {  	_ =	strace s17  }
0x93: {  	s2 =	sld [smem:$0x3FFC];
	_ =	sdelay $0x3  }
0x94: {  	_ =	strace s2  }
0x95: {  	s2 =	sld [smem:$0x3FFD];
	_ =	sdelay $0x3  }
0x96: {  	_ =	strace s2  }
0x97: {  	_ =	strace $0x8FFFFFFF  }
0x98: {  	s18 =	sld [smem:$0x3FDB];
	_ =	sdelay $0x1  }
0x99: {  	s19 =	simm.s32 $_scs_section_size  }
0x9a: {  	s4 =	simm.s32 $_size__tile_overlayer_lowered;
	s5 =	simm.s32 $_tile_overlayer_lowered  }
0x9b: {  	s22 =	simm.s32 $0x1BFF;
	s21 =	sshll.u32 s5, $0x1;
	s2 =	sadd.s32 s19, s18  }
0x9c: {  	s6 =	simm.s32 $0x0;
	s20 =	sshll.u32 s4, $0x1;
	s4 =	sadd.s32 s21, s2  }
0x9d: {  	[timem:s6], [sflag:s22] =	dma.local [hbm:s4], s20  }
0x9e: {  	_ =	swait.ge [sflag:s22], s20  }
0x9f: {  	s3 =	ssub.s32 $0x0, s20;
	[sflag:s22] =	ssyncset.done $0x0  }
0xa0: {  	[sflag:s22] =	ssyncadd.s32 s3;
	_ =	sdelay $0x1  }
0xa1: {  	s23 =	simm.s32 $0x1B8B  }
0xa2: {  	_ =	swait.ge [sflag:s23], $0x1  }
0xa3: {  	[sflag:s23] =	ssyncset.done $0x0  }
0xa4: {  	s25 =	simm.s32 $0x1B8E;
	s24 =	sld [smem:$0x3FFE];
	[sflag:s23] =	ssyncadd.s32 $0xFFFFFFFF  }
0xa5: {  	s26 =	simm.s32 $execute0_lowered;
	[smem:$0x3FD2] =	sst s25  }
0xa6: {  	s4 =	sshll.u32 s26, $0x1;
	_ =	strace $0x80000046;
	[dreg:$0x1] =	wrdreg $0xFFFFFFFF  }
0xa7: {  	s28 =	simm.s32 $_size_execute0_lowered;
	s2 =	sadd.s32 s2, s4;
	[dreg:$0x0] =	wrdreg $0x0  }
0xa8: {  	s4 =	sshll.u32 s28, $0x1;
	[dreg:$0x2] =	wrdreg s2  }
0xa9: {  	[dreg:$0x3] =	wrdreg s4  }
0xaa: {  	[dreg:$0x4] =	wrdreg $0xC0  }
0xab: {  	_ =	task [dreg:s6], $0x5FFFF  }
0xac: {  	[dreg:$0x1] =	wrdreg $0xFFFFFFFF  }
0xad: {  	[dreg:$0x0] =	wrdreg $0x60  }
0xae: {  	[dreg:$0x2] =	wrdreg s24  }
0xaf: {  	[dreg:$0x3] =	wrdreg $0x7DA00  }
0xb0: {  	[dreg:$0x4] =	wrdreg $0xA  }
0xb1: {  	_ =	task.clear_ibuf [dreg:s6], $0x5FFFF;
	_ =	strace $0x90000046  }
0xb2: {  	s29 =	simm.s32 $0xA;
	_ =	strace $0x80000048  }
0xb3: {  	_ =	swait.ge [sflag:s29], $0x1  }
0xb4: {  	[sflag:s29] =	ssyncadd.s32 $0xFFFFFFFF  }
0xb5: {  	_ =	strace $0x90000048  }
0xb6: {  	_ =	sfence  }
0xb7: {  	s30 =	sld [smem:$0x0];
	_ =	sdelay $0x2  }
0xb8: {  	s31 =	sshll.u32 s1, $0xD;
	s1 =	sshrl.u32 s1, $0x2  }
0xb9: {  	s3 =	sand.u32 $0x4000, s31;
	s1 =	sadd.s32 s1, s30  }
0xba: {  	s0 =	sor.u32 s3, s0;
	s1 =	sshll.u32 s1, $0x11  }
0xbb: {  	s0 =	sor.u32 s1, s0  }
0xbc: {  	s0 =	sadd.s32 $0x8F2B, s0  }
0xbd: {  	[sflag:s0] =	ssyncadd.remote.s32 $0x1  }
0xbe: {  	_ =	sfence.sel $0xFFFF  }
0xbf: {  	[dreg:$0x0] =	wrdreg $0xFFFFFFFF;
	(pc) =	sbr.abs _section_cstart, $3  }
0xc0: {  	[dreg:$0x1] =	wrdreg $0xFFFFFFFF  }
0xc1: {  	_ =	task.clear_ibuf [dreg:s6], $0x2FFFF;
	_ =	strace $0x9FFFFFFF  }
0xc2: {  	(tm) =	ssettm $0x7FFFFFFF  }
0xc3: {  	_ =	shalt  }
tec
execute0_lowered:
.L_overlay_start_1:
0x0: {  	(tag) =	ssettag $0x1  }
0x1: {  	s1 =	srdreg.scid;
	s6 =	rddreg [dreg:$0x0]  }
0x2: {  	s0 =	stileid.u32;
	s2 =	rddreg [dreg:$0x1]  }
0x3: {  	s3 =	simm.s32 $0x0;
	s14 =	simm.s32 $0x50;
	s15 =	simm.s32 $0x4E20  }
0x4: {  	s16 =	simm.s32 $0x1;
	s17 =	simm.s32 $0x0;
	s7 =	smul.u32 $0x2710, s0  }
0x5: {  	s5 =	sand.u32 $0x1, s1;
	s1 =	rddreg [dreg:$0x2];
	s8 =	smul.u32 $0x17C00, s0  }
0x6: {  	[smem:$0x7FF] =	sst s3;
	s31 =	sshll.u32 s0, $0x6;
	s4 =	smul.u32 $0x27100, s5  }
0x7: {  	s10 =	smul.u32 $0x17C000, s5;
	_ =	strace $0x80000047;
	s29 =	ssub.s32 $0x2, s5  }
0x8: {  	s5 =	sadd.s32 $0x73400, s6;
	s30 =	sshrl.u32 s29, $0x1;
	s13 =	sadd.s32 s8, s2  }
0x9: {  	s9 =	sadd.s32 s7, s4;
	s4 =	sadd.s32 $0x14400, s6;
	s7 =	sshrl.u32 s7, $0x3  }
0xa: {  	s10 =	sadd.s32 s8, s10;
	s9 =	sshrl.u32 s9, $0x3;
	s11 =	sadd.s32 s7, s6  }
0xb: {  	s28 =	sshrl.u32 s10, $0x3;
	s10 =	ssub.s32 s29, s30;
	s9 =	sadd.s32 s9, s6  }
0xc: {  	s12 =	sadd.s32 s28, s6;
	s6 =	sor.u32 $0x1C02, s31;
	s8 =	sadd.s32 $0x5600, s11  }
0xd: {  	s10 =	smax.u32 s10, $0x1;
	s11 =	sshrl.u32 s13, $0x3;
	s13 =	simm.s32 $0x2710  }
0xe: {  	s7 =	sadd.s32 $0xA600, s9;
	s9 =	sadd.s32 $0x76400, s12;
	s12 =	simm.s32 $0x2  }
.LBB2_1:
0xf: {  	[spmem:s11], [sflag:s6] =	dma.local [hbm:s5], $0x2F80  }
0x10: {  	_ =	swait.ge [sflag:s12], $0x2F80  }
0x11: {  	[sflag:s12] =	ssyncset.done $0x0  }
0x12: {  	[sflag:s12] =	ssyncadd.s32 $0xFFFFD080  }
0x13: {  	[tilespmem:s3], [sflag:$0x2] =	stream.linear.gather [hbm4b:s7+s3], $0x2710, $0x38;
	[tilespmem:$0x1F9A0] =	vst v63  }
0x14: {  	_ =	swait.ge [sflag:s12], $0x2710  }
0x15: {  	[sflag:s12] =	ssyncset.done $0x0  }
0x16: {  	[sflag:s12] =	ssyncadd.s32 $0xFFFFD8F0  }
0x17: {  	[tilespmem:s13], [sflag:$0x2] =	stream.linear.gather [hbm4b:s8+s3], $0x2710, $0x38;
	[tilespmem:$0x1F9A0] =	vst v63  }
0x18: {  	_ =	swait.ge [sflag:s12], $0x2710  }
0x19: {  	[sflag:s12] =	ssyncset.done $0x0  }
0x1a: {  	[sflag:s12] =	ssyncadd.s32 $0xFFFFD8F0  }
0x1b: {  	s18 =	simm.s32 $0x0;
	[bflag:$0x0] =	sbarrier.arrive $0xFFFF  }
0x1c: {  	[tilespmem:s15], [sflag:$0x1] =	stream.indirect.gather [hbm4b:s4+s14], $0x98, s18, s14, $0xb8;
	[tilespmem:$0x1F9A0] =	vst v63  }
0x1d: {  	_ =	swait.ge [sflag:s16], $0x2F80  }
0x1e: {  	[sflag:s16] =	ssyncset.done $0x0  }
0x1f: {  	s31 =	simm.s32 $0x2710;
	[sflag:s16] =	ssyncadd.s32 $0xFFFFD080  }
0x20: {  	[spmem:s2] =	stream.indirect.scatter.add.f32 [tilespmem:s15], [sflag:$0x2], $0x98, s31, s14, $0xb8;
	[tilespmem:$0x1F9A0] =	vst v63  }
0x21: {  	_ =	swait.ge [sflag:s12], $0x2F80  }
0x22: {  	s19 =	simm.s32 $0x280;
	s18 =	simm.s32 $0x140;
	[sflag:s12] =	ssyncset.done $0x0  }
.LBB2_2:
0x23: {  	s20 =	sshra.s32 s18, $0x2  }
0x24: {  	[sflag:s12] =	ssyncadd.s32 $0xFFFFD080;
	s18 =	smov.u32 s19;
	s21 =	sadd.s32 $0x140, s19  }
0x25: {  	[tilespmem:s15], [sflag:$0x1] =	stream.indirect.gather [hbm4b:s4+s14], $0x98, s20, s14, $0xb8;
	[tilespmem:$0x1F9A0] =	vst v63  }
0x26: {  	p0 =	sne.s32 s19, $0x9B00;
	_ =	swait.ge [sflag:s16], $0x2F80  }
.Ltmp0:
0x27: {  	[sflag:s16] =	ssyncset.done $0x0;
	(pc) =	sbr.rel @p0 .LBB2_2-.Ltmp0, $4  }
0x28: {  	s19 =	sadd.s32 $0x2710, s20;
	[sflag:s16] =	ssyncadd.s32 $0xFFFFD080  }
0x29: {  	[spmem:s2] =	stream.indirect.scatter.add.f32 [tilespmem:s15], [sflag:$0x2], $0x98, s19, s14, $0xb8;
	[tilespmem:$0x1F9A0] =	vst v63  }
0x2a: {  	_ =	swait.ge [sflag:s12], $0x2F80  }
0x2b: {  	s19 =	smov.u32 s21;
	[sflag:s12] =	ssyncset.done $0x0  }
0x2c: {  	s18 =	sshra.s32 s18, $0x2;
	[sflag:s12] =	ssyncadd.s32 $0xFFFFD080  }
0x2d: {  	[tilespmem:s15], [sflag:$0x1] =	stream.indirect.gather [hbm4b:s4+s14], $0x98, s18, s14, $0xb8;
	[tilespmem:$0x1F9A0] =	vst v63  }
0x2e: {  	_ =	swait.ge [sflag:s16], $0x2F80  }
0x2f: {  	[sflag:s16] =	ssyncset.done $0x0  }
0x30: {  	s18 =	sadd.s32 $0x2710, s18;
	[sflag:s16] =	ssyncadd.s32 $0xFFFFD080  }
0x31: {  	[spmem:s2] =	stream.indirect.scatter.add.f32 [tilespmem:s15], [sflag:$0x2], $0x98, s18, s14, $0xb8;
	[tilespmem:$0x1F9A0] =	vst v63  }
0x32: {  	_ =	swait.ge [sflag:s12], $0x2F80  }
0x33: {  	s17 =	sadd.s32 $0x1, s17;
	[sflag:s12] =	ssyncset.done $0x0  }
0x34: {  	p0 =	sne.s32 s17, s10;
	[sflag:s12] =	ssyncadd.s32 $0xFFFFD080  }
.Ltmp1:
0x35: {  	[bflag:$0x0] =	sbarrier.arrive $0xFFFF;
	(pc) =	sbr.rel @p0 .LBB2_1-.Ltmp1, $4  }
0x36: {  	[hbm:s9], [sflag:s6] =	dma.local [spmem:s11], $0x2F80  }
0x37: {  	_ =	swait.ge [sflag:s12], $0x2F80  }
0x38: {  	[sflag:s12] =	ssyncset.done $0x0  }
0x39: {  	[sflag:s12] =	ssyncadd.s32 $0xFFFFD080  }
0x3a: {  	_ =	sfence.sel $0x180000  }
0x3b: {  	[bflag:$0x0] =	sbarrier.arrive $0xFFFF  }
0x3c: {  	p0 =	sne.s32 s0, $0x0;
	_ =	strace $0x90000047  }
0x3d: {  	s0 =	sadd.s32 @!p0 $0x100000, s1;
	[bflag:$0x2] =	sbarrier.arrive $0xFFFF  }
0x3e: {  	[sflag:s0] =	ssyncadd.tile.s32 @!p0 $0x1;
	_ =	shalt  }
.Lfunc_end2:
_tile_overlayer_lowered:
.L_overlay_start_2:
0x3f: {  	(tag) =	ssettag $0x2  }
0x40: {  	s0 =	rddreg [dreg:$0x0];
	s2 =	stileid.u32  }
0x41: {  	s1 =	rddreg [dreg:$0x1];
	p0 =	sne.s32 s2, $0x0  }
0x42: {  	s3 =	rddreg [dreg:$0x2];
	[bflag:$0x3] =	sbarrier.arrive $0xFFFF;
	s2 =	simm.s32 @!p0 $0x1C02  }
0x43: {  	[timem:s3], [sflag:s2] =	dma.local @!p0 [hbm:s0], s1  }
0x44: {  	s0 =	simm.s32 @!p0 $0x2  }
0x45: {  	_ =	swait.ge @!p0 [sflag:s0], s1  }
0x46: {  	s1 =	ssub.s32 @!p0 $0x0, s1;
	[sflag:s0] =	ssyncset.done @!p0 $0x0  }
0x47: {  	[sflag:s0] =	ssyncadd.s32 @!p0 s1  }
0x48: {  	[bflag:$0x3] =	sbarrier.arrive $0xFFFF  }
0x49: {  	_ =	shalt  }

// kernel: kernel.20.cloned.1.call-start
scs
__scs_entry_jumppad:
0x0: {  	(pc) =	sbr.rel $0x88, $3  }
0x1: {  	(tag) =	ssettag $0x0;
	lr =	simm.s32 $0x1  }
0x2: {  	[smem:$0x3F8D] =	sst lr;
	_ =	strace $0xD0000000  }
0x3: {  	_ = 	snop  }
0x4: {  	_ = 	snop  }
0x5: {  	_ = 	snop  }
0x6: {  	_ = 	snop  }
0x7: {  	_ = 	snop  }
__scs_overlays_trampoline_lowered:
0x8: {  	[smem:$0x3F9C] =	sst s0  }
0x9: {  	[smem:$0x3F9D] =	sst s1  }
0xa: {  	[smem:$0x3F9E] =	sst s2  }
0xb: {  	[smem:$0x3F9F] =	sst s3  }
0xc: {  	[smem:$0x3FA0] =	sst s4  }
0xd: {  	[smem:$0x3FA1] =	sst s5  }
0xe: {  	[smem:$0x3FA2] =	sst s6  }
0xf: {  	[smem:$0x3FA3] =	sst s7  }
0x10: {  	[smem:$0x3FA4] =	sst s8  }
0x11: {  	[smem:$0x3FA5] =	sst s9;
	s0 =	simm.s32 @!p0 $0x0  }
0x12: {  	s1 =	sld [smem:$0x3F8B];
	s0 =	simm.s32 @p0 $0x1  }
0x13: {  	[smem:$0x3FA6] =	sst s0;
	s0 =	simm.s32 @!p1 $0x0  }
0x14: {  	s2 =	sld [smem:$0x3F8A];
	s0 =	simm.s32 @p1 $0x1  }
0x15: {  	[smem:$0x3FA7] =	sst s0;
	s0 =	simm.s32 @!p2 $0x0  }
0x16: {  	s3 =	sld [smem:$0x3FDB];
	s0 =	simm.s32 @p2 $0x1  }
0x17: {  	s4 =	simm.s32 $0x1BF5;
	[smem:$0x3FA9] =	sst s0  }
0x18: {  	s0 =	sld [smem:$0x3F8C];
	_ =	swait.ge [sflag:s4], $0x0  }
0x19: {  	s7 =	sld [smem:$0x3F8D]  }
0x1a: {  	s8 =	sadd.s32 $0xFFFFE003, lr  }
0x1b: {  	s9 =	sadd.s32 $0xFFFFFEF7, lr;
	s5 =	simm.s32 $0xFFFFFFFF;
	p2 =	slt.u32 s8, $0xFFFFF086  }
0x1c: {  	p1 =	slt.u32 s9, $0xF7A;
	s5 =	simm.s32 @!p2 $0x0  }
0x1d: {  	s5 =	simm.s32 @p1 $0x1;
	p0 =	seq.s32 s7, s2  }
0x1e: {  	s7 =	smul.u32 @!p0 $0xF7A, s2;
	p2 =	seq.s32 @!p0 s5, $0x0  }
0x1f: {  	s9 =	smul.u32 $0xF7A, s1;
	s8 =	simm.s32 @!p0 $0x1BF5;
	p2 =	por !p2, p0  }
0x20: {  	[sflag:s8] =	ssyncset.s32 @!p0 $0xFFFFF086;
	s6 =	sadd.s32 @!p0 s3, s7;
	s7 =	simm.s32 @!p0 $0x108  }
0x21: {  	s3 =	sadd.s32 s3, s9;
	s6 =	sadd.s32 @!p0 $0x88, s6;
	s7 =	simm.s32 @p2 $0x1082  }
0x22: {  	[simem:s7], [sflag:s8] =	dma.local @!p0 [hbm:s6], $0xF7A  }
0x23: {  	s9 =	sor.u32 $0xD0000000, s2;
	s6 =	simm.s32 $0x108;
	_ =	swait.ge @!p0 [sflag:s8], $0x0  }
0x24: {  	s3 =	sadd.s32 $0x88, s3;
	s6 =	simm.s32 @!p1 $0x1082;
	[sflag:s4] =	ssyncset.s32 $0xFFFFF086  }
0x25: {  	[simem:s6], [sflag:s4] =	dma.local [hbm:s3], $0xF7A  }
0x26: {  	[smem:$0x3F8D] =	sst s1;
	(tag) =	ssettag s2;
	_ =	strace s9  }
0x27: {  	s1 =	sld [smem:$0x3F9D]  }
0x28: {  	s2 =	sld [smem:$0x3F9E]  }
0x29: {  	s4 =	sld [smem:$0x3FA0]  }
0x2a: {  	p0 =	seq.s32 s5, $0x0;
	s5 =	sld [smem:$0x3FA1]  }
0x2b: {  	s6 =	sld [smem:$0x3FA2]  }
0x2c: {  	s7 =	sld [smem:$0x3FA3]  }
0x2d: {  	s3 =	simm.s32 $0x108;
	s8 =	sld [smem:$0x3FA4]  }
0x2e: {  	s3 =	simm.s32 @!p0 $0x1082;
	s9 =	sld [smem:$0x3FA5]  }
0x2f: {  	lr =	sadd.s32 s0, s3;
	s0 =	sld [smem:$0x3F9C]  }
0x30: {  	s3 =	sld [smem:$0x3F9F]  }
0x31: {  	[smem:$0x3FA8] =	sst s10  }
0x32: {  	s10 =	sld [smem:$0x3FA6];
	_ =	sdelay $0x3  }
0x33: {  	p0 =	seq.s32 s10, $0x1;
	s10 =	sld [smem:$0x3FA8];
	_ =	sdelay $0x3  }
0x34: {  	[smem:$0x3FA8] =	sst s10  }
0x35: {  	s10 =	sld [smem:$0x3FA7];
	_ =	sdelay $0x3  }
0x36: {  	p1 =	seq.s32 s10, $0x1;
	s10 =	sld [smem:$0x3FA8];
	_ =	sdelay $0x3  }
0x37: {  	[smem:$0x3FA8] =	sst s10  }
0x38: {  	s10 =	sld [smem:$0x3FA9]  }
0x39: {  	_ = 	snop;
	(pc) =	sbr.ind lr, $3  }
0x3a: {  	_ = 	snop  }
0x3b: {  	_ = 	snop  }
0x3c: {  	p2 =	seq.s32 s10, $0x1;
	s10 =	sld [smem:$0x3FA8]  }
0x3d: {  	_ =	shalt  }
0x3e: {  	_ =	shalt  }
0x3f: {  	_ =	shalt  }
0x40: {  	_ =	shalt  }
0x41: {  	_ =	shalt  }
0x42: {  	_ =	shalt  }
0x43: {  	_ =	shalt  }
0x44: {  	_ =	shalt  }
0x45: {  	_ =	shalt  }
0x46: {  	_ =	shalt  }
0x47: {  	_ =	shalt  }
0x48: {  	_ =	shalt  }
0x49: {  	_ =	shalt  }
0x4a: {  	_ =	shalt  }
0x4b: {  	_ =	shalt  }
0x4c: {  	_ =	shalt  }
0x4d: {  	_ =	shalt  }
0x4e: {  	_ =	shalt  }
0x4f: {  	_ =	shalt  }
0x50: {  	_ =	shalt  }
0x51: {  	_ =	shalt  }
0x52: {  	_ =	shalt  }
0x53: {  	_ =	shalt  }
0x54: {  	_ =	shalt  }
0x55: {  	_ =	shalt  }
0x56: {  	_ =	shalt  }
0x57: {  	_ =	shalt  }
0x58: {  	_ =	shalt  }
0x59: {  	_ =	shalt  }
0x5a: {  	_ =	shalt  }
0x5b: {  	_ =	shalt  }
0x5c: {  	_ =	shalt  }
0x5d: {  	_ =	shalt  }
0x5e: {  	_ =	shalt  }
0x5f: {  	_ =	shalt  }
0x60: {  	_ =	shalt  }
0x61: {  	_ =	shalt  }
0x62: {  	_ =	shalt  }
0x63: {  	_ =	shalt  }
0x64: {  	_ =	shalt  }
0x65: {  	_ =	shalt  }
0x66: {  	_ =	shalt  }
0x67: {  	_ =	shalt  }
0x68: {  	_ =	shalt  }
0x69: {  	_ =	shalt  }
0x6a: {  	_ =	shalt  }
0x6b: {  	_ =	shalt  }
0x6c: {  	_ =	shalt  }
0x6d: {  	_ =	shalt  }
0x6e: {  	_ =	shalt  }
0x6f: {  	_ =	shalt  }
0x70: {  	_ =	shalt  }
0x71: {  	_ =	shalt  }
0x72: {  	_ =	shalt  }
0x73: {  	_ =	shalt  }
0x74: {  	_ =	shalt  }
0x75: {  	_ =	shalt  }
0x76: {  	_ =	shalt  }
0x77: {  	_ =	shalt  }
0x78: {  	_ =	shalt  }
0x79: {  	_ =	shalt  }
0x7a: {  	_ =	shalt  }
0x7b: {  	_ =	shalt  }
0x7c: {  	_ =	shalt  }
0x7d: {  	_ =	shalt  }
0x7e: {  	_ =	shalt  }
0x7f: {  	_ =	shalt  }
0x80: {  	_ =	shalt  }
0x81: {  	_ =	shalt  }
0x82: {  	_ =	shalt  }
0x83: {  	_ =	shalt  }
0x84: {  	_ =	shalt  }
0x85: {  	_ =	shalt  }
0x86: {  	_ =	shalt  }
0x87: {  	_ =	shalt  }
.Lfunc_end0:
.L_simem_size_0:
called_computation.2_lowered:
.L_overlay_start_0:
0x88: {  	s2 =	sld [smem:$0x3FD9]  }
0x89: {  	s3 =	sld [smem:$0x3FFE];
	_ =	sdelay $0x1  }
0x8a: {  	s1 =	srdreg.scid  }
0x8b: {  	s0 =	sand.u32 $0x1, s1  }
0x8c: {  	s16 =	sshll.u32 s0, $0xA;
	s2 =	sadd.s32 s3, s2  }
0x8d: {  	s2 =	sadd.s32 s2, s16  }
0x8e: {  	[smem:$0x3FB4] =	sst s2  }
0x8f: {  	_ = 	snop  }
0x90: {  	(tm) =	ssettm $0x1  }
0x91: {  	s17 =	sld [smem:$0x3FFB];
	_ =	sdelay $0x3  }
0x92: {  	_ =	strace s17  }
0x93: {  	s2 =	sld [smem:$0x3FFC];
	_ =	sdelay $0x3  }
0x94: {  	_ =	strace s2  }
0x95: {  	s2 =	sld [smem:$0x3FFD];
	_ =	sdelay $0x3  }
0x96: {  	_ =	strace s2  }
0x97: {  	_ =	strace $0x8FFFFFFF  }
0x98: {  	s18 =	sld [smem:$0x3FDB];
	_ =	sdelay $0x1  }
0x99: {  	s19 =	simm.s32 $_scs_section_size  }
0x9a: {  	s4 =	simm.s32 $_size__tile_overlayer_lowered;
	s5 =	simm.s32 $_tile_overlayer_lowered  }
0x9b: {  	s22 =	simm.s32 $0x1BFF;
	s21 =	sshll.u32 s5, $0x1;
	s2 =	sadd.s32 s19, s18  }
0x9c: {  	s6 =	simm.s32 $0x0;
	s20 =	sshll.u32 s4, $0x1;
	s4 =	sadd.s32 s21, s2  }
0x9d: {  	[timem:s6], [sflag:s22] =	dma.local [hbm:s4], s20  }
0x9e: {  	_ =	swait.ge [sflag:s22], s20  }
0x9f: {  	s3 =	ssub.s32 $0x0, s20;
	[sflag:s22] =	ssyncset.done $0x0  }
0xa0: {  	[sflag:s22] =	ssyncadd.s32 s3;
	_ =	sdelay $0x1  }
0xa1: {  	s23 =	simm.s32 $0x1B8B  }
0xa2: {  	_ =	swait.ge [sflag:s23], $0x1  }
0xa3: {  	[sflag:s23] =	ssyncset.done $0x0  }
0xa4: {  	s25 =	simm.s32 $0x1B8E;
	s24 =	sld [smem:$0x3FFE];
	[sflag:s23] =	ssyncadd.s32 $0xFFFFFFFF  }
0xa5: {  	s26 =	simm.s32 $execute0_lowered;
	[smem:$0x3FD2] =	sst s25  }
0xa6: {  	s4 =	sshll.u32 s26, $0x1;
	_ =	strace $0x8000004C;
	[dreg:$0x1] =	wrdreg $0xFFFFFFFF  }
0xa7: {  	s28 =	simm.s32 $_size_execute0_lowered;
	s2 =	sadd.s32 s2, s4;
	[dreg:$0x0] =	wrdreg $0x0  }
0xa8: {  	s4 =	sshll.u32 s28, $0x1;
	[dreg:$0x2] =	wrdreg s2  }
0xa9: {  	[dreg:$0x3] =	wrdreg s4  }
0xaa: {  	[dreg:$0x4] =	wrdreg $0xC0  }
0xab: {  	_ =	task [dreg:s6], $0x5FFFF  }
0xac: {  	[dreg:$0x1] =	wrdreg $0xFFFFFFFF  }
0xad: {  	[dreg:$0x0] =	wrdreg $0x60  }
0xae: {  	[dreg:$0x2] =	wrdreg s24  }
0xaf: {  	[dreg:$0x3] =	wrdreg $0x7DA00  }
0xb0: {  	[dreg:$0x4] =	wrdreg $0x9  }
0xb1: {  	_ =	task.clear_ibuf [dreg:s6], $0x5FFFF;
	_ =	strace $0x9000004C  }
0xb2: {  	s29 =	simm.s32 $0x9;
	_ =	strace $0x8000004E  }
0xb3: {  	_ =	swait.ge [sflag:s29], $0x1  }
0xb4: {  	[sflag:s29] =	ssyncadd.s32 $0xFFFFFFFF  }
0xb5: {  	_ =	strace $0x9000004E  }
0xb6: {  	_ =	sfence  }
0xb7: {  	s30 =	sld [smem:$0x0];
	_ =	sdelay $0x2  }
0xb8: {  	s31 =	sshll.u32 s1, $0xD;
	s1 =	sshrl.u32 s1, $0x2  }
0xb9: {  	s3 =	sand.u32 $0x4000, s31;
	s1 =	sadd.s32 s1, s30  }
0xba: {  	s0 =	sor.u32 s3, s0;
	s1 =	sshll.u32 s1, $0x11  }
0xbb: {  	s0 =	sor.u32 s1, s0  }
0xbc: {  	s0 =	sadd.s32 $0x8F2B, s0  }
0xbd: {  	[sflag:s0] =	ssyncadd.remote.s32 $0x1  }
0xbe: {  	_ =	sfence.sel $0xFFFF  }
0xbf: {  	[dreg:$0x0] =	wrdreg $0xFFFFFFFF;
	(pc) =	sbr.abs _section_cstart, $3  }
0xc0: {  	[dreg:$0x1] =	wrdreg $0xFFFFFFFF  }
0xc1: {  	_ =	task.clear_ibuf [dreg:s6], $0x2FFFF;
	_ =	strace $0x9FFFFFFF  }
0xc2: {  	(tm) =	ssettm $0x7FFFFFFF  }
0xc3: {  	_ =	shalt  }
tec
execute0_lowered:
.L_overlay_start_1:
0x0: {  	(tag) =	ssettag $0x1  }
0x1: {  	s1 =	srdreg.scid;
	s6 =	rddreg [dreg:$0x0]  }
0x2: {  	s0 =	stileid.u32;
	s2 =	rddreg [dreg:$0x1]  }
0x3: {  	s3 =	simm.s32 $0x0;
	s14 =	simm.s32 $0x50;
	s15 =	simm.s32 $0x4E20  }
0x4: {  	s16 =	simm.s32 $0x1;
	s17 =	simm.s32 $0x0;
	s7 =	smul.u32 $0x2710, s0  }
0x5: {  	s5 =	sand.u32 $0x1, s1;
	s1 =	rddreg [dreg:$0x2];
	s8 =	smul.u32 $0x17C00, s0  }
0x6: {  	[smem:$0x7FF] =	sst s3;
	s31 =	sshll.u32 s0, $0x6;
	s4 =	smul.u32 $0x27100, s5  }
0x7: {  	s10 =	smul.u32 $0x17C000, s5;
	_ =	strace $0x8000004D;
	s29 =	ssub.s32 $0x2, s5  }
0x8: {  	s5 =	sadd.s32 $0x73400, s6;
	s30 =	sshrl.u32 s29, $0x1;
	s13 =	sadd.s32 s8, s2  }
0x9: {  	s9 =	sadd.s32 s7, s4;
	s4 =	sadd.s32 $0x14400, s6;
	s7 =	sshrl.u32 s7, $0x3  }
0xa: {  	s10 =	sadd.s32 s8, s10;
	s9 =	sshrl.u32 s9, $0x3;
	s11 =	sadd.s32 s7, s6  }
0xb: {  	s28 =	sshrl.u32 s10, $0x3;
	s10 =	ssub.s32 s29, s30;
	s9 =	sadd.s32 s9, s6  }
0xc: {  	s12 =	sadd.s32 s28, s6;
	s6 =	sor.u32 $0x1C02, s31;
	s8 =	sadd.s32 $0x5600, s11  }
0xd: {  	s10 =	smax.u32 s10, $0x1;
	s11 =	sshrl.u32 s13, $0x3;
	s13 =	simm.s32 $0x2710  }
0xe: {  	s7 =	sadd.s32 $0xA600, s9;
	s9 =	sadd.s32 $0x76400, s12;
	s12 =	simm.s32 $0x2  }
.LBB2_1:
0xf: {  	[spmem:s11], [sflag:s6] =	dma.local [hbm:s5], $0x2F80  }
0x10: {  	_ =	swait.ge [sflag:s12], $0x2F80  }
0x11: {  	[sflag:s12] =	ssyncset.done $0x0  }
0x12: {  	[sflag:s12] =	ssyncadd.s32 $0xFFFFD080  }
0x13: {  	[tilespmem:s3], [sflag:$0x2] =	stream.linear.gather [hbm4b:s7+s3], $0x2710, $0x38;
	[tilespmem:$0x1F9A0] =	vst v63  }
0x14: {  	_ =	swait.ge [sflag:s12], $0x2710  }
0x15: {  	[sflag:s12] =	ssyncset.done $0x0  }
0x16: {  	[sflag:s12] =	ssyncadd.s32 $0xFFFFD8F0  }
0x17: {  	[tilespmem:s13], [sflag:$0x2] =	stream.linear.gather [hbm4b:s8+s3], $0x2710, $0x38;
	[tilespmem:$0x1F9A0] =	vst v63  }
0x18: {  	_ =	swait.ge [sflag:s12], $0x2710  }
0x19: {  	[sflag:s12] =	ssyncset.done $0x0  }
0x1a: {  	[sflag:s12] =	ssyncadd.s32 $0xFFFFD8F0  }
0x1b: {  	s18 =	simm.s32 $0x0;
	[bflag:$0x0] =	sbarrier.arrive $0xFFFF  }
0x1c: {  	[tilespmem:s15], [sflag:$0x1] =	stream.indirect.gather [hbm4b:s4+s14], $0x98, s18, s14, $0xb8;
	[tilespmem:$0x1F9A0] =	vst v63  }
0x1d: {  	_ =	swait.ge [sflag:s16], $0x2F80  }
0x1e: {  	[sflag:s16] =	ssyncset.done $0x0  }
0x1f: {  	s31 =	simm.s32 $0x2710;
	[sflag:s16] =	ssyncadd.s32 $0xFFFFD080  }
0x20: {  	[spmem:s2] =	stream.indirect.scatter.add.f32 [tilespmem:s15], [sflag:$0x2], $0x98, s31, s14, $0xb8;
	[tilespmem:$0x1F9A0] =	vst v63  }
0x21: {  	_ =	swait.ge [sflag:s12], $0x2F80  }
0x22: {  	s19 =	simm.s32 $0x280;
	s18 =	simm.s32 $0x140;
	[sflag:s12] =	ssyncset.done $0x0  }
.LBB2_2:
0x23: {  	s20 =	sshra.s32 s18, $0x2  }
0x24: {  	[sflag:s12] =	ssyncadd.s32 $0xFFFFD080;
	s18 =	smov.u32 s19;
	s21 =	sadd.s32 $0x140, s19  }
0x25: {  	[tilespmem:s15], [sflag:$0x1] =	stream.indirect.gather [hbm4b:s4+s14], $0x98, s20, s14, $0xb8;
	[tilespmem:$0x1F9A0] =	vst v63  }
0x26: {  	p0 =	sne.s32 s19, $0x9B00;
	_ =	swait.ge [sflag:s16], $0x2F80  }
.Ltmp0:
0x27: {  	[sflag:s16] =	ssyncset.done $0x0;
	(pc) =	sbr.rel @p0 .LBB2_2-.Ltmp0, $4  }
0x28: {  	s19 =	sadd.s32 $0x2710, s20;
	[sflag:s16] =	ssyncadd.s32 $0xFFFFD080  }
0x29: {  	[spmem:s2] =	stream.indirect.scatter.add.f32 [tilespmem:s15], [sflag:$0x2], $0x98, s19, s14, $0xb8;
	[tilespmem:$0x1F9A0] =	vst v63  }
0x2a: {  	_ =	swait.ge [sflag:s12], $0x2F80  }
0x2b: {  	s19 =	smov.u32 s21;
	[sflag:s12] =	ssyncset.done $0x0  }
0x2c: {  	s18 =	sshra.s32 s18, $0x2;
	[sflag:s12] =	ssyncadd.s32 $0xFFFFD080  }
0x2d: {  	[tilespmem:s15], [sflag:$0x1] =	stream.indirect.gather [hbm4b:s4+s14], $0x98, s18, s14, $0xb8;
	[tilespmem:$0x1F9A0] =	vst v63  }
0x2e: {  	_ =	swait.ge [sflag:s16], $0x2F80  }
0x2f: {  	[sflag:s16] =	ssyncset.done $0x0  }
0x30: {  	s18 =	sadd.s32 $0x2710, s18;
	[sflag:s16] =	ssyncadd.s32 $0xFFFFD080  }
0x31: {  	[spmem:s2] =	stream.indirect.scatter.add.f32 [tilespmem:s15], [sflag:$0x2], $0x98, s18, s14, $0xb8;
	[tilespmem:$0x1F9A0] =	vst v63  }
0x32: {  	_ =	swait.ge [sflag:s12], $0x2F80  }
0x33: {  	s17 =	sadd.s32 $0x1, s17;
	[sflag:s12] =	ssyncset.done $0x0  }
0x34: {  	p0 =	sne.s32 s17, s10;
	[sflag:s12] =	ssyncadd.s32 $0xFFFFD080  }
.Ltmp1:
0x35: {  	[bflag:$0x0] =	sbarrier.arrive $0xFFFF;
	(pc) =	sbr.rel @p0 .LBB2_1-.Ltmp1, $4  }
0x36: {  	[hbm:s9], [sflag:s6] =	dma.local [spmem:s11], $0x2F80  }
0x37: {  	_ =	swait.ge [sflag:s12], $0x2F80  }
0x38: {  	[sflag:s12] =	ssyncset.done $0x0  }
0x39: {  	[sflag:s12] =	ssyncadd.s32 $0xFFFFD080  }
0x3a: {  	_ =	sfence.sel $0x180000  }
0x3b: {  	[bflag:$0x0] =	sbarrier.arrive $0xFFFF  }
0x3c: {  	p0 =	sne.s32 s0, $0x0;
	_ =	strace $0x9000004D  }
0x3d: {  	s0 =	sadd.s32 @!p0 $0x100000, s1;
	[bflag:$0x2] =	sbarrier.arrive $0xFFFF  }
0x3e: {  	[sflag:s0] =	ssyncadd.tile.s32 @!p0 $0x1;
	_ =	shalt  }
.Lfunc_end2:
_tile_overlayer_lowered:
.L_overlay_start_2:
0x3f: {  	(tag) =	ssettag $0x2  }
0x40: {  	s0 =	rddreg [dreg:$0x0];
	s2 =	stileid.u32  }
0x41: {  	s1 =	rddreg [dreg:$0x1];
	p0 =	sne.s32 s2, $0x0  }
0x42: {  	s3 =	rddreg [dreg:$0x2];
	[bflag:$0x3] =	sbarrier.arrive $0xFFFF;
	s2 =	simm.s32 @!p0 $0x1C02  }
0x43: {  	[timem:s3], [sflag:s2] =	dma.local @!p0 [hbm:s0], s1  }
0x44: {  	s0 =	simm.s32 @!p0 $0x2  }
0x45: {  	_ =	swait.ge @!p0 [sflag:s0], s1  }
0x46: {  	s1 =	ssub.s32 @!p0 $0x0, s1;
	[sflag:s0] =	ssyncset.done @!p0 $0x0  }
0x47: {  	[sflag:s0] =	ssyncadd.s32 @!p0 s1  }
0x48: {  	[bflag:$0x3] =	sbarrier.arrive $0xFFFF  }
0x49: {  	_ =	shalt  }

// kernel: kernel.23.cloned.1.call-start
scs
__scs_entry_jumppad:
0x0: {  	(pc) =	sbr.rel $0x88, $3  }
0x1: {  	(tag) =	ssettag $0x0;
	lr =	simm.s32 $0x1  }
0x2: {  	[smem:$0x3F8D] =	sst lr;
	_ =	strace $0xD0000000  }
0x3: {  	_ = 	snop  }
0x4: {  	_ = 	snop  }
0x5: {  	_ = 	snop  }
0x6: {  	_ = 	snop  }
0x7: {  	_ = 	snop  }
__scs_overlays_trampoline_lowered:
0x8: {  	[smem:$0x3F9C] =	sst s0  }
0x9: {  	[smem:$0x3F9D] =	sst s1  }
0xa: {  	[smem:$0x3F9E] =	sst s2  }
0xb: {  	[smem:$0x3F9F] =	sst s3  }
0xc: {  	[smem:$0x3FA0] =	sst s4  }
0xd: {  	[smem:$0x3FA1] =	sst s5  }
0xe: {  	[smem:$0x3FA2] =	sst s6  }
0xf: {  	[smem:$0x3FA3] =	sst s7  }
0x10: {  	[smem:$0x3FA4] =	sst s8  }
0x11: {  	[smem:$0x3FA5] =	sst s9;
	s0 =	simm.s32 @!p0 $0x0  }
0x12: {  	s1 =	sld [smem:$0x3F8B];
	s0 =	simm.s32 @p0 $0x1  }
0x13: {  	[smem:$0x3FA6] =	sst s0;
	s0 =	simm.s32 @!p1 $0x0  }
0x14: {  	s2 =	sld [smem:$0x3F8A];
	s0 =	simm.s32 @p1 $0x1  }
0x15: {  	[smem:$0x3FA7] =	sst s0;
	s0 =	simm.s32 @!p2 $0x0  }
0x16: {  	s3 =	sld [smem:$0x3FDB];
	s0 =	simm.s32 @p2 $0x1  }
0x17: {  	s4 =	simm.s32 $0x1BF5;
	[smem:$0x3FA9] =	sst s0  }
0x18: {  	s0 =	sld [smem:$0x3F8C];
	_ =	swait.ge [sflag:s4], $0x0  }
0x19: {  	s7 =	sld [smem:$0x3F8D]  }
0x1a: {  	s8 =	sadd.s32 $0xFFFFE003, lr  }
0x1b: {  	s9 =	sadd.s32 $0xFFFFFEF7, lr;
	s5 =	simm.s32 $0xFFFFFFFF;
	p2 =	slt.u32 s8, $0xFFFFF086  }
0x1c: {  	p1 =	slt.u32 s9, $0xF7A;
	s5 =	simm.s32 @!p2 $0x0  }
0x1d: {  	s5 =	simm.s32 @p1 $0x1;
	p0 =	seq.s32 s7, s2  }
0x1e: {  	s7 =	smul.u32 @!p0 $0xF7A, s2;
	p2 =	seq.s32 @!p0 s5, $0x0  }
0x1f: {  	s9 =	smul.u32 $0xF7A, s1;
	s8 =	simm.s32 @!p0 $0x1BF5;
	p2 =	por !p2, p0  }
0x20: {  	[sflag:s8] =	ssyncset.s32 @!p0 $0xFFFFF086;
	s6 =	sadd.s32 @!p0 s3, s7;
	s7 =	simm.s32 @!p0 $0x108  }
0x21: {  	s3 =	sadd.s32 s3, s9;
	s6 =	sadd.s32 @!p0 $0x88, s6;
	s7 =	simm.s32 @p2 $0x1082  }
0x22: {  	[simem:s7], [sflag:s8] =	dma.local @!p0 [hbm:s6], $0xF7A  }
0x23: {  	s9 =	sor.u32 $0xD0000000, s2;
	s6 =	simm.s32 $0x108;
	_ =	swait.ge @!p0 [sflag:s8], $0x0  }
0x24: {  	s3 =	sadd.s32 $0x88, s3;
	s6 =	simm.s32 @!p1 $0x1082;
	[sflag:s4] =	ssyncset.s32 $0xFFFFF086  }
0x25: {  	[simem:s6], [sflag:s4] =	dma.local [hbm:s3], $0xF7A  }
0x26: {  	[smem:$0x3F8D] =	sst s1;
	(tag) =	ssettag s2;
	_ =	strace s9  }
0x27: {  	s1 =	sld [smem:$0x3F9D]  }
0x28: {  	s2 =	sld [smem:$0x3F9E]  }
0x29: {  	s4 =	sld [smem:$0x3FA0]  }
0x2a: {  	p0 =	seq.s32 s5, $0x0;
	s5 =	sld [smem:$0x3FA1]  }
0x2b: {  	s6 =	sld [smem:$0x3FA2]  }
0x2c: {  	s7 =	sld [smem:$0x3FA3]  }
0x2d: {  	s3 =	simm.s32 $0x108;
	s8 =	sld [smem:$0x3FA4]  }
0x2e: {  	s3 =	simm.s32 @!p0 $0x1082;
	s9 =	sld [smem:$0x3FA5]  }
0x2f: {  	lr =	sadd.s32 s0, s3;
	s0 =	sld [smem:$0x3F9C]  }
0x30: {  	s3 =	sld [smem:$0x3F9F]  }
0x31: {  	[smem:$0x3FA8] =	sst s10  }
0x32: {  	s10 =	sld [smem:$0x3FA6];
	_ =	sdelay $0x3  }
0x33: {  	p0 =	seq.s32 s10, $0x1;
	s10 =	sld [smem:$0x3FA8];
	_ =	sdelay $0x3  }
0x34: {  	[smem:$0x3FA8] =	sst s10  }
0x35: {  	s10 =	sld [smem:$0x3FA7];
	_ =	sdelay $0x3  }
0x36: {  	p1 =	seq.s32 s10, $0x1;
	s10 =	sld [smem:$0x3FA8];
	_ =	sdelay $0x3  }
0x37: {  	[smem:$0x3FA8] =	sst s10  }
0x38: {  	s10 =	sld [smem:$0x3FA9]  }
0x39: {  	_ = 	snop;
	(pc) =	sbr.ind lr, $3  }
0x3a: {  	_ = 	snop  }
0x3b: {  	_ = 	snop  }
0x3c: {  	p2 =	seq.s32 s10, $0x1;
	s10 =	sld [smem:$0x3FA8]  }
0x3d: {  	_ =	shalt  }
0x3e: {  	_ =	shalt  }
0x3f: {  	_ =	shalt  }
0x40: {  	_ =	shalt  }
0x41: {  	_ =	shalt  }
0x42: {  	_ =	shalt  }
0x43: {  	_ =	shalt  }
0x44: {  	_ =	shalt  }
0x45: {  	_ =	shalt  }
0x46: {  	_ =	shalt  }
0x47: {  	_ =	shalt  }
0x48: {  	_ =	shalt  }
0x49: {  	_ =	shalt  }
0x4a: {  	_ =	shalt  }
0x4b: {  	_ =	shalt  }
0x4c: {  	_ =	shalt  }
0x4d: {  	_ =	shalt  }
0x4e: {  	_ =	shalt  }
0x4f: {  	_ =	shalt  }
0x50: {  	_ =	shalt  }
0x51: {  	_ =	shalt  }
0x52: {  	_ =	shalt  }
0x53: {  	_ =	shalt  }
0x54: {  	_ =	shalt  }
0x55: {  	_ =	shalt  }
0x56: {  	_ =	shalt  }
0x57: {  	_ =	shalt  }
0x58: {  	_ =	shalt  }
0x59: {  	_ =	shalt  }
0x5a: {  	_ =	shalt  }
0x5b: {  	_ =	shalt  }
0x5c: {  	_ =	shalt  }
0x5d: {  	_ =	shalt  }
0x5e: {  	_ =	shalt  }
0x5f: {  	_ =	shalt  }
0x60: {  	_ =	shalt  }
0x61: {  	_ =	shalt  }
0x62: {  	_ =	shalt  }
0x63: {  	_ =	shalt  }
0x64: {  	_ =	shalt  }
0x65: {  	_ =	shalt  }
0x66: {  	_ =	shalt  }
0x67: {  	_ =	shalt  }
0x68: {  	_ =	shalt  }
0x69: {  	_ =	shalt  }
0x6a: {  	_ =	shalt  }
0x6b: {  	_ =	shalt  }
0x6c: {  	_ =	shalt  }
0x6d: {  	_ =	shalt  }
0x6e: {  	_ =	shalt  }
0x6f: {  	_ =	shalt  }
0x70: {  	_ =	shalt  }
0x71: {  	_ =	shalt  }
0x72: {  	_ =	shalt  }
0x73: {  	_ =	shalt  }
0x74: {  	_ =	shalt  }
0x75: {  	_ =	shalt  }
0x76: {  	_ =	shalt  }
0x77: {  	_ =	shalt  }
0x78: {  	_ =	shalt  }
0x79: {  	_ =	shalt  }
0x7a: {  	_ =	shalt  }
0x7b: {  	_ =	shalt  }
0x7c: {  	_ =	shalt  }
0x7d: {  	_ =	shalt  }
0x7e: {  	_ =	shalt  }
0x7f: {  	_ =	shalt  }
0x80: {  	_ =	shalt  }
0x81: {  	_ =	shalt  }
0x82: {  	_ =	shalt  }
0x83: {  	_ =	shalt  }
0x84: {  	_ =	shalt  }
0x85: {  	_ =	shalt  }
0x86: {  	_ =	shalt  }
0x87: {  	_ =	shalt  }
.Lfunc_end0:
.L_simem_size_0:
called_computation.3_lowered:
.L_overlay_start_0:
0x88: {  	s2 =	sld [smem:$0x3FD9]  }
0x89: {  	s3 =	sld [smem:$0x3FFE];
	_ =	sdelay $0x1  }
0x8a: {  	s1 =	srdreg.scid  }
0x8b: {  	s0 =	sand.u32 $0x1, s1  }
0x8c: {  	s16 =	sshll.u32 s0, $0xA;
	s2 =	sadd.s32 s3, s2  }
0x8d: {  	s2 =	sadd.s32 s2, s16  }
0x8e: {  	[smem:$0x3FB4] =	sst s2  }
0x8f: {  	_ = 	snop  }
0x90: {  	(tm) =	ssettm $0x1  }
0x91: {  	s17 =	sld [smem:$0x3FFB];
	_ =	sdelay $0x3  }
0x92: {  	_ =	strace s17  }
0x93: {  	s2 =	sld [smem:$0x3FFC];
	_ =	sdelay $0x3  }
0x94: {  	_ =	strace s2  }
0x95: {  	s2 =	sld [smem:$0x3FFD];
	_ =	sdelay $0x3  }
0x96: {  	_ =	strace s2  }
0x97: {  	_ =	strace $0x8FFFFFFF  }
0x98: {  	s18 =	sld [smem:$0x3FDB];
	_ =	sdelay $0x1  }
0x99: {  	s19 =	simm.s32 $_scs_section_size  }
0x9a: {  	s4 =	simm.s32 $_size__tile_overlayer_lowered;
	s5 =	simm.s32 $_tile_overlayer_lowered  }
0x9b: {  	s22 =	simm.s32 $0x1BFF;
	s21 =	sshll.u32 s5, $0x1;
	s2 =	sadd.s32 s19, s18  }
0x9c: {  	s6 =	simm.s32 $0x0;
	s20 =	sshll.u32 s4, $0x1;
	s4 =	sadd.s32 s21, s2  }
0x9d: {  	[timem:s6], [sflag:s22] =	dma.local [hbm:s4], s20  }
0x9e: {  	_ =	swait.ge [sflag:s22], s20  }
0x9f: {  	s3 =	ssub.s32 $0x0, s20;
	[sflag:s22] =	ssyncset.done $0x0  }
0xa0: {  	[sflag:s22] =	ssyncadd.s32 s3;
	_ =	sdelay $0x1  }
0xa1: {  	s23 =	simm.s32 $0x1B8B  }
0xa2: {  	_ =	swait.ge [sflag:s23], $0x1  }
0xa3: {  	[sflag:s23] =	ssyncset.done $0x0  }
0xa4: {  	s25 =	simm.s32 $0x1B8E;
	s24 =	sld [smem:$0x3FFE];
	[sflag:s23] =	ssyncadd.s32 $0xFFFFFFFF  }
0xa5: {  	s26 =	simm.s32 $execute0_lowered;
	[smem:$0x3FD2] =	sst s25  }
0xa6: {  	s4 =	sshll.u32 s26, $0x1;
	_ =	strace $0x8000004F;
	[dreg:$0x1] =	wrdreg $0xFFFFFFFF  }
0xa7: {  	s28 =	simm.s32 $_size_execute0_lowered;
	s2 =	sadd.s32 s2, s4;
	[dreg:$0x0] =	wrdreg $0x0  }
0xa8: {  	s4 =	sshll.u32 s28, $0x1;
	[dreg:$0x2] =	wrdreg s2  }
0xa9: {  	[dreg:$0x3] =	wrdreg s4  }
0xaa: {  	[dreg:$0x4] =	wrdreg $0xC0  }
0xab: {  	_ =	task [dreg:s6], $0x5FFFF  }
0xac: {  	[dreg:$0x1] =	wrdreg $0xFFFFFFFF  }
0xad: {  	[dreg:$0x0] =	wrdreg $0x60  }
0xae: {  	[dreg:$0x2] =	wrdreg s24  }
0xaf: {  	[dreg:$0x3] =	wrdreg $0x7DA00  }
0xb0: {  	[dreg:$0x4] =	wrdreg $0x9  }
0xb1: {  	_ =	task.clear_ibuf [dreg:s6], $0x5FFFF;
	_ =	strace $0x9000004F  }
0xb2: {  	s29 =	simm.s32 $0x9;
	_ =	strace $0x80000051  }
0xb3: {  	_ =	swait.ge [sflag:s29], $0x1  }
0xb4: {  	[sflag:s29] =	ssyncadd.s32 $0xFFFFFFFF  }
0xb5: {  	_ =	strace $0x90000051  }
0xb6: {  	_ =	sfence  }
0xb7: {  	s30 =	sld [smem:$0x0];
	_ =	sdelay $0x2  }
0xb8: {  	s31 =	sshll.u32 s1, $0xD;
	s1 =	sshrl.u32 s1, $0x2  }
0xb9: {  	s3 =	sand.u32 $0x4000, s31;
	s1 =	sadd.s32 s1, s30  }
0xba: {  	s0 =	sor.u32 s3, s0;
	s1 =	sshll.u32 s1, $0x11  }
0xbb: {  	s0 =	sor.u32 s1, s0  }
0xbc: {  	s0 =	sadd.s32 $0x8F2B, s0  }
0xbd: {  	[sflag:s0] =	ssyncadd.remote.s32 $0x1  }
0xbe: {  	_ =	sfence.sel $0xFFFF  }
0xbf: {  	[dreg:$0x0] =	wrdreg $0xFFFFFFFF;
	(pc) =	sbr.abs _section_cstart, $3  }
0xc0: {  	[dreg:$0x1] =	wrdreg $0xFFFFFFFF  }
0xc1: {  	_ =	task.clear_ibuf [dreg:s6], $0x2FFFF;
	_ =	strace $0x9FFFFFFF  }
0xc2: {  	(tm) =	ssettm $0x7FFFFFFF  }
0xc3: {  	_ =	shalt  }
tec
execute0_lowered:
.L_overlay_start_1:
0x0: {  	(tag) =	ssettag $0x1  }
0x1: {  	s1 =	srdreg.scid;
	s6 =	rddreg [dreg:$0x0]  }
0x2: {  	s0 =	stileid.u32;
	s2 =	rddreg [dreg:$0x1]  }
0x3: {  	s3 =	simm.s32 $0x0;
	s14 =	simm.s32 $0x50;
	s15 =	simm.s32 $0x4E20  }
0x4: {  	s16 =	simm.s32 $0x1;
	s17 =	simm.s32 $0x0;
	s7 =	smul.u32 $0x2710, s0  }
0x5: {  	s5 =	sand.u32 $0x1, s1;
	s1 =	rddreg [dreg:$0x2];
	s8 =	smul.u32 $0x17C00, s0  }
0x6: {  	[smem:$0x7FF] =	sst s3;
	s31 =	sshll.u32 s0, $0x6;
	s4 =	smul.u32 $0x27100, s5  }
0x7: {  	s10 =	smul.u32 $0x17C000, s5;
	_ =	strace $0x80000050;
	s29 =	ssub.s32 $0x2, s5  }
0x8: {  	s5 =	sadd.s32 $0x73400, s6;
	s30 =	sshrl.u32 s29, $0x1;
	s13 =	sadd.s32 s8, s2  }
0x9: {  	s9 =	sadd.s32 s7, s4;
	s4 =	sadd.s32 $0x14400, s6;
	s7 =	sshrl.u32 s7, $0x3  }
0xa: {  	s10 =	sadd.s32 s8, s10;
	s9 =	sshrl.u32 s9, $0x3;
	s11 =	sadd.s32 s7, s6  }
0xb: {  	s28 =	sshrl.u32 s10, $0x3;
	s10 =	ssub.s32 s29, s30;
	s9 =	sadd.s32 s9, s6  }
0xc: {  	s12 =	sadd.s32 s28, s6;
	s6 =	sor.u32 $0x1C02, s31;
	s8 =	sadd.s32 $0x5600, s11  }
0xd: {  	s10 =	smax.u32 s10, $0x1;
	s11 =	sshrl.u32 s13, $0x3;
	s13 =	simm.s32 $0x2710  }
0xe: {  	s7 =	sadd.s32 $0xA600, s9;
	s9 =	sadd.s32 $0x76400, s12;
	s12 =	simm.s32 $0x2  }
.LBB2_1:
0xf: {  	[spmem:s11], [sflag:s6] =	dma.local [hbm:s5], $0x2F80  }
0x10: {  	_ =	swait.ge [sflag:s12], $0x2F80  }
0x11: {  	[sflag:s12] =	ssyncset.done $0x0  }
0x12: {  	[sflag:s12] =	ssyncadd.s32 $0xFFFFD080  }
0x13: {  	[tilespmem:s3], [sflag:$0x2] =	stream.linear.gather [hbm4b:s7+s3], $0x2710, $0x38;
	[tilespmem:$0x1F9A0] =	vst v63  }
0x14: {  	_ =	swait.ge [sflag:s12], $0x2710  }
0x15: {  	[sflag:s12] =	ssyncset.done $0x0  }
0x16: {  	[sflag:s12] =	ssyncadd.s32 $0xFFFFD8F0  }
0x17: {  	[tilespmem:s13], [sflag:$0x2] =	stream.linear.gather [hbm4b:s8+s3], $0x2710, $0x38;
	[tilespmem:$0x1F9A0] =	vst v63  }
0x18: {  	_ =	swait.ge [sflag:s12], $0x2710  }
0x19: {  	[sflag:s12] =	ssyncset.done $0x0  }
0x1a: {  	[sflag:s12] =	ssyncadd.s32 $0xFFFFD8F0  }
0x1b: {  	s18 =	simm.s32 $0x0;
	[bflag:$0x0] =	sbarrier.arrive $0xFFFF  }
0x1c: {  	[tilespmem:s15], [sflag:$0x1] =	stream.indirect.gather [hbm4b:s4+s14], $0x98, s18, s14, $0xb8;
	[tilespmem:$0x1F9A0] =	vst v63  }
0x1d: {  	_ =	swait.ge [sflag:s16], $0x2F80  }
0x1e: {  	[sflag:s16] =	ssyncset.done $0x0  }
0x1f: {  	s31 =	simm.s32 $0x2710;
	[sflag:s16] =	ssyncadd.s32 $0xFFFFD080  }
0x20: {  	[spmem:s2] =	stream.indirect.scatter.add.f32 [tilespmem:s15], [sflag:$0x2], $0x98, s31, s14, $0xb8;
	[tilespmem:$0x1F9A0] =	vst v63  }
0x21: {  	_ =	swait.ge [sflag:s12], $0x2F80  }
0x22: {  	s19 =	simm.s32 $0x280;
	s18 =	simm.s32 $0x140;
	[sflag:s12] =	ssyncset.done $0x0  }
.LBB2_2:
0x23: {  	s20 =	sshra.s32 s18, $0x2  }
0x24: {  	[sflag:s12] =	ssyncadd.s32 $0xFFFFD080;
	s18 =	smov.u32 s19;
	s21 =	sadd.s32 $0x140, s19  }
0x25: {  	[tilespmem:s15], [sflag:$0x1] =	stream.indirect.gather [hbm4b:s4+s14], $0x98, s20, s14, $0xb8;
	[tilespmem:$0x1F9A0] =	vst v63  }
0x26: {  	p0 =	sne.s32 s19, $0x9B00;
	_ =	swait.ge [sflag:s16], $0x2F80  }
.Ltmp0:
0x27: {  	[sflag:s16] =	ssyncset.done $0x0;
	(pc) =	sbr.rel @p0 .LBB2_2-.Ltmp0, $4  }
0x28: {  	s19 =	sadd.s32 $0x2710, s20;
	[sflag:s16] =	ssyncadd.s32 $0xFFFFD080  }
0x29: {  	[spmem:s2] =	stream.indirect.scatter.add.f32 [tilespmem:s15], [sflag:$0x2], $0x98, s19, s14, $0xb8;
	[tilespmem:$0x1F9A0] =	vst v63  }
0x2a: {  	_ =	swait.ge [sflag:s12], $0x2F80  }
0x2b: {  	s19 =	smov.u32 s21;
	[sflag:s12] =	ssyncset.done $0x0  }
0x2c: {  	s18 =	sshra.s32 s18, $0x2;
	[sflag:s12] =	ssyncadd.s32 $0xFFFFD080  }
0x2d: {  	[tilespmem:s15], [sflag:$0x1] =	stream.indirect.gather [hbm4b:s4+s14], $0x98, s18, s14, $0xb8;
	[tilespmem:$0x1F9A0] =	vst v63  }
0x2e: {  	_ =	swait.ge [sflag:s16], $0x2F80  }
0x2f: {  	[sflag:s16] =	ssyncset.done $0x0  }
0x30: {  	s18 =	sadd.s32 $0x2710, s18;
	[sflag:s16] =	ssyncadd.s32 $0xFFFFD080  }
0x31: {  	[spmem:s2] =	stream.indirect.scatter.add.f32 [tilespmem:s15], [sflag:$0x2], $0x98, s18, s14, $0xb8;
	[tilespmem:$0x1F9A0] =	vst v63  }
0x32: {  	_ =	swait.ge [sflag:s12], $0x2F80  }
0x33: {  	s17 =	sadd.s32 $0x1, s17;
	[sflag:s12] =	ssyncset.done $0x0  }
0x34: {  	p0 =	sne.s32 s17, s10;
	[sflag:s12] =	ssyncadd.s32 $0xFFFFD080  }
.Ltmp1:
0x35: {  	[bflag:$0x0] =	sbarrier.arrive $0xFFFF;
	(pc) =	sbr.rel @p0 .LBB2_1-.Ltmp1, $4  }
0x36: {  	[hbm:s9], [sflag:s6] =	dma.local [spmem:s11], $0x2F80  }
0x37: {  	_ =	swait.ge [sflag:s12], $0x2F80  }
0x38: {  	[sflag:s12] =	ssyncset.done $0x0  }
0x39: {  	[sflag:s12] =	ssyncadd.s32 $0xFFFFD080  }
0x3a: {  	_ =	sfence.sel $0x180000  }
0x3b: {  	[bflag:$0x0] =	sbarrier.arrive $0xFFFF  }
0x3c: {  	p0 =	sne.s32 s0, $0x0;
	_ =	strace $0x90000050  }
0x3d: {  	s0 =	sadd.s32 @!p0 $0x100000, s1;
	[bflag:$0x2] =	sbarrier.arrive $0xFFFF  }
0x3e: {  	[sflag:s0] =	ssyncadd.tile.s32 @!p0 $0x1;
	_ =	shalt  }
.Lfunc_end2:
_tile_overlayer_lowered:
.L_overlay_start_2:
0x3f: {  	(tag) =	ssettag $0x2  }
0x40: {  	s0 =	rddreg [dreg:$0x0];
	s2 =	stileid.u32  }
0x41: {  	s1 =	rddreg [dreg:$0x1];
	p0 =	sne.s32 s2, $0x0  }
0x42: {  	s3 =	rddreg [dreg:$0x2];
	[bflag:$0x3] =	sbarrier.arrive $0xFFFF;
	s2 =	simm.s32 @!p0 $0x1C02  }
0x43: {  	[timem:s3], [sflag:s2] =	dma.local @!p0 [hbm:s0], s1  }
0x44: {  	s0 =	simm.s32 @!p0 $0x2  }
0x45: {  	_ =	swait.ge @!p0 [sflag:s0], s1  }
0x46: {  	s1 =	ssub.s32 @!p0 $0x0, s1;
	[sflag:s0] =	ssyncset.done @!p0 $0x0  }
0x47: {  	[sflag:s0] =	ssyncadd.s32 @!p0 s1  }
0x48: {  	[bflag:$0x3] =	sbarrier.arrive $0xFFFF  }
0x49: {  	_ =	shalt  }

// kernel: kernel.26.cloned.1.call-start
scs
__scs_entry_jumppad:
0x0: {  	(pc) =	sbr.rel $0x88, $3  }
0x1: {  	(tag) =	ssettag $0x0;
	lr =	simm.s32 $0x1  }
0x2: {  	[smem:$0x3F8D] =	sst lr;
	_ =	strace $0xD0000000  }
0x3: {  	_ = 	snop  }
0x4: {  	_ = 	snop  }
0x5: {  	_ = 	snop  }
0x6: {  	_ = 	snop  }
0x7: {  	_ = 	snop  }
__scs_overlays_trampoline_lowered:
0x8: {  	[smem:$0x3F9C] =	sst s0  }
0x9: {  	[smem:$0x3F9D] =	sst s1  }
0xa: {  	[smem:$0x3F9E] =	sst s2  }
0xb: {  	[smem:$0x3F9F] =	sst s3  }
0xc: {  	[smem:$0x3FA0] =	sst s4  }
0xd: {  	[smem:$0x3FA1] =	sst s5  }
0xe: {  	[smem:$0x3FA2] =	sst s6  }
0xf: {  	[smem:$0x3FA3] =	sst s7  }
0x10: {  	[smem:$0x3FA4] =	sst s8  }
0x11: {  	[smem:$0x3FA5] =	sst s9;
	s0 =	simm.s32 @!p0 $0x0  }
0x12: {  	s1 =	sld [smem:$0x3F8B];
	s0 =	simm.s32 @p0 $0x1  }
0x13: {  	[smem:$0x3FA6] =	sst s0;
	s0 =	simm.s32 @!p1 $0x0  }
0x14: {  	s2 =	sld [smem:$0x3F8A];
	s0 =	simm.s32 @p1 $0x1  }
0x15: {  	[smem:$0x3FA7] =	sst s0;
	s0 =	simm.s32 @!p2 $0x0  }
0x16: {  	s3 =	sld [smem:$0x3FDB];
	s0 =	simm.s32 @p2 $0x1  }
0x17: {  	s4 =	simm.s32 $0x1BF5;
	[smem:$0x3FA9] =	sst s0  }
0x18: {  	s0 =	sld [smem:$0x3F8C];
	_ =	swait.ge [sflag:s4], $0x0  }
0x19: {  	s7 =	sld [smem:$0x3F8D]  }
0x1a: {  	s8 =	sadd.s32 $0xFFFFE003, lr  }
0x1b: {  	s9 =	sadd.s32 $0xFFFFFEF7, lr;
	s5 =	simm.s32 $0xFFFFFFFF;
	p2 =	slt.u32 s8, $0xFFFFF086  }
0x1c: {  	p1 =	slt.u32 s9, $0xF7A;
	s5 =	simm.s32 @!p2 $0x0  }
0x1d: {  	s5 =	simm.s32 @p1 $0x1;
	p0 =	seq.s32 s7, s2  }
0x1e: {  	s7 =	smul.u32 @!p0 $0xF7A, s2;
	p2 =	seq.s32 @!p0 s5, $0x0  }
0x1f: {  	s9 =	smul.u32 $0xF7A, s1;
	s8 =	simm.s32 @!p0 $0x1BF5;
	p2 =	por !p2, p0  }
0x20: {  	[sflag:s8] =	ssyncset.s32 @!p0 $0xFFFFF086;
	s6 =	sadd.s32 @!p0 s3, s7;
	s7 =	simm.s32 @!p0 $0x108  }
0x21: {  	s3 =	sadd.s32 s3, s9;
	s6 =	sadd.s32 @!p0 $0x88, s6;
	s7 =	simm.s32 @p2 $0x1082  }
0x22: {  	[simem:s7], [sflag:s8] =	dma.local @!p0 [hbm:s6], $0xF7A  }
0x23: {  	s9 =	sor.u32 $0xD0000000, s2;
	s6 =	simm.s32 $0x108;
	_ =	swait.ge @!p0 [sflag:s8], $0x0  }
0x24: {  	s3 =	sadd.s32 $0x88, s3;
	s6 =	simm.s32 @!p1 $0x1082;
	[sflag:s4] =	ssyncset.s32 $0xFFFFF086  }
0x25: {  	[simem:s6], [sflag:s4] =	dma.local [hbm:s3], $0xF7A  }
0x26: {  	[smem:$0x3F8D] =	sst s1;
	(tag) =	ssettag s2;
	_ =	strace s9  }
0x27: {  	s1 =	sld [smem:$0x3F9D]  }
0x28: {  	s2 =	sld [smem:$0x3F9E]  }
0x29: {  	s4 =	sld [smem:$0x3FA0]  }
0x2a: {  	p0 =	seq.s32 s5, $0x0;
	s5 =	sld [smem:$0x3FA1]  }
0x2b: {  	s6 =	sld [smem:$0x3FA2]  }
0x2c: {  	s7 =	sld [smem:$0x3FA3]  }
0x2d: {  	s3 =	simm.s32 $0x108;
	s8 =	sld [smem:$0x3FA4]  }
0x2e: {  	s3 =	simm.s32 @!p0 $0x1082;
	s9 =	sld [smem:$0x3FA5]  }
0x2f: {  	lr =	sadd.s32 s0, s3;
	s0 =	sld [smem:$0x3F9C]  }
0x30: {  	s3 =	sld [smem:$0x3F9F]  }
0x31: {  	[smem:$0x3FA8] =	sst s10  }
0x32: {  	s10 =	sld [smem:$0x3FA6];
	_ =	sdelay $0x3  }
0x33: {  	p0 =	seq.s32 s10, $0x1;
	s10 =	sld [smem:$0x3FA8];
	_ =	sdelay $0x3  }
0x34: {  	[smem:$0x3FA8] =	sst s10  }
0x35: {  	s10 =	sld [smem:$0x3FA7];
	_ =	sdelay $0x3  }
0x36: {  	p1 =	seq.s32 s10, $0x1;
	s10 =	sld [smem:$0x3FA8];
	_ =	sdelay $0x3  }
0x37: {  	[smem:$0x3FA8] =	sst s10  }
0x38: {  	s10 =	sld [smem:$0x3FA9]  }
0x39: {  	_ = 	snop;
	(pc) =	sbr.ind lr, $3  }
0x3a: {  	_ = 	snop  }
0x3b: {  	_ = 	snop  }
0x3c: {  	p2 =	seq.s32 s10, $0x1;
	s10 =	sld [smem:$0x3FA8]  }
0x3d: {  	_ =	shalt  }
0x3e: {  	_ =	shalt  }
0x3f: {  	_ =	shalt  }
0x40: {  	_ =	shalt  }
0x41: {  	_ =	shalt  }
0x42: {  	_ =	shalt  }
0x43: {  	_ =	shalt  }
0x44: {  	_ =	shalt  }
0x45: {  	_ =	shalt  }
0x46: {  	_ =	shalt  }
0x47: {  	_ =	shalt  }
0x48: {  	_ =	shalt  }
0x49: {  	_ =	shalt  }
0x4a: {  	_ =	shalt  }
0x4b: {  	_ =	shalt  }
0x4c: {  	_ =	shalt  }
0x4d: {  	_ =	shalt  }
0x4e: {  	_ =	shalt  }
0x4f: {  	_ =	shalt  }
0x50: {  	_ =	shalt  }
0x51: {  	_ =	shalt  }
0x52: {  	_ =	shalt  }
0x53: {  	_ =	shalt  }
0x54: {  	_ =	shalt  }
0x55: {  	_ =	shalt  }
0x56: {  	_ =	shalt  }
0x57: {  	_ =	shalt  }
0x58: {  	_ =	shalt  }
0x59: {  	_ =	shalt  }
0x5a: {  	_ =	shalt  }
0x5b: {  	_ =	shalt  }
0x5c: {  	_ =	shalt  }
0x5d: {  	_ =	shalt  }
0x5e: {  	_ =	shalt  }
0x5f: {  	_ =	shalt  }
0x60: {  	_ =	shalt  }
0x61: {  	_ =	shalt  }
0x62: {  	_ =	shalt  }
0x63: {  	_ =	shalt  }
0x64: {  	_ =	shalt  }
0x65: {  	_ =	shalt  }
0x66: {  	_ =	shalt  }
0x67: {  	_ =	shalt  }
0x68: {  	_ =	shalt  }
0x69: {  	_ =	shalt  }
0x6a: {  	_ =	shalt  }
0x6b: {  	_ =	shalt  }
0x6c: {  	_ =	shalt  }
0x6d: {  	_ =	shalt  }
0x6e: {  	_ =	shalt  }
0x6f: {  	_ =	shalt  }
0x70: {  	_ =	shalt  }
0x71: {  	_ =	shalt  }
0x72: {  	_ =	shalt  }
0x73: {  	_ =	shalt  }
0x74: {  	_ =	shalt  }
0x75: {  	_ =	shalt  }
0x76: {  	_ =	shalt  }
0x77: {  	_ =	shalt  }
0x78: {  	_ =	shalt  }
0x79: {  	_ =	shalt  }
0x7a: {  	_ =	shalt  }
0x7b: {  	_ =	shalt  }
0x7c: {  	_ =	shalt  }
0x7d: {  	_ =	shalt  }
0x7e: {  	_ =	shalt  }
0x7f: {  	_ =	shalt  }
0x80: {  	_ =	shalt  }
0x81: {  	_ =	shalt  }
0x82: {  	_ =	shalt  }
0x83: {  	_ =	shalt  }
0x84: {  	_ =	shalt  }
0x85: {  	_ =	shalt  }
0x86: {  	_ =	shalt  }
0x87: {  	_ =	shalt  }
.Lfunc_end0:
.L_simem_size_0:
called_computation.4_lowered:
.L_overlay_start_0:
0x88: {  	s2 =	sld [smem:$0x3FD9]  }
0x89: {  	s3 =	sld [smem:$0x3FFE];
	_ =	sdelay $0x1  }
0x8a: {  	s1 =	srdreg.scid  }
0x8b: {  	s0 =	sand.u32 $0x1, s1  }
0x8c: {  	s16 =	sshll.u32 s0, $0xA;
	s2 =	sadd.s32 s3, s2  }
0x8d: {  	s2 =	sadd.s32 s2, s16  }
0x8e: {  	[smem:$0x3FB4] =	sst s2  }
0x8f: {  	_ = 	snop  }
0x90: {  	(tm) =	ssettm $0x1  }
0x91: {  	s17 =	sld [smem:$0x3FFB];
	_ =	sdelay $0x3  }
0x92: {  	_ =	strace s17  }
0x93: {  	s2 =	sld [smem:$0x3FFC];
	_ =	sdelay $0x3  }
0x94: {  	_ =	strace s2  }
0x95: {  	s2 =	sld [smem:$0x3FFD];
	_ =	sdelay $0x3  }
0x96: {  	_ =	strace s2  }
0x97: {  	_ =	strace $0x8FFFFFFF  }
0x98: {  	s18 =	sld [smem:$0x3FDB];
	_ =	sdelay $0x1  }
0x99: {  	s19 =	simm.s32 $_scs_section_size  }
0x9a: {  	s4 =	simm.s32 $_size__tile_overlayer_lowered;
	s5 =	simm.s32 $_tile_overlayer_lowered  }
0x9b: {  	s22 =	simm.s32 $0x1BFF;
	s21 =	sshll.u32 s5, $0x1;
	s2 =	sadd.s32 s19, s18  }
0x9c: {  	s6 =	simm.s32 $0x0;
	s20 =	sshll.u32 s4, $0x1;
	s4 =	sadd.s32 s21, s2  }
0x9d: {  	[timem:s6], [sflag:s22] =	dma.local [hbm:s4], s20  }
0x9e: {  	_ =	swait.ge [sflag:s22], s20  }
0x9f: {  	s3 =	ssub.s32 $0x0, s20;
	[sflag:s22] =	ssyncset.done $0x0  }
0xa0: {  	[sflag:s22] =	ssyncadd.s32 s3;
	_ =	sdelay $0x1  }
0xa1: {  	s23 =	simm.s32 $0x1B8B  }
0xa2: {  	_ =	swait.ge [sflag:s23], $0x1  }
0xa3: {  	[sflag:s23] =	ssyncset.done $0x0  }
0xa4: {  	s25 =	simm.s32 $0x1B8E;
	s24 =	sld [smem:$0x3FFE];
	[sflag:s23] =	ssyncadd.s32 $0xFFFFFFFF  }
0xa5: {  	s26 =	simm.s32 $execute0_lowered;
	[smem:$0x3FD2] =	sst s25  }
0xa6: {  	s4 =	sshll.u32 s26, $0x1;
	_ =	strace $0x80000052;
	[dreg:$0x1] =	wrdreg $0xFFFFFFFF  }
0xa7: {  	s28 =	simm.s32 $_size_execute0_lowered;
	s2 =	sadd.s32 s2, s4;
	[dreg:$0x0] =	wrdreg $0x0  }
0xa8: {  	s4 =	sshll.u32 s28, $0x1;
	[dreg:$0x2] =	wrdreg s2  }
0xa9: {  	[dreg:$0x3] =	wrdreg s4  }
0xaa: {  	[dreg:$0x4] =	wrdreg $0xC0  }
0xab: {  	_ =	task [dreg:s6], $0x5FFFF  }
0xac: {  	[dreg:$0x1] =	wrdreg $0xFFFFFFFF  }
0xad: {  	[dreg:$0x0] =	wrdreg $0x60  }
0xae: {  	[dreg:$0x2] =	wrdreg s24  }
0xaf: {  	[dreg:$0x3] =	wrdreg $0x7DA00  }
0xb0: {  	[dreg:$0x4] =	wrdreg $0x9  }
0xb1: {  	_ =	task.clear_ibuf [dreg:s6], $0x5FFFF;
	_ =	strace $0x90000052  }
0xb2: {  	s29 =	simm.s32 $0x9;
	_ =	strace $0x80000054  }
0xb3: {  	_ =	swait.ge [sflag:s29], $0x1  }
0xb4: {  	[sflag:s29] =	ssyncadd.s32 $0xFFFFFFFF  }
0xb5: {  	_ =	strace $0x90000054  }
0xb6: {  	_ =	sfence  }
0xb7: {  	s30 =	sld [smem:$0x0];
	_ =	sdelay $0x2  }
0xb8: {  	s31 =	sshll.u32 s1, $0xD;
	s1 =	sshrl.u32 s1, $0x2  }
0xb9: {  	s3 =	sand.u32 $0x4000, s31;
	s1 =	sadd.s32 s1, s30  }
0xba: {  	s0 =	sor.u32 s3, s0;
	s1 =	sshll.u32 s1, $0x11  }
0xbb: {  	s0 =	sor.u32 s1, s0  }
0xbc: {  	s0 =	sadd.s32 $0x8F2B, s0  }
0xbd: {  	[sflag:s0] =	ssyncadd.remote.s32 $0x1  }
0xbe: {  	_ =	sfence.sel $0xFFFF  }
0xbf: {  	[dreg:$0x0] =	wrdreg $0xFFFFFFFF;
	(pc) =	sbr.abs _section_cstart, $3  }
0xc0: {  	[dreg:$0x1] =	wrdreg $0xFFFFFFFF  }
0xc1: {  	_ =	task.clear_ibuf [dreg:s6], $0x2FFFF;
	_ =	strace $0x9FFFFFFF  }
0xc2: {  	(tm) =	ssettm $0x7FFFFFFF  }
0xc3: {  	_ =	shalt  }
tec
execute0_lowered:
.L_overlay_start_1:
0x0: {  	(tag) =	ssettag $0x1  }
0x1: {  	s1 =	srdreg.scid;
	s6 =	rddreg [dreg:$0x0]  }
0x2: {  	s0 =	stileid.u32;
	s2 =	rddreg [dreg:$0x1]  }
0x3: {  	s3 =	simm.s32 $0x0;
	s14 =	simm.s32 $0x50;
	s15 =	simm.s32 $0x4E20  }
0x4: {  	s16 =	simm.s32 $0x1;
	s17 =	simm.s32 $0x0;
	s7 =	smul.u32 $0x2710, s0  }
0x5: {  	s5 =	sand.u32 $0x1, s1;
	s1 =	rddreg [dreg:$0x2];
	s8 =	smul.u32 $0x17C00, s0  }
0x6: {  	[smem:$0x7FF] =	sst s3;
	s31 =	sshll.u32 s0, $0x6;
	s4 =	smul.u32 $0x27100, s5  }
0x7: {  	s10 =	smul.u32 $0x17C000, s5;
	_ =	strace $0x80000053;
	s29 =	ssub.s32 $0x2, s5  }
0x8: {  	s5 =	sadd.s32 $0x73400, s6;
	s30 =	sshrl.u32 s29, $0x1;
	s13 =	sadd.s32 s8, s2  }
0x9: {  	s9 =	sadd.s32 s7, s4;
	s4 =	sadd.s32 $0x14400, s6;
	s7 =	sshrl.u32 s7, $0x3  }
0xa: {  	s10 =	sadd.s32 s8, s10;
	s9 =	sshrl.u32 s9, $0x3;
	s11 =	sadd.s32 s7, s6  }
0xb: {  	s28 =	sshrl.u32 s10, $0x3;
	s10 =	ssub.s32 s29, s30;
	s9 =	sadd.s32 s9, s6  }
0xc: {  	s12 =	sadd.s32 s28, s6;
	s6 =	sor.u32 $0x1C02, s31;
	s8 =	sadd.s32 $0x5600, s11  }
0xd: {  	s10 =	smax.u32 s10, $0x1;
	s11 =	sshrl.u32 s13, $0x3;
	s13 =	simm.s32 $0x2710  }
0xe: {  	s7 =	sadd.s32 $0xA600, s9;
	s9 =	sadd.s32 $0x76400, s12;
	s12 =	simm.s32 $0x2  }
.LBB2_1:
0xf: {  	[spmem:s11], [sflag:s6] =	dma.local [hbm:s5], $0x2F80  }
0x10: {  	_ =	swait.ge [sflag:s12], $0x2F80  }
0x11: {  	[sflag:s12] =	ssyncset.done $0x0  }
0x12: {  	[sflag:s12] =	ssyncadd.s32 $0xFFFFD080  }
0x13: {  	[tilespmem:s3], [sflag:$0x2] =	stream.linear.gather [hbm4b:s7+s3], $0x2710, $0x38;
	[tilespmem:$0x1F9A0] =	vst v63  }
0x14: {  	_ =	swait.ge [sflag:s12], $0x2710  }
0x15: {  	[sflag:s12] =	ssyncset.done $0x0  }
0x16: {  	[sflag:s12] =	ssyncadd.s32 $0xFFFFD8F0  }
0x17: {  	[tilespmem:s13], [sflag:$0x2] =	stream.linear.gather [hbm4b:s8+s3], $0x2710, $0x38;
	[tilespmem:$0x1F9A0] =	vst v63  }
0x18: {  	_ =	swait.ge [sflag:s12], $0x2710  }
0x19: {  	[sflag:s12] =	ssyncset.done $0x0  }
0x1a: {  	[sflag:s12] =	ssyncadd.s32 $0xFFFFD8F0  }
0x1b: {  	s18 =	simm.s32 $0x0;
	[bflag:$0x0] =	sbarrier.arrive $0xFFFF  }
0x1c: {  	[tilespmem:s15], [sflag:$0x1] =	stream.indirect.gather [hbm4b:s4+s14], $0x98, s18, s14, $0xb8;
	[tilespmem:$0x1F9A0] =	vst v63  }
0x1d: {  	_ =	swait.ge [sflag:s16], $0x2F80  }
0x1e: {  	[sflag:s16] =	ssyncset.done $0x0  }
0x1f: {  	s31 =	simm.s32 $0x2710;
	[sflag:s16] =	ssyncadd.s32 $0xFFFFD080  }
0x20: {  	[spmem:s2] =	stream.indirect.scatter.add.f32 [tilespmem:s15], [sflag:$0x2], $0x98, s31, s14, $0xb8;
	[tilespmem:$0x1F9A0] =	vst v63  }
0x21: {  	_ =	swait.ge [sflag:s12], $0x2F80  }
0x22: {  	s19 =	simm.s32 $0x280;
	s18 =	simm.s32 $0x140;
	[sflag:s12] =	ssyncset.done $0x0  }
.LBB2_2:
0x23: {  	s20 =	sshra.s32 s18, $0x2  }
0x24: {  	[sflag:s12] =	ssyncadd.s32 $0xFFFFD080;
	s18 =	smov.u32 s19;
	s21 =	sadd.s32 $0x140, s19  }
0x25: {  	[tilespmem:s15], [sflag:$0x1] =	stream.indirect.gather [hbm4b:s4+s14], $0x98, s20, s14, $0xb8;
	[tilespmem:$0x1F9A0] =	vst v63  }
0x26: {  	p0 =	sne.s32 s19, $0x9B00;
	_ =	swait.ge [sflag:s16], $0x2F80  }
.Ltmp0:
0x27: {  	[sflag:s16] =	ssyncset.done $0x0;
	(pc) =	sbr.rel @p0 .LBB2_2-.Ltmp0, $4  }
0x28: {  	s19 =	sadd.s32 $0x2710, s20;
	[sflag:s16] =	ssyncadd.s32 $0xFFFFD080  }
0x29: {  	[spmem:s2] =	stream.indirect.scatter.add.f32 [tilespmem:s15], [sflag:$0x2], $0x98, s19, s14, $0xb8;
	[tilespmem:$0x1F9A0] =	vst v63  }
0x2a: {  	_ =	swait.ge [sflag:s12], $0x2F80  }
0x2b: {  	s19 =	smov.u32 s21;
	[sflag:s12] =	ssyncset.done $0x0  }
0x2c: {  	s18 =	sshra.s32 s18, $0x2;
	[sflag:s12] =	ssyncadd.s32 $0xFFFFD080  }
0x2d: {  	[tilespmem:s15], [sflag:$0x1] =	stream.indirect.gather [hbm4b:s4+s14], $0x98, s18, s14, $0xb8;
	[tilespmem:$0x1F9A0] =	vst v63  }
0x2e: {  	_ =	swait.ge [sflag:s16], $0x2F80  }
0x2f: {  	[sflag:s16] =	ssyncset.done $0x0  }
0x30: {  	s18 =	sadd.s32 $0x2710, s18;
	[sflag:s16] =	ssyncadd.s32 $0xFFFFD080  }
0x31: {  	[spmem:s2] =	stream.indirect.scatter.add.f32 [tilespmem:s15], [sflag:$0x2], $0x98, s18, s14, $0xb8;
	[tilespmem:$0x1F9A0] =	vst v63  }
0x32: {  	_ =	swait.ge [sflag:s12], $0x2F80  }
0x33: {  	s17 =	sadd.s32 $0x1, s17;
	[sflag:s12] =	ssyncset.done $0x0  }
0x34: {  	p0 =	sne.s32 s17, s10;
	[sflag:s12] =	ssyncadd.s32 $0xFFFFD080  }
.Ltmp1:
0x35: {  	[bflag:$0x0] =	sbarrier.arrive $0xFFFF;
	(pc) =	sbr.rel @p0 .LBB2_1-.Ltmp1, $4  }
0x36: {  	[hbm:s9], [sflag:s6] =	dma.local [spmem:s11], $0x2F80  }
0x37: {  	_ =	swait.ge [sflag:s12], $0x2F80  }
0x38: {  	[sflag:s12] =	ssyncset.done $0x0  }
0x39: {  	[sflag:s12] =	ssyncadd.s32 $0xFFFFD080  }
0x3a: {  	_ =	sfence.sel $0x180000  }
0x3b: {  	[bflag:$0x0] =	sbarrier.arrive $0xFFFF  }
0x3c: {  	p0 =	sne.s32 s0, $0x0;
	_ =	strace $0x90000053  }
0x3d: {  	s0 =	sadd.s32 @!p0 $0x100000, s1;
	[bflag:$0x2] =	sbarrier.arrive $0xFFFF  }
0x3e: {  	[sflag:s0] =	ssyncadd.tile.s32 @!p0 $0x1;
	_ =	shalt  }
.Lfunc_end2:
_tile_overlayer_lowered:
.L_overlay_start_2:
0x3f: {  	(tag) =	ssettag $0x2  }
0x40: {  	s0 =	rddreg [dreg:$0x0];
	s2 =	stileid.u32  }
0x41: {  	s1 =	rddreg [dreg:$0x1];
	p0 =	sne.s32 s2, $0x0  }
0x42: {  	s3 =	rddreg [dreg:$0x2];
	[bflag:$0x3] =	sbarrier.arrive $0xFFFF;
	s2 =	simm.s32 @!p0 $0x1C02  }
0x43: {  	[timem:s3], [sflag:s2] =	dma.local @!p0 [hbm:s0], s1  }
0x44: {  	s0 =	simm.s32 @!p0 $0x2  }
0x45: {  	_ =	swait.ge @!p0 [sflag:s0], s1  }
0x46: {  	s1 =	ssub.s32 @!p0 $0x0, s1;
	[sflag:s0] =	ssyncset.done @!p0 $0x0  }
0x47: {  	[sflag:s0] =	ssyncadd.s32 @!p0 s1  }
0x48: {  	[bflag:$0x3] =	sbarrier.arrive $0xFFFF  }
0x49: {  	_ =	shalt  }

// kernel: kernel.29.cloned.1.call-start
scs
__scs_entry_jumppad:
0x0: {  	(pc) =	sbr.rel $0x88, $3  }
0x1: {  	(tag) =	ssettag $0x0;
	lr =	simm.s32 $0x1  }
0x2: {  	[smem:$0x3F8D] =	sst lr;
	_ =	strace $0xD0000000  }
0x3: {  	_ = 	snop  }
0x4: {  	_ = 	snop  }
0x5: {  	_ = 	snop  }
0x6: {  	_ = 	snop  }
0x7: {  	_ = 	snop  }
__scs_overlays_trampoline_lowered:
0x8: {  	[smem:$0x3F9C] =	sst s0  }
0x9: {  	[smem:$0x3F9D] =	sst s1  }
0xa: {  	[smem:$0x3F9E] =	sst s2  }
0xb: {  	[smem:$0x3F9F] =	sst s3  }
0xc: {  	[smem:$0x3FA0] =	sst s4  }
0xd: {  	[smem:$0x3FA1] =	sst s5  }
0xe: {  	[smem:$0x3FA2] =	sst s6  }
0xf: {  	[smem:$0x3FA3] =	sst s7  }
0x10: {  	[smem:$0x3FA4] =	sst s8  }
0x11: {  	[smem:$0x3FA5] =	sst s9;
	s0 =	simm.s32 @!p0 $0x0  }
0x12: {  	s1 =	sld [smem:$0x3F8B];
	s0 =	simm.s32 @p0 $0x1  }
0x13: {  	[smem:$0x3FA6] =	sst s0;
	s0 =	simm.s32 @!p1 $0x0  }
0x14: {  	s2 =	sld [smem:$0x3F8A];
	s0 =	simm.s32 @p1 $0x1  }
0x15: {  	[smem:$0x3FA7] =	sst s0;
	s0 =	simm.s32 @!p2 $0x0  }
0x16: {  	s3 =	sld [smem:$0x3FDB];
	s0 =	simm.s32 @p2 $0x1  }
0x17: {  	s4 =	simm.s32 $0x1BF5;
	[smem:$0x3FA9] =	sst s0  }
0x18: {  	s0 =	sld [smem:$0x3F8C];
	_ =	swait.ge [sflag:s4], $0x0  }
0x19: {  	s7 =	sld [smem:$0x3F8D]  }
0x1a: {  	s8 =	sadd.s32 $0xFFFFE003, lr  }
0x1b: {  	s9 =	sadd.s32 $0xFFFFFEF7, lr;
	s5 =	simm.s32 $0xFFFFFFFF;
	p2 =	slt.u32 s8, $0xFFFFF086  }
0x1c: {  	p1 =	slt.u32 s9, $0xF7A;
	s5 =	simm.s32 @!p2 $0x0  }
0x1d: {  	s5 =	simm.s32 @p1 $0x1;
	p0 =	seq.s32 s7, s2  }
0x1e: {  	s7 =	smul.u32 @!p0 $0xF7A, s2;
	p2 =	seq.s32 @!p0 s5, $0x0  }
0x1f: {  	s9 =	smul.u32 $0xF7A, s1;
	s8 =	simm.s32 @!p0 $0x1BF5;
	p2 =	por !p2, p0  }
0x20: {  	[sflag:s8] =	ssyncset.s32 @!p0 $0xFFFFF086;
	s6 =	sadd.s32 @!p0 s3, s7;
	s7 =	simm.s32 @!p0 $0x108  }
0x21: {  	s3 =	sadd.s32 s3, s9;
	s6 =	sadd.s32 @!p0 $0x88, s6;
	s7 =	simm.s32 @p2 $0x1082  }
0x22: {  	[simem:s7], [sflag:s8] =	dma.local @!p0 [hbm:s6], $0xF7A  }
0x23: {  	s9 =	sor.u32 $0xD0000000, s2;
	s6 =	simm.s32 $0x108;
	_ =	swait.ge @!p0 [sflag:s8], $0x0  }
0x24: {  	s3 =	sadd.s32 $0x88, s3;
	s6 =	simm.s32 @!p1 $0x1082;
	[sflag:s4] =	ssyncset.s32 $0xFFFFF086  }
0x25: {  	[simem:s6], [sflag:s4] =	dma.local [hbm:s3], $0xF7A  }
0x26: {  	[smem:$0x3F8D] =	sst s1;
	(tag) =	ssettag s2;
	_ =	strace s9  }
0x27: {  	s1 =	sld [smem:$0x3F9D]  }
0x28: {  	s2 =	sld [smem:$0x3F9E]  }
0x29: {  	s4 =	sld [smem:$0x3FA0]  }
0x2a: {  	p0 =	seq.s32 s5, $0x0;
	s5 =	sld [smem:$0x3FA1]  }
0x2b: {  	s6 =	sld [smem:$0x3FA2]  }
0x2c: {  	s7 =	sld [smem:$0x3FA3]  }
0x2d: {  	s3 =	simm.s32 $0x108;
	s8 =	sld [smem:$0x3FA4]  }
0x2e: {  	s3 =	simm.s32 @!p0 $0x1082;
	s9 =	sld [smem:$0x3FA5]  }
0x2f: {  	lr =	sadd.s32 s0, s3;
	s0 =	sld [smem:$0x3F9C]  }
0x30: {  	s3 =	sld [smem:$0x3F9F]  }
0x31: {  	[smem:$0x3FA8] =	sst s10  }
0x32: {  	s10 =	sld [smem:$0x3FA6];
	_ =	sdelay $0x3  }
0x33: {  	p0 =	seq.s32 s10, $0x1;
	s10 =	sld [smem:$0x3FA8];
	_ =	sdelay $0x3  }
0x34: {  	[smem:$0x3FA8] =	sst s10  }
0x35: {  	s10 =	sld [smem:$0x3FA7];
	_ =	sdelay $0x3  }
0x36: {  	p1 =	seq.s32 s10, $0x1;
	s10 =	sld [smem:$0x3FA8];
	_ =	sdelay $0x3  }
0x37: {  	[smem:$0x3FA8] =	sst s10  }
0x38: {  	s10 =	sld [smem:$0x3FA9]  }
0x39: {  	_ = 	snop;
	(pc) =	sbr.ind lr, $3  }
0x3a: {  	_ = 	snop  }
0x3b: {  	_ = 	snop  }
0x3c: {  	p2 =	seq.s32 s10, $0x1;
	s10 =	sld [smem:$0x3FA8]  }
0x3d: {  	_ =	shalt  }
0x3e: {  	_ =	shalt  }
0x3f: {  	_ =	shalt  }
0x40: {  	_ =	shalt  }
0x41: {  	_ =	shalt  }
0x42: {  	_ =	shalt  }
0x43: {  	_ =	shalt  }
0x44: {  	_ =	shalt  }
0x45: {  	_ =	shalt  }
0x46: {  	_ =	shalt  }
0x47: {  	_ =	shalt  }
0x48: {  	_ =	shalt  }
0x49: {  	_ =	shalt  }
0x4a: {  	_ =	shalt  }
0x4b: {  	_ =	shalt  }
0x4c: {  	_ =	shalt  }
0x4d: {  	_ =	shalt  }
0x4e: {  	_ =	shalt  }
0x4f: {  	_ =	shalt  }
0x50: {  	_ =	shalt  }
0x51: {  	_ =	shalt  }
0x52: {  	_ =	shalt  }
0x53: {  	_ =	shalt  }
0x54: {  	_ =	shalt  }
0x55: {  	_ =	shalt  }
0x56: {  	_ =	shalt  }
0x57: {  	_ =	shalt  }
0x58: {  	_ =	shalt  }
0x59: {  	_ =	shalt  }
0x5a: {  	_ =	shalt  }
0x5b: {  	_ =	shalt  }
0x5c: {  	_ =	shalt  }
0x5d: {  	_ =	shalt  }
0x5e: {  	_ =	shalt  }
0x5f: {  	_ =	shalt  }
0x60: {  	_ =	shalt  }
0x61: {  	_ =	shalt  }
0x62: {  	_ =	shalt  }
0x63: {  	_ =	shalt  }
0x64: {  	_ =	shalt  }
0x65: {  	_ =	shalt  }
0x66: {  	_ =	shalt  }
0x67: {  	_ =	shalt  }
0x68: {  	_ =	shalt  }
0x69: {  	_ =	shalt  }
0x6a: {  	_ =	shalt  }
0x6b: {  	_ =	shalt  }
0x6c: {  	_ =	shalt  }
0x6d: {  	_ =	shalt  }
0x6e: {  	_ =	shalt  }
0x6f: {  	_ =	shalt  }
0x70: {  	_ =	shalt  }
0x71: {  	_ =	shalt  }
0x72: {  	_ =	shalt  }
0x73: {  	_ =	shalt  }
0x74: {  	_ =	shalt  }
0x75: {  	_ =	shalt  }
0x76: {  	_ =	shalt  }
0x77: {  	_ =	shalt  }
0x78: {  	_ =	shalt  }
0x79: {  	_ =	shalt  }
0x7a: {  	_ =	shalt  }
0x7b: {  	_ =	shalt  }
0x7c: {  	_ =	shalt  }
0x7d: {  	_ =	shalt  }
0x7e: {  	_ =	shalt  }
0x7f: {  	_ =	shalt  }
0x80: {  	_ =	shalt  }
0x81: {  	_ =	shalt  }
0x82: {  	_ =	shalt  }
0x83: {  	_ =	shalt  }
0x84: {  	_ =	shalt  }
0x85: {  	_ =	shalt  }
0x86: {  	_ =	shalt  }
0x87: {  	_ =	shalt  }
.Lfunc_end0:
.L_simem_size_0:
called_computation.5_lowered:
.L_overlay_start_0:
0x88: {  	s2 =	sld [smem:$0x3FD9]  }
0x89: {  	s3 =	sld [smem:$0x3FFE];
	_ =	sdelay $0x1  }
0x8a: {  	s1 =	srdreg.scid  }
0x8b: {  	s0 =	sand.u32 $0x1, s1  }
0x8c: {  	s16 =	sshll.u32 s0, $0xA;
	s2 =	sadd.s32 s3, s2  }
0x8d: {  	s2 =	sadd.s32 s2, s16  }
0x8e: {  	[smem:$0x3FB4] =	sst s2  }
0x8f: {  	_ = 	snop  }
0x90: {  	(tm) =	ssettm $0x1  }
0x91: {  	s17 =	sld [smem:$0x3FFB];
	_ =	sdelay $0x3  }
0x92: {  	_ =	strace s17  }
0x93: {  	s2 =	sld [smem:$0x3FFC];
	_ =	sdelay $0x3  }
0x94: {  	_ =	strace s2  }
0x95: {  	s2 =	sld [smem:$0x3FFD];
	_ =	sdelay $0x3  }
0x96: {  	_ =	strace s2  }
0x97: {  	_ =	strace $0x8FFFFFFF  }
0x98: {  	s18 =	sld [smem:$0x3FDB];
	_ =	sdelay $0x1  }
0x99: {  	s19 =	simm.s32 $_scs_section_size  }
0x9a: {  	s4 =	simm.s32 $_size__tile_overlayer_lowered;
	s5 =	simm.s32 $_tile_overlayer_lowered  }
0x9b: {  	s22 =	simm.s32 $0x1BFF;
	s21 =	sshll.u32 s5, $0x1;
	s2 =	sadd.s32 s19, s18  }
0x9c: {  	s6 =	simm.s32 $0x0;
	s20 =	sshll.u32 s4, $0x1;
	s4 =	sadd.s32 s21, s2  }
0x9d: {  	[timem:s6], [sflag:s22] =	dma.local [hbm:s4], s20  }
0x9e: {  	_ =	swait.ge [sflag:s22], s20  }
0x9f: {  	s3 =	ssub.s32 $0x0, s20;
	[sflag:s22] =	ssyncset.done $0x0  }
0xa0: {  	[sflag:s22] =	ssyncadd.s32 s3;
	_ =	sdelay $0x1  }
0xa1: {  	s23 =	simm.s32 $0x1B8B  }
0xa2: {  	_ =	swait.ge [sflag:s23], $0x1  }
0xa3: {  	[sflag:s23] =	ssyncset.done $0x0  }
0xa4: {  	s25 =	simm.s32 $0x1B8E;
	s24 =	sld [smem:$0x3FFE];
	[sflag:s23] =	ssyncadd.s32 $0xFFFFFFFF  }
0xa5: {  	s26 =	simm.s32 $execute0_lowered;
	[smem:$0x3FD2] =	sst s25  }
0xa6: {  	s4 =	sshll.u32 s26, $0x1;
	_ =	strace $0x80000055;
	[dreg:$0x1] =	wrdreg $0xFFFFFFFF  }
0xa7: {  	s28 =	simm.s32 $_size_execute0_lowered;
	s2 =	sadd.s32 s2, s4;
	[dreg:$0x0] =	wrdreg $0x0  }
0xa8: {  	s4 =	sshll.u32 s28, $0x1;
	[dreg:$0x2] =	wrdreg s2  }
0xa9: {  	[dreg:$0x3] =	wrdreg s4  }
0xaa: {  	[dreg:$0x4] =	wrdreg $0xC0  }
0xab: {  	_ =	task [dreg:s6], $0x5FFFF  }
0xac: {  	[dreg:$0x1] =	wrdreg $0xFFFFFFFF  }
0xad: {  	[dreg:$0x0] =	wrdreg $0x60  }
0xae: {  	[dreg:$0x2] =	wrdreg s24  }
0xaf: {  	[dreg:$0x3] =	wrdreg $0x7DA00  }
0xb0: {  	[dreg:$0x4] =	wrdreg $0x9  }
0xb1: {  	_ =	task.clear_ibuf [dreg:s6], $0x5FFFF;
	_ =	strace $0x90000055  }
0xb2: {  	s29 =	simm.s32 $0x9;
	_ =	strace $0x80000057  }
0xb3: {  	_ =	swait.ge [sflag:s29], $0x1  }
0xb4: {  	[sflag:s29] =	ssyncadd.s32 $0xFFFFFFFF  }
0xb5: {  	_ =	strace $0x90000057  }
0xb6: {  	_ =	sfence  }
0xb7: {  	s30 =	sld [smem:$0x0];
	_ =	sdelay $0x2  }
0xb8: {  	s31 =	sshll.u32 s1, $0xD;
	s1 =	sshrl.u32 s1, $0x2  }
0xb9: {  	s3 =	sand.u32 $0x4000, s31;
	s1 =	sadd.s32 s1, s30  }
0xba: {  	s0 =	sor.u32 s3, s0;
	s1 =	sshll.u32 s1, $0x11  }
0xbb: {  	s0 =	sor.u32 s1, s0  }
0xbc: {  	s0 =	sadd.s32 $0x8F2B, s0  }
0xbd: {  	[sflag:s0] =	ssyncadd.remote.s32 $0x1  }
0xbe: {  	_ =	sfence.sel $0xFFFF  }
0xbf: {  	[dreg:$0x0] =	wrdreg $0xFFFFFFFF;
	(pc) =	sbr.abs _section_cstart, $3  }
0xc0: {  	[dreg:$0x1] =	wrdreg $0xFFFFFFFF  }
0xc1: {  	_ =	task.clear_ibuf [dreg:s6], $0x2FFFF;
	_ =	strace $0x9FFFFFFF  }
0xc2: {  	(tm) =	ssettm $0x7FFFFFFF  }
0xc3: {  	_ =	shalt  }
tec
execute0_lowered:
.L_overlay_start_1:
0x0: {  	(tag) =	ssettag $0x1  }
0x1: {  	s1 =	srdreg.scid;
	s6 =	rddreg [dreg:$0x0]  }
0x2: {  	s0 =	stileid.u32;
	s2 =	rddreg [dreg:$0x1]  }
0x3: {  	s3 =	simm.s32 $0x0;
	s14 =	simm.s32 $0x50;
	s15 =	simm.s32 $0x4E20  }
0x4: {  	s16 =	simm.s32 $0x1;
	s17 =	simm.s32 $0x0;
	s7 =	smul.u32 $0x2710, s0  }
0x5: {  	s5 =	sand.u32 $0x1, s1;
	s1 =	rddreg [dreg:$0x2];
	s8 =	smul.u32 $0x17C00, s0  }
0x6: {  	[smem:$0x7FF] =	sst s3;
	s31 =	sshll.u32 s0, $0x6;
	s4 =	smul.u32 $0x27100, s5  }
0x7: {  	s10 =	smul.u32 $0x17C000, s5;
	_ =	strace $0x80000056;
	s29 =	ssub.s32 $0x2, s5  }
0x8: {  	s5 =	sadd.s32 $0x73400, s6;
	s30 =	sshrl.u32 s29, $0x1;
	s13 =	sadd.s32 s8, s2  }
0x9: {  	s9 =	sadd.s32 s7, s4;
	s4 =	sadd.s32 $0x14400, s6;
	s7 =	sshrl.u32 s7, $0x3  }
0xa: {  	s10 =	sadd.s32 s8, s10;
	s9 =	sshrl.u32 s9, $0x3;
	s11 =	sadd.s32 s7, s6  }
0xb: {  	s28 =	sshrl.u32 s10, $0x3;
	s10 =	ssub.s32 s29, s30;
	s9 =	sadd.s32 s9, s6  }
0xc: {  	s12 =	sadd.s32 s28, s6;
	s6 =	sor.u32 $0x1C02, s31;
	s8 =	sadd.s32 $0x5600, s11  }
0xd: {  	s10 =	smax.u32 s10, $0x1;
	s11 =	sshrl.u32 s13, $0x3;
	s13 =	simm.s32 $0x2710  }
0xe: {  	s7 =	sadd.s32 $0xA600, s9;
	s9 =	sadd.s32 $0x76400, s12;
	s12 =	simm.s32 $0x2  }
.LBB2_1:
0xf: {  	[spmem:s11], [sflag:s6] =	dma.local [hbm:s5], $0x2F80  }
0x10: {  	_ =	swait.ge [sflag:s12], $0x2F80  }
0x11: {  	[sflag:s12] =	ssyncset.done $0x0  }
0x12: {  	[sflag:s12] =	ssyncadd.s32 $0xFFFFD080  }
0x13: {  	[tilespmem:s3], [sflag:$0x2] =	stream.linear.gather [hbm4b:s7+s3], $0x2710, $0x38;
	[tilespmem:$0x1F9A0] =	vst v63  }
0x14: {  	_ =	swait.ge [sflag:s12], $0x2710  }
0x15: {  	[sflag:s12] =	ssyncset.done $0x0  }
0x16: {  	[sflag:s12] =	ssyncadd.s32 $0xFFFFD8F0  }
0x17: {  	[tilespmem:s13], [sflag:$0x2] =	stream.linear.gather [hbm4b:s8+s3], $0x2710, $0x38;
	[tilespmem:$0x1F9A0] =	vst v63  }
0x18: {  	_ =	swait.ge [sflag:s12], $0x2710  }
0x19: {  	[sflag:s12] =	ssyncset.done $0x0  }
0x1a: {  	[sflag:s12] =	ssyncadd.s32 $0xFFFFD8F0  }
0x1b: {  	s18 =	simm.s32 $0x0;
	[bflag:$0x0] =	sbarrier.arrive $0xFFFF  }
0x1c: {  	[tilespmem:s15], [sflag:$0x1] =	stream.indirect.gather [hbm4b:s4+s14], $0x98, s18, s14, $0xb8;
	[tilespmem:$0x1F9A0] =	vst v63  }
0x1d: {  	_ =	swait.ge [sflag:s16], $0x2F80  }
0x1e: {  	[sflag:s16] =	ssyncset.done $0x0  }
0x1f: {  	s31 =	simm.s32 $0x2710;
	[sflag:s16] =	ssyncadd.s32 $0xFFFFD080  }
0x20: {  	[spmem:s2] =	stream.indirect.scatter.add.f32 [tilespmem:s15], [sflag:$0x2], $0x98, s31, s14, $0xb8;
	[tilespmem:$0x1F9A0] =	vst v63  }
0x21: {  	_ =	swait.ge [sflag:s12], $0x2F80  }
0x22: {  	s19 =	simm.s32 $0x280;
	s18 =	simm.s32 $0x140;
	[sflag:s12] =	ssyncset.done $0x0  }
.LBB2_2:
0x23: {  	s20 =	sshra.s32 s18, $0x2  }
0x24: {  	[sflag:s12] =	ssyncadd.s32 $0xFFFFD080;
	s18 =	smov.u32 s19;
	s21 =	sadd.s32 $0x140, s19  }
0x25: {  	[tilespmem:s15], [sflag:$0x1] =	stream.indirect.gather [hbm4b:s4+s14], $0x98, s20, s14, $0xb8;
	[tilespmem:$0x1F9A0] =	vst v63  }
0x26: {  	p0 =	sne.s32 s19, $0x9B00;
	_ =	swait.ge [sflag:s16], $0x2F80  }
.Ltmp0:
0x27: {  	[sflag:s16] =	ssyncset.done $0x0;
	(pc) =	sbr.rel @p0 .LBB2_2-.Ltmp0, $4  }
0x28: {  	s19 =	sadd.s32 $0x2710, s20;
	[sflag:s16] =	ssyncadd.s32 $0xFFFFD080  }
0x29: {  	[spmem:s2] =	stream.indirect.scatter.add.f32 [tilespmem:s15], [sflag:$0x2], $0x98, s19, s14, $0xb8;
	[tilespmem:$0x1F9A0] =	vst v63  }
0x2a: {  	_ =	swait.ge [sflag:s12], $0x2F80  }
0x2b: {  	s19 =	smov.u32 s21;
	[sflag:s12] =	ssyncset.done $0x0  }
0x2c: {  	s18 =	sshra.s32 s18, $0x2;
	[sflag:s12] =	ssyncadd.s32 $0xFFFFD080  }
0x2d: {  	[tilespmem:s15], [sflag:$0x1] =	stream.indirect.gather [hbm4b:s4+s14], $0x98, s18, s14, $0xb8;
	[tilespmem:$0x1F9A0] =	vst v63  }
0x2e: {  	_ =	swait.ge [sflag:s16], $0x2F80  }
0x2f: {  	[sflag:s16] =	ssyncset.done $0x0  }
0x30: {  	s18 =	sadd.s32 $0x2710, s18;
	[sflag:s16] =	ssyncadd.s32 $0xFFFFD080  }
0x31: {  	[spmem:s2] =	stream.indirect.scatter.add.f32 [tilespmem:s15], [sflag:$0x2], $0x98, s18, s14, $0xb8;
	[tilespmem:$0x1F9A0] =	vst v63  }
0x32: {  	_ =	swait.ge [sflag:s12], $0x2F80  }
0x33: {  	s17 =	sadd.s32 $0x1, s17;
	[sflag:s12] =	ssyncset.done $0x0  }
0x34: {  	p0 =	sne.s32 s17, s10;
	[sflag:s12] =	ssyncadd.s32 $0xFFFFD080  }
.Ltmp1:
0x35: {  	[bflag:$0x0] =	sbarrier.arrive $0xFFFF;
	(pc) =	sbr.rel @p0 .LBB2_1-.Ltmp1, $4  }
0x36: {  	[hbm:s9], [sflag:s6] =	dma.local [spmem:s11], $0x2F80  }
0x37: {  	_ =	swait.ge [sflag:s12], $0x2F80  }
0x38: {  	[sflag:s12] =	ssyncset.done $0x0  }
0x39: {  	[sflag:s12] =	ssyncadd.s32 $0xFFFFD080  }
0x3a: {  	_ =	sfence.sel $0x180000  }
0x3b: {  	[bflag:$0x0] =	sbarrier.arrive $0xFFFF  }
0x3c: {  	p0 =	sne.s32 s0, $0x0;
	_ =	strace $0x90000056  }
0x3d: {  	s0 =	sadd.s32 @!p0 $0x100000, s1;
	[bflag:$0x2] =	sbarrier.arrive $0xFFFF  }
0x3e: {  	[sflag:s0] =	ssyncadd.tile.s32 @!p0 $0x1;
	_ =	shalt  }
.Lfunc_end2:
_tile_overlayer_lowered:
.L_overlay_start_2:
0x3f: {  	(tag) =	ssettag $0x2  }
0x40: {  	s0 =	rddreg [dreg:$0x0];
	s2 =	stileid.u32  }
0x41: {  	s1 =	rddreg [dreg:$0x1];
	p0 =	sne.s32 s2, $0x0  }
0x42: {  	s3 =	rddreg [dreg:$0x2];
	[bflag:$0x3] =	sbarrier.arrive $0xFFFF;
	s2 =	simm.s32 @!p0 $0x1C02  }
0x43: {  	[timem:s3], [sflag:s2] =	dma.local @!p0 [hbm:s0], s1  }
0x44: {  	s0 =	simm.s32 @!p0 $0x2  }
0x45: {  	_ =	swait.ge @!p0 [sflag:s0], s1  }
0x46: {  	s1 =	ssub.s32 @!p0 $0x0, s1;
	[sflag:s0] =	ssyncset.done @!p0 $0x0  }
0x47: {  	[sflag:s0] =	ssyncadd.s32 @!p0 s1  }
0x48: {  	[bflag:$0x3] =	sbarrier.arrive $0xFFFF  }
0x49: {  	_ =	shalt  }

</sc_bundles>
